<compile_context>
chip_gen: v7x
topology: tpu7x:2x2x1
jax: 0.10.2.dev20260603
libtpu: 0.0.44.dev20260713+nightly
codegen_flags: <defaults>
</compile_context>

<pallas_src>
import jax
import jax.numpy as jnp
from jax import lax
from jax.experimental import pallas as pl
from jax.experimental.pallas import tpu as pltpu
from jax.experimental.pallas import tpu_sc as plsc

N = 10000
NPAD = 10240
E = 320000
H = 128
P = 8192

NC = 2
NS = 16
NW = NC * NS
CH = 125
CNT = 80
NPH = 2
PH = CNT // NPH
NCH = NW * CNT
ROWS_PER_SUB = NPAD // NS
PAIRS_PER_W = P // NW
F32 = jnp.float32


def _mm_t(a, w):
    return lax.dot_general(a, w, (((1,), (1,)), ((), ())),
                           preferred_element_type=F32)


def _leaky(v):
    return jnp.where(v > 0, v, 0.1 * v)



def _tc1_body(x_ref, wemb_ref, bemb_ref, wl0_ref, wr0_ref, bl0_ref,
              m0_ref, r0_ref):
    h0 = _mm_t(x_ref[...], wemb_ref[...]) + bemb_ref[...]
    m0_ref[...] = _mm_t(h0, wl0_ref[...])
    r0_ref[...] = _mm_t(h0, wr0_ref[...]) + bl0_ref[...]


def _tc2_body(sp_ref, dg_ref, r0_ref, wl1_ref, wr1_ref, bl1_ref,
              m1_ref, r1_ref, inv_ref):
    s = sp_ref[pl.ds(0, N), :] + sp_ref[pl.ds(NPAD, N), :]
    deg = dg_ref[pl.ds(0, N), :] + dg_ref[pl.ds(NPAD, N), :]
    inv = 1.0 / jnp.maximum(deg, 1.0)
    h1 = _leaky(s * inv + r0_ref[...])
    m1_ref[...] = _mm_t(h1, wl1_ref[...])
    r1_ref[...] = _mm_t(h1, wr1_ref[...]) + bl1_ref[...]
    inv_ref[...] = inv


def _tc3_body(sp_ref, inv_ref, r1_ref, h2_ref):
    s = sp_ref[pl.ds(0, N), :] + sp_ref[pl.ds(NPAD, N), :]
    h2_ref[...] = s * inv_ref[...] + r1_ref[...]


def _tc4_body(g0_ref, g1_ref, w1a_ref, w1b_ref, b1_ref, w2_ref, b2_ref,
              out_ref):
    t = _mm_t(g0_ref[...], w1a_ref[...]) + _mm_t(g1_ref[...], w1b_ref[...])
    t = _leaky(t + b1_ref[...])
    out_ref[...] = jnp.sum(t * w2_ref[...], axis=1, keepdims=True) + b2_ref[...]



_MESH = plsc.VectorSubcoreMesh(core_axis_name="c", subcore_axis_name="s",
                               num_cores=NC, num_subcores=NS)


def _scatter_body(m_hbm, src2_hbm, dst2_hbm, z128_hbm,
                  sp_hbm, acc, sidx, didx, rows0, rows1, gsem0, gsem1):
    c = lax.axis_index("c")
    s = lax.axis_index("s")
    t = c * NS + s
    nbase = s * ROWS_PER_SUB
    pltpu.sync_copy(z128_hbm, acc.at[pl.ds(nbase, ROWS_PER_SUB)])
    plsc.subcore_barrier()

    for p in range(NPH):
        cb = t * CNT + p * PH
        pltpu.sync_copy(src2_hbm.at[pl.ds(cb, PH)], sidx)
        pltpu.sync_copy(dst2_hbm.at[pl.ds(cb, PH)], didx)
        pltpu.async_copy(m_hbm.at[sidx.at[0]], rows0, gsem0)

        def step(i, carry):
            k0 = 2 * i
            k1 = k0 + 1
            pltpu.async_copy(m_hbm.at[sidx.at[k1]], rows1, gsem1)
            pltpu.make_async_copy(m_hbm.at[sidx.at[k0]], rows0, gsem0).wait()
            pltpu.sync_copy(rows0, acc.at[didx.at[k0]], add=True)
            k2 = jnp.where(k0 + 2 < PH, k0 + 2, 0)
            pltpu.async_copy(m_hbm.at[sidx.at[k2]], rows0, gsem0)
            pltpu.make_async_copy(m_hbm.at[sidx.at[k1]], rows1, gsem1).wait()
            pltpu.sync_copy(rows1, acc.at[didx.at[k1]], add=True)
            return carry

        lax.fori_loop(0, PH // 2, step, 0)
        pltpu.make_async_copy(m_hbm.at[sidx.at[0]], rows0, gsem0).wait()
    plsc.subcore_barrier()
    obase = c * NPAD + nbase
    pltpu.sync_copy(acc.at[pl.ds(nbase, ROWS_PER_SUB)],
                    sp_hbm.at[pl.ds(obase, ROWS_PER_SUB)])


def _deg_body(dst1_hbm, z1d_hbm, dg_hbm, shared, didx, dcnt, buf, res):
    c = lax.axis_index("c")
    s = lax.axis_index("s")
    t = c * NS + s
    pltpu.sync_copy(z1d_hbm, dcnt)
    eb = t * CNT * CH
    pltpu.sync_copy(dst1_hbm.at[pl.ds(eb, CNT * CH)], didx)
    ones_v = jnp.ones((16,), F32)

    def step(g, carry):
        for j in range(5):
            idxv = didx[pl.ds((g * 5 + j) * 16, 16)]
            plsc.addupdate_scatter(dcnt, [idxv], ones_v)
        return carry

    lax.fori_loop(0, CNT * CH // (5 * 16), step, 0)
    pltpu.sync_copy(dcnt, shared.at[s])
    plsc.subcore_barrier()
    nbase = s * ROWS_PER_SUB
    for q in range(NS):
        pltpu.sync_copy(shared.at[q, pl.ds(nbase, ROWS_PER_SUB)],
                        buf.at[pl.ds(q * ROWS_PER_SUB, ROWS_PER_SUB)])

    def red(r, carry):
        v = buf[pl.ds(r * 16, 16)]
        for q in range(1, NS):
            v = v + buf[pl.ds(q * ROWS_PER_SUB + r * 16, 16)]
        res[pl.ds(r * 16, 16)] = v
        return carry

    lax.fori_loop(0, ROWS_PER_SUB // 16, red, 0)
    pltpu.sync_copy(res, dg_hbm.at[pl.ds(c * NPAD + nbase, ROWS_PER_SUB)])


def _pair_gather_body(h2_hbm, p0_hbm, p1_hbm, g0_hbm, g1_hbm,
                      idx0, idx1, rows0, rows1, sem0, sem1):
    c = lax.axis_index("c")
    s = lax.axis_index("s")
    t = c * NS + s
    base = t * PAIRS_PER_W
    for k in range(PAIRS_PER_W // 128):
        off = base + k * 128
        pltpu.sync_copy(p0_hbm.at[pl.ds(off, 128)], idx0)
        pltpu.sync_copy(p1_hbm.at[pl.ds(off, 128)], idx1)
        cp0 = pltpu.async_copy(h2_hbm.at[idx0], rows0, sem0)
        cp1 = pltpu.async_copy(h2_hbm.at[idx1], rows1, sem1)
        cp0.wait()
        pltpu.sync_copy(rows0, g0_hbm.at[pl.ds(off, 128)])
        cp1.wait()
        pltpu.sync_copy(rows1, g1_hbm.at[pl.ds(off, 128)])


_conv_scatter = pl.kernel(
    _scatter_body,
    out_type=jax.ShapeDtypeStruct((NC * NPAD, H), F32),
    mesh=_MESH,
    scratch_types=[
        pltpu.VMEM_SHARED((NPAD, H), F32),
        pltpu.VMEM((PH, CH), jnp.int32),
        pltpu.VMEM((PH, CH), jnp.int32),
        pltpu.VMEM((CH, H), F32),
        pltpu.VMEM((CH, H), F32),
        pltpu.SemaphoreType.DMA,
        pltpu.SemaphoreType.DMA,
    ],
)

_deg_scatter = pl.kernel(
    _deg_body,
    out_type=jax.ShapeDtypeStruct((NC * NPAD,), F32),
    mesh=_MESH,
    scratch_types=[
        pltpu.VMEM_SHARED((NS, NPAD), F32),
        pltpu.VMEM((CNT * CH,), jnp.int32),
        pltpu.VMEM((NPAD,), F32),
        pltpu.VMEM((NS * ROWS_PER_SUB,), F32),
        pltpu.VMEM((ROWS_PER_SUB,), F32),
    ],
    compiler_params=pltpu.CompilerParams(needs_layout_passes=False),
)

_pair_gather = pl.kernel(
    _pair_gather_body,
    out_type=(jax.ShapeDtypeStruct((P, H), F32),
              jax.ShapeDtypeStruct((P, H), F32)),
    mesh=_MESH,
    scratch_types=[
        pltpu.VMEM((128,), jnp.int32),
        pltpu.VMEM((128,), jnp.int32),
        pltpu.VMEM((128, H), F32),
        pltpu.VMEM((128, H), F32),
        pltpu.SemaphoreType.DMA,
        pltpu.SemaphoreType.DMA,
    ],
)


def _tc_call(body, out_shapes, *args):
    return pl.pallas_call(body, out_shape=out_shapes)(*args)


def kernel(x, edge_index, edge_attr, pairs, W_emb, b_emb, Wl0, bl0, Wr0,
           Wl1, bl1, Wr1, W1, b1, W2, b2):
    del edge_attr
    src2 = edge_index[0].reshape(NCH, CH)
    dst2 = edge_index[1].reshape(NCH, CH)
    pt = pairs.T
    p0 = jnp.asarray(pt[0])
    p1 = jnp.asarray(pt[1])
    z128 = jnp.zeros((ROWS_PER_SUB, H), F32)
    z1d = jnp.zeros((NPAD,), F32)
    sds = jax.ShapeDtypeStruct

    dg = _deg_scatter(dst2.reshape(-1), z1d).reshape(2 * NPAD, 1)
    m0, r0 = _tc_call(_tc1_body, (sds((N, H), F32), sds((N, H), F32)),
                      x, W_emb, b_emb.reshape(1, H), Wl0, Wr0,
                      bl0.reshape(1, H))
    sp0 = _conv_scatter(m0, src2, dst2, z128)
    m1, r1, inv = _tc_call(
        _tc2_body, (sds((N, H), F32), sds((N, H), F32), sds((N, 1), F32)),
        sp0, dg, r0, Wl1, Wr1, bl1.reshape(1, H))
    sp1 = _conv_scatter(m1, src2, dst2, z128)
    h2 = _tc_call(_tc3_body, sds((N, H), F32), sp1, inv, r1)
    g0, g1 = _pair_gather(h2, p0, p1)
    out = _tc_call(_tc4_body, sds((P, 1), F32),
                   g0, g1, W1[:, :H], W1[:, H:], b1.reshape(1, H),
                   W2, jnp.broadcast_to(b2.reshape(1, 1), (P, 1)))
    return out

# --- scband reference (transcript-rebuilt; emitter-appended) ---
"""Pipeline reference for scband-graph-sage-pairwise-16183436771650 (READ-ONLY COPY).

The authoritative reference and input builder live on the scoring server;
editing this copy changes nothing except your own understanding.
"""

import jax, jax.numpy as jnp
import numpy as np

N = 10000
E = 320000
D = 128
H = 128
P = 8192
OUT = 1


def leaky(v):
    return jnp.where(v > 0, v, 0.1 * v)


def sage_conv(x, src, dst, Wl, bl, Wr):
    # PyG SAGEConv default: mean aggregation over incoming edges,
    # out = lin_l(mean_j x_j) + lin_r(x_i); lin_l has bias, lin_r has no bias.
    msg = jnp.take(x, src, axis=0)
    agg = jax.ops.segment_sum(msg, dst, num_segments=N)
    deg = jax.ops.segment_sum(jnp.ones((src.shape[0],), dtype=x.dtype), dst, num_segments=N)
    agg = agg / jnp.clip(deg, 1.0, None)[:, None]
    return agg @ Wl.T + bl + x @ Wr.T


def setup_inputs(seed: int = 0) -> dict:
    key = jax.random.key(seed)
    ks = jax.random.split(key, 20)
    inp = {}
    inp["x"] = jax.random.normal(ks[0], (N, D), dtype=jnp.float32)
    inp["edge_index"] = jax.random.randint(ks[1], (2, E), 0, N, dtype=jnp.int32)
    inp["edge_attr"] = jax.random.normal(ks[2], (E, 4), dtype=jnp.float32)
    inp["pairs"] = jax.random.randint(ks[3], (P, 2), 0, N, dtype=jnp.int32)
    # learned parameters (torch Linear convention: W[out,in])
    inp["W_emb"] = jax.random.normal(ks[4], (H, D), dtype=jnp.float32) * 0.05
    inp["b_emb"] = jnp.zeros((H,), dtype=jnp.float32)
    inp["Wl0"] = jax.random.normal(ks[5], (H, H), dtype=jnp.float32) * 0.05
    inp["bl0"] = jnp.zeros((H,), dtype=jnp.float32)
    inp["Wr0"] = jax.random.normal(ks[6], (H, H), dtype=jnp.float32) * 0.05
    inp["Wl1"] = jax.random.normal(ks[7], (H, H), dtype=jnp.float32) * 0.05
    inp["bl1"] = jnp.zeros((H,), dtype=jnp.float32)
    inp["Wr1"] = jax.random.normal(ks[8], (H, H), dtype=jnp.float32) * 0.05
    inp["W1"] = jax.random.normal(ks[9], (H, 2 * H), dtype=jnp.float32) * 0.05
    inp["b1"] = jnp.zeros((H,), dtype=jnp.float32)
    inp["W2"] = jax.random.normal(ks[10], (OUT, H), dtype=jnp.float32) * 0.05
    inp["b2"] = jnp.zeros((OUT,), dtype=jnp.float32)
    return inp


def reference(x, edge_index, edge_attr, pairs, W_emb, b_emb, Wl0, bl0, Wr0, Wl1, bl1, Wr1, W1, b1, W2, b2):
    src = edge_index[0]
    dst = edge_index[1]
    h = x @ W_emb.T + b_emb
    # num_layers = 2: first conv + activation (dropout=None), then last conv
    h = sage_conv(h, src, dst, Wl0, bl0, Wr0)
    h = leaky(h)
    h = sage_conv(h, src, dst, Wl1, bl1, Wr1)
    hp = jnp.take(h, pairs, axis=0)  # [P, 2, H]
    hp = hp.reshape(pairs.shape[0], 2 * h.shape[1])
    out = hp @ W1.T + b1
    out = leaky(out)
    out = out @ W2.T + b2
    return out

if __name__ == "__main__":
    import jax
    _d = setup_inputs()
    print(jax.jit(kernel)(*tuple(_d.values())))

</pallas_src>

<mosaic_0001>
#map = affine_map<(d0, d1) -> (0, 0)>
#map1 = affine_map<(d0, d1) -> (0)>
module attributes {stable_mosaic.version = 14 : i64} {
  func.func @_pair_gather_body(%arg0: i32, %arg1: i32, %arg2: memref<10000x128xf32, #tpu.memory_space<hbm>>, %arg3: memref<8192xi32, #tpu.memory_space<hbm>>, %arg4: memref<8192xi32, #tpu.memory_space<hbm>>, %arg5: memref<8192x128xf32, #tpu.memory_space<hbm>>, %arg6: memref<8192x128xf32, #tpu.memory_space<hbm>>, %arg7: memref<128xi32, #tpu.memory_space<vmem>>, %arg8: memref<128xi32, #tpu.memory_space<vmem>>, %arg9: memref<128x128xf32, #tpu.memory_space<vmem>>, %arg10: memref<128x128xf32, #tpu.memory_space<vmem>>, %arg11: memref<!tpu.dma_semaphore, #tpu.memory_space<semaphore_mem>>, %arg12: memref<!tpu.dma_semaphore, #tpu.memory_space<semaphore_mem>>) attributes {dimension_semantics = [#tpu.dimension_semantics<core_parallel>, #tpu.dimension_semantics<subcore_parallel>], iteration_bounds = array<i64: 2, 16>, scalar_prefetch = 0 : i64, scratch_operands = 6 : i64, tpu.core_type = #tpu.core_type<sc_vector_subcore>, window_params = [{transform_indices = #map}, {transform_indices = #map1}, {transform_indices = #map1}, {transform_indices = #map}, {transform_indices = #map}]} {
    %mul3A = arith.constant 16 : i32
    %mul3A_0 = arith.muli %arg0, %mul3A : i32
    %add3A = arith.addi %mul3A_0, %arg1 : i32
    %mul3A_1 = arith.constant 256 : i32
    %mul3A_2 = arith.muli %add3A, %mul3A_1 : i32
    %add3A_3 = arith.constant 0 : i32
    %add3A_4 = arith.addi %mul3A_2, %add3A_3 : i32
    "tpu.region"() ({
      %run_scoped3A = tpu.sem_alloc : memref<!tpu.dma_semaphore, #tpu.memory_space<semaphore_mem>>
      %dma_start3A_29 = tpu.memref_slice %arg3[%add3A_4] : memref<8192xi32, #tpu.memory_space<hbm>> -> memref<128xi32, #tpu.memory_space<hbm>>
      %dma_start3A_30 = tpu.memref_slice %arg3[%add3A_4] : memref<8192xi32, #tpu.memory_space<hbm>> -> memref<128xi32, #tpu.memory_space<hbm>>
      tpu.enqueue_dma source(%dma_start3A_30 : memref<128xi32, #tpu.memory_space<hbm>>) target(%arg7 : memref<128xi32, #tpu.memory_space<vmem>>) target_semaphore(%run_scoped3A : memref<!tpu.dma_semaphore, #tpu.memory_space<semaphore_mem>>)
      %dma_wait3A_31 = tpu.memref_slice %arg3[%add3A_4] : memref<8192xi32, #tpu.memory_space<hbm>> -> memref<128xi32, #tpu.memory_space<hbm>>
      %dma_wait3A_32 = tpu.memref_slice %arg3[%add3A_4] : memref<8192xi32, #tpu.memory_space<hbm>> -> memref<128xi32, #tpu.memory_space<hbm>>
      tpu.wait_dma2 semaphore(%run_scoped3A : memref<!tpu.dma_semaphore, #tpu.memory_space<semaphore_mem>>) src(%dma_wait3A_32 : memref<128xi32, #tpu.memory_space<hbm>>) dst(%arg7 : memref<128xi32, #tpu.memory_space<vmem>>)
      tpu.yield
    }) : () -> ()
    "tpu.region"() ({
      %run_scoped3A = tpu.sem_alloc : memref<!tpu.dma_semaphore, #tpu.memory_space<semaphore_mem>>
      %dma_start3A_29 = tpu.memref_slice %arg4[%add3A_4] : memref<8192xi32, #tpu.memory_space<hbm>> -> memref<128xi32, #tpu.memory_space<hbm>>
      %dma_start3A_30 = tpu.memref_slice %arg4[%add3A_4] : memref<8192xi32, #tpu.memory_space<hbm>> -> memref<128xi32, #tpu.memory_space<hbm>>
      tpu.enqueue_dma source(%dma_start3A_30 : memref<128xi32, #tpu.memory_space<hbm>>) target(%arg8 : memref<128xi32, #tpu.memory_space<vmem>>) target_semaphore(%run_scoped3A : memref<!tpu.dma_semaphore, #tpu.memory_space<semaphore_mem>>)
      %dma_wait3A_31 = tpu.memref_slice %arg4[%add3A_4] : memref<8192xi32, #tpu.memory_space<hbm>> -> memref<128xi32, #tpu.memory_space<hbm>>
      %dma_wait3A_32 = tpu.memref_slice %arg4[%add3A_4] : memref<8192xi32, #tpu.memory_space<hbm>> -> memref<128xi32, #tpu.memory_space<hbm>>
      tpu.wait_dma2 semaphore(%run_scoped3A : memref<!tpu.dma_semaphore, #tpu.memory_space<semaphore_mem>>) src(%dma_wait3A_32 : memref<128xi32, #tpu.memory_space<hbm>>) dst(%arg8 : memref<128xi32, #tpu.memory_space<vmem>>)
      tpu.yield
    }) : () -> ()
    %dma_start3A = arith.constant 0 : i32
    %dma_start3A_5 = arith.constant 0 : i32
    %dma_start3A_6 = tpu.memref_slice %arg2[%dma_start3A, %dma_start3A_5] : memref<10000x128xf32, #tpu.memory_space<hbm>> -> memref<10000x128xf32, #tpu.memory_space<hbm>>
    tpu.enqueue_indirect_dma source(%dma_start3A_6 : memref<10000x128xf32, #tpu.memory_space<hbm>>) target(%arg9 : memref<128x128xf32, #tpu.memory_space<vmem>>) offsets(%arg7 : memref<128xi32, #tpu.memory_space<vmem>>) semaphore(%arg11 : memref<!tpu.dma_semaphore, #tpu.memory_space<semaphore_mem>>)
    %dma_start3A_7 = arith.constant 0 : i32
    %dma_start3A_8 = arith.constant 0 : i32
    %dma_start3A_9 = tpu.memref_slice %arg2[%dma_start3A_7, %dma_start3A_8] : memref<10000x128xf32, #tpu.memory_space<hbm>> -> memref<10000x128xf32, #tpu.memory_space<hbm>>
    tpu.enqueue_indirect_dma source(%dma_start3A_9 : memref<10000x128xf32, #tpu.memory_space<hbm>>) target(%arg10 : memref<128x128xf32, #tpu.memory_space<vmem>>) offsets(%arg8 : memref<128xi32, #tpu.memory_space<vmem>>) semaphore(%arg12 : memref<!tpu.dma_semaphore, #tpu.memory_space<semaphore_mem>>)
    %dma_wait3A = arith.constant 0 : i32
    %dma_wait3A_10 = arith.constant 0 : i32
    %dma_wait3A_11 = tpu.memref_slice %arg2[%dma_wait3A, %dma_wait3A_10] : memref<10000x128xf32, #tpu.memory_space<hbm>> -> memref<10000x128xf32, #tpu.memory_space<hbm>>
    tpu.wait_indirect_dma semaphore(%arg11 : memref<!tpu.dma_semaphore, #tpu.memory_space<semaphore_mem>>) src(%dma_wait3A_11 : memref<10000x128xf32, #tpu.memory_space<hbm>>) dst(%arg9 : memref<128x128xf32, #tpu.memory_space<vmem>>)
    "tpu.region"() ({
      %run_scoped3A = tpu.sem_alloc : memref<!tpu.dma_semaphore, #tpu.memory_space<semaphore_mem>>
      %dma_start3A_29 = arith.constant 0 : i32
      %dma_start3A_30 = tpu.memref_slice %arg5[%add3A_4, %dma_start3A_29] : memref<8192x128xf32, #tpu.memory_space<hbm>> -> memref<128x128xf32, #tpu.memory_space<hbm>>
      %dma_start3A_31 = arith.constant 0 : i32
      %dma_start3A_32 = tpu.memref_slice %arg5[%add3A_4, %dma_start3A_31] : memref<8192x128xf32, #tpu.memory_space<hbm>> -> memref<128x128xf32, #tpu.memory_space<hbm>>
      tpu.enqueue_dma source(%arg9 : memref<128x128xf32, #tpu.memory_space<vmem>>) target(%dma_start3A_32 : memref<128x128xf32, #tpu.memory_space<hbm>>) target_semaphore(%run_scoped3A : memref<!tpu.dma_semaphore, #tpu.memory_space<semaphore_mem>>)
      %dma_wait3A_33 = arith.constant 0 : i32
      %dma_wait3A_34 = tpu.memref_slice %arg5[%add3A_4, %dma_wait3A_33] : memref<8192x128xf32, #tpu.memory_space<hbm>> -> memref<128x128xf32, #tpu.memory_space<hbm>>
      %dma_wait3A_35 = arith.constant 0 : i32
      %dma_wait3A_36 = tpu.memref_slice %arg5[%add3A_4, %dma_wait3A_35] : memref<8192x128xf32, #tpu.memory_space<hbm>> -> memref<128x128xf32, #tpu.memory_space<hbm>>
      tpu.wait_dma2 semaphore(%run_scoped3A : memref<!tpu.dma_semaphore, #tpu.memory_space<semaphore_mem>>) src(%arg9 : memref<128x128xf32, #tpu.memory_space<vmem>>) dst(%dma_wait3A_36 : memref<128x128xf32, #tpu.memory_space<hbm>>)
      tpu.yield
    }) : () -> ()
    %dma_wait3A_12 = arith.constant 0 : i32
    %dma_wait3A_13 = arith.constant 0 : i32
    %dma_wait3A_14 = tpu.memref_slice %arg2[%dma_wait3A_12, %dma_wait3A_13] : memref<10000x128xf32, #tpu.memory_space<hbm>> -> memref<10000x128xf32, #tpu.memory_space<hbm>>
    tpu.wait_indirect_dma semaphore(%arg12 : memref<!tpu.dma_semaphore, #tpu.memory_space<semaphore_mem>>) src(%dma_wait3A_14 : memref<10000x128xf32, #tpu.memory_space<hbm>>) dst(%arg10 : memref<128x128xf32, #tpu.memory_space<vmem>>)
    "tpu.region"() ({
      %run_scoped3A = tpu.sem_alloc : memref<!tpu.dma_semaphore, #tpu.memory_space<semaphore_mem>>
      %dma_start3A_29 = arith.constant 0 : i32
      %dma_start3A_30 = tpu.memref_slice %arg6[%add3A_4, %dma_start3A_29] : memref<8192x128xf32, #tpu.memory_space<hbm>> -> memref<128x128xf32, #tpu.memory_space<hbm>>
      %dma_start3A_31 = arith.constant 0 : i32
      %dma_start3A_32 = tpu.memref_slice %arg6[%add3A_4, %dma_start3A_31] : memref<8192x128xf32, #tpu.memory_space<hbm>> -> memref<128x128xf32, #tpu.memory_space<hbm>>
      tpu.enqueue_dma source(%arg10 : memref<128x128xf32, #tpu.memory_space<vmem>>) target(%dma_start3A_32 : memref<128x128xf32, #tpu.memory_space<hbm>>) target_semaphore(%run_scoped3A : memref<!tpu.dma_semaphore, #tpu.memory_space<semaphore_mem>>)
      %dma_wait3A_33 = arith.constant 0 : i32
      %dma_wait3A_34 = tpu.memref_slice %arg6[%add3A_4, %dma_wait3A_33] : memref<8192x128xf32, #tpu.memory_space<hbm>> -> memref<128x128xf32, #tpu.memory_space<hbm>>
      %dma_wait3A_35 = arith.constant 0 : i32
      %dma_wait3A_36 = tpu.memref_slice %arg6[%add3A_4, %dma_wait3A_35] : memref<8192x128xf32, #tpu.memory_space<hbm>> -> memref<128x128xf32, #tpu.memory_space<hbm>>
      tpu.wait_dma2 semaphore(%run_scoped3A : memref<!tpu.dma_semaphore, #tpu.memory_space<semaphore_mem>>) src(%arg10 : memref<128x128xf32, #tpu.memory_space<vmem>>) dst(%dma_wait3A_36 : memref<128x128xf32, #tpu.memory_space<hbm>>)
      tpu.yield
    }) : () -> ()
    %add3A_15 = arith.constant 128 : i32
    %add3A_16 = arith.addi %mul3A_2, %add3A_15 : i32
    "tpu.region"() ({
      %run_scoped3A = tpu.sem_alloc : memref<!tpu.dma_semaphore, #tpu.memory_space<semaphore_mem>>
      %dma_start3A_29 = tpu.memref_slice %arg3[%add3A_16] : memref<8192xi32, #tpu.memory_space<hbm>> -> memref<128xi32, #tpu.memory_space<hbm>>
      %dma_start3A_30 = tpu.memref_slice %arg3[%add3A_16] : memref<8192xi32, #tpu.memory_space<hbm>> -> memref<128xi32, #tpu.memory_space<hbm>>
      tpu.enqueue_dma source(%dma_start3A_30 : memref<128xi32, #tpu.memory_space<hbm>>) target(%arg7 : memref<128xi32, #tpu.memory_space<vmem>>) target_semaphore(%run_scoped3A : memref<!tpu.dma_semaphore, #tpu.memory_space<semaphore_mem>>)
      %dma_wait3A_31 = tpu.memref_slice %arg3[%add3A_16] : memref<8192xi32, #tpu.memory_space<hbm>> -> memref<128xi32, #tpu.memory_space<hbm>>
      %dma_wait3A_32 = tpu.memref_slice %arg3[%add3A_16] : memref<8192xi32, #tpu.memory_space<hbm>> -> memref<128xi32, #tpu.memory_space<hbm>>
      tpu.wait_dma2 semaphore(%run_scoped3A : memref<!tpu.dma_semaphore, #tpu.memory_space<semaphore_mem>>) src(%dma_wait3A_32 : memref<128xi32, #tpu.memory_space<hbm>>) dst(%arg7 : memref<128xi32, #tpu.memory_space<vmem>>)
      tpu.yield
    }) : () -> ()
    "tpu.region"() ({
      %run_scoped3A = tpu.sem_alloc : memref<!tpu.dma_semaphore, #tpu.memory_space<semaphore_mem>>
      %dma_start3A_29 = tpu.memref_slice %arg4[%add3A_16] : memref<8192xi32, #tpu.memory_space<hbm>> -> memref<128xi32, #tpu.memory_space<hbm>>
      %dma_start3A_30 = tpu.memref_slice %arg4[%add3A_16] : memref<8192xi32, #tpu.memory_space<hbm>> -> memref<128xi32, #tpu.memory_space<hbm>>
      tpu.enqueue_dma source(%dma_start3A_30 : memref<128xi32, #tpu.memory_space<hbm>>) target(%arg8 : memref<128xi32, #tpu.memory_space<vmem>>) target_semaphore(%run_scoped3A : memref<!tpu.dma_semaphore, #tpu.memory_space<semaphore_mem>>)
      %dma_wait3A_31 = tpu.memref_slice %arg4[%add3A_16] : memref<8192xi32, #tpu.memory_space<hbm>> -> memref<128xi32, #tpu.memory_space<hbm>>
      %dma_wait3A_32 = tpu.memref_slice %arg4[%add3A_16] : memref<8192xi32, #tpu.memory_space<hbm>> -> memref<128xi32, #tpu.memory_space<hbm>>
      tpu.wait_dma2 semaphore(%run_scoped3A : memref<!tpu.dma_semaphore, #tpu.memory_space<semaphore_mem>>) src(%dma_wait3A_32 : memref<128xi32, #tpu.memory_space<hbm>>) dst(%arg8 : memref<128xi32, #tpu.memory_space<vmem>>)
      tpu.yield
    }) : () -> ()
    %dma_start3A_17 = arith.constant 0 : i32
    %dma_start3A_18 = arith.constant 0 : i32
    %dma_start3A_19 = tpu.memref_slice %arg2[%dma_start3A_17, %dma_start3A_18] : memref<10000x128xf32, #tpu.memory_space<hbm>> -> memref<10000x128xf32, #tpu.memory_space<hbm>>
    tpu.enqueue_indirect_dma source(%dma_start3A_19 : memref<10000x128xf32, #tpu.memory_space<hbm>>) target(%arg9 : memref<128x128xf32, #tpu.memory_space<vmem>>) offsets(%arg7 : memref<128xi32, #tpu.memory_space<vmem>>) semaphore(%arg11 : memref<!tpu.dma_semaphore, #tpu.memory_space<semaphore_mem>>)
    %dma_start3A_20 = arith.constant 0 : i32
    %dma_start3A_21 = arith.constant 0 : i32
    %dma_start3A_22 = tpu.memref_slice %arg2[%dma_start3A_20, %dma_start3A_21] : memref<10000x128xf32, #tpu.memory_space<hbm>> -> memref<10000x128xf32, #tpu.memory_space<hbm>>
    tpu.enqueue_indirect_dma source(%dma_start3A_22 : memref<10000x128xf32, #tpu.memory_space<hbm>>) target(%arg10 : memref<128x128xf32, #tpu.memory_space<vmem>>) offsets(%arg8 : memref<128xi32, #tpu.memory_space<vmem>>) semaphore(%arg12 : memref<!tpu.dma_semaphore, #tpu.memory_space<semaphore_mem>>)
    %dma_wait3A_23 = arith.constant 0 : i32
    %dma_wait3A_24 = arith.constant 0 : i32
    %dma_wait3A_25 = tpu.memref_slice %arg2[%dma_wait3A_23, %dma_wait3A_24] : memref<10000x128xf32, #tpu.memory_space<hbm>> -> memref<10000x128xf32, #tpu.memory_space<hbm>>
    tpu.wait_indirect_dma semaphore(%arg11 : memref<!tpu.dma_semaphore, #tpu.memory_space<semaphore_mem>>) src(%dma_wait3A_25 : memref<10000x128xf32, #tpu.memory_space<hbm>>) dst(%arg9 : memref<128x128xf32, #tpu.memory_space<vmem>>)
    "tpu.region"() ({
      %run_scoped3A = tpu.sem_alloc : memref<!tpu.dma_semaphore, #tpu.memory_space<semaphore_mem>>
      %dma_start3A_29 = arith.constant 0 : i32
      %dma_start3A_30 = tpu.memref_slice %arg5[%add3A_16, %dma_start3A_29] : memref<8192x128xf32, #tpu.memory_space<hbm>> -> memref<128x128xf32, #tpu.memory_space<hbm>>
      %dma_start3A_31 = arith.constant 0 : i32
      %dma_start3A_32 = tpu.memref_slice %arg5[%add3A_16, %dma_start3A_31] : memref<8192x128xf32, #tpu.memory_space<hbm>> -> memref<128x128xf32, #tpu.memory_space<hbm>>
      tpu.enqueue_dma source(%arg9 : memref<128x128xf32, #tpu.memory_space<vmem>>) target(%dma_start3A_32 : memref<128x128xf32, #tpu.memory_space<hbm>>) target_semaphore(%run_scoped3A : memref<!tpu.dma_semaphore, #tpu.memory_space<semaphore_mem>>)
      %dma_wait3A_33 = arith.constant 0 : i32
      %dma_wait3A_34 = tpu.memref_slice %arg5[%add3A_16, %dma_wait3A_33] : memref<8192x128xf32, #tpu.memory_space<hbm>> -> memref<128x128xf32, #tpu.memory_space<hbm>>
      %dma_wait3A_35 = arith.constant 0 : i32
      %dma_wait3A_36 = tpu.memref_slice %arg5[%add3A_16, %dma_wait3A_35] : memref<8192x128xf32, #tpu.memory_space<hbm>> -> memref<128x128xf32, #tpu.memory_space<hbm>>
      tpu.wait_dma2 semaphore(%run_scoped3A : memref<!tpu.dma_semaphore, #tpu.memory_space<semaphore_mem>>) src(%arg9 : memref<128x128xf32, #tpu.memory_space<vmem>>) dst(%dma_wait3A_36 : memref<128x128xf32, #tpu.memory_space<hbm>>)
      tpu.yield
    }) : () -> ()
    %dma_wait3A_26 = arith.constant 0 : i32
    %dma_wait3A_27 = arith.constant 0 : i32
    %dma_wait3A_28 = tpu.memref_slice %arg2[%dma_wait3A_26, %dma_wait3A_27] : memref<10000x128xf32, #tpu.memory_space<hbm>> -> memref<10000x128xf32, #tpu.memory_space<hbm>>
    tpu.wait_indirect_dma semaphore(%arg12 : memref<!tpu.dma_semaphore, #tpu.memory_space<semaphore_mem>>) src(%dma_wait3A_28 : memref<10000x128xf32, #tpu.memory_space<hbm>>) dst(%arg10 : memref<128x128xf32, #tpu.memory_space<vmem>>)
    "tpu.region"() ({
      %run_scoped3A = tpu.sem_alloc : memref<!tpu.dma_semaphore, #tpu.memory_space<semaphore_mem>>
      %dma_start3A_29 = arith.constant 0 : i32
      %dma_start3A_30 = tpu.memref_slice %arg6[%add3A_16, %dma_start3A_29] : memref<8192x128xf32, #tpu.memory_space<hbm>> -> memref<128x128xf32, #tpu.memory_space<hbm>>
      %dma_start3A_31 = arith.constant 0 : i32
      %dma_start3A_32 = tpu.memref_slice %arg6[%add3A_16, %dma_start3A_31] : memref<8192x128xf32, #tpu.memory_space<hbm>> -> memref<128x128xf32, #tpu.memory_space<hbm>>
      tpu.enqueue_dma source(%arg10 : memref<128x128xf32, #tpu.memory_space<vmem>>) target(%dma_start3A_32 : memref<128x128xf32, #tpu.memory_space<hbm>>) target_semaphore(%run_scoped3A : memref<!tpu.dma_semaphore, #tpu.memory_space<semaphore_mem>>)
      %dma_wait3A_33 = arith.constant 0 : i32
      %dma_wait3A_34 = tpu.memref_slice %arg6[%add3A_16, %dma_wait3A_33] : memref<8192x128xf32, #tpu.memory_space<hbm>> -> memref<128x128xf32, #tpu.memory_space<hbm>>
      %dma_wait3A_35 = arith.constant 0 : i32
      %dma_wait3A_36 = tpu.memref_slice %arg6[%add3A_16, %dma_wait3A_35] : memref<8192x128xf32, #tpu.memory_space<hbm>> -> memref<128x128xf32, #tpu.memory_space<hbm>>
      tpu.wait_dma2 semaphore(%run_scoped3A : memref<!tpu.dma_semaphore, #tpu.memory_space<semaphore_mem>>) src(%arg10 : memref<128x128xf32, #tpu.memory_space<vmem>>) dst(%dma_wait3A_36 : memref<128x128xf32, #tpu.memory_space<hbm>>)
      tpu.yield
    }) : () -> ()
    return
  }
}

#map = affine_map<(d0, d1) -> (0, 0)>
module attributes {stable_mosaic.version = 14 : i64} {
  func.func @_scatter_body(%arg0: i32, %arg1: i32, %arg2: memref<10000x128xf32, #tpu.memory_space<hbm>>, %arg3: memref<2560x125xi32, #tpu.memory_space<hbm>>, %arg4: memref<2560x125xi32, #tpu.memory_space<hbm>>, %arg5: memref<640x128xf32, #tpu.memory_space<hbm>>, %arg6: memref<20480x128xf32, #tpu.memory_space<hbm>>, %arg7: memref<10240x128xf32, #tpu.memory_space<vmem_shared>>, %arg8: memref<40x125xi32, #tpu.memory_space<vmem>>, %arg9: memref<40x125xi32, #tpu.memory_space<vmem>>, %arg10: memref<125x128xf32, #tpu.memory_space<vmem>>, %arg11: memref<125x128xf32, #tpu.memory_space<vmem>>, %arg12: memref<!tpu.dma_semaphore, #tpu.memory_space<semaphore_mem>>, %arg13: memref<!tpu.dma_semaphore, #tpu.memory_space<semaphore_mem>>) attributes {dimension_semantics = [#tpu.dimension_semantics<core_parallel>, #tpu.dimension_semantics<subcore_parallel>], iteration_bounds = array<i64: 2, 16>, scalar_prefetch = 0 : i64, scratch_operands = 7 : i64, tpu.core_type = #tpu.core_type<sc_vector_subcore>, window_params = [{transform_indices = #map}, {transform_indices = #map}, {transform_indices = #map}, {transform_indices = #map}, {transform_indices = #map}]} {
    %mul3A = arith.constant 16 : i32
    %mul3A_0 = arith.muli %arg0, %mul3A : i32
    %add3A = arith.addi %mul3A_0, %arg1 : i32
    %mul3A_1 = arith.constant 640 : i32
    %mul3A_2 = arith.muli %arg1, %mul3A_1 : i32
    "tpu.region"() ({
      %run_scoped3A = tpu.sem_alloc : memref<!tpu.dma_semaphore, #tpu.memory_space<semaphore_mem>>
      %dma_start3A_52 = arith.constant 0 : i32
      %dma_start3A_53 = tpu.memref_slice %arg7[%mul3A_2, %dma_start3A_52] : memref<10240x128xf32, #tpu.memory_space<vmem_shared>> -> memref<640x128xf32, #tpu.memory_space<vmem_shared>>
      tpu.enqueue_dma source(%arg5 : memref<640x128xf32, #tpu.memory_space<hbm>>) target(%dma_start3A_53 : memref<640x128xf32, #tpu.memory_space<vmem_shared>>) target_semaphore(%run_scoped3A : memref<!tpu.dma_semaphore, #tpu.memory_space<semaphore_mem>>)
      %dma_wait3A_54 = arith.constant 0 : i32
      %dma_wait3A_55 = tpu.memref_slice %arg7[%mul3A_2, %dma_wait3A_54] : memref<10240x128xf32, #tpu.memory_space<vmem_shared>> -> memref<640x128xf32, #tpu.memory_space<vmem_shared>>
      tpu.wait_dma2 semaphore(%run_scoped3A : memref<!tpu.dma_semaphore, #tpu.memory_space<semaphore_mem>>) src(%arg5 : memref<640x128xf32, #tpu.memory_space<hbm>>) dst(%dma_wait3A_55 : memref<640x128xf32, #tpu.memory_space<vmem_shared>>)
      tpu.yield
    }) : () -> ()
    %barrier3A = arith.constant 0 : index
    tpu.barrier barrier_id(%barrier3A)
    %mul3A_3 = arith.constant 80 : i32
    %mul3A_4 = arith.muli %add3A, %mul3A_3 : i32
    %add3A_5 = arith.constant 0 : i32
    %add3A_6 = arith.addi %mul3A_4, %add3A_5 : i32
    "tpu.region"() ({
      %run_scoped3A = tpu.sem_alloc : memref<!tpu.dma_semaphore, #tpu.memory_space<semaphore_mem>>
      %dma_start3A_52 = arith.constant 0 : i32
      %dma_start3A_53 = tpu.memref_slice %arg3[%add3A_6, %dma_start3A_52] : memref<2560x125xi32, #tpu.memory_space<hbm>> -> memref<40x125xi32, #tpu.memory_space<hbm>>
      %dma_start3A_54 = arith.constant 0 : i32
      %dma_start3A_55 = tpu.memref_slice %arg3[%add3A_6, %dma_start3A_54] : memref<2560x125xi32, #tpu.memory_space<hbm>> -> memref<40x125xi32, #tpu.memory_space<hbm>>
      tpu.enqueue_dma source(%dma_start3A_55 : memref<40x125xi32, #tpu.memory_space<hbm>>) target(%arg8 : memref<40x125xi32, #tpu.memory_space<vmem>>) target_semaphore(%run_scoped3A : memref<!tpu.dma_semaphore, #tpu.memory_space<semaphore_mem>>)
      %dma_wait3A_56 = arith.constant 0 : i32
      %dma_wait3A_57 = tpu.memref_slice %arg3[%add3A_6, %dma_wait3A_56] : memref<2560x125xi32, #tpu.memory_space<hbm>> -> memref<40x125xi32, #tpu.memory_space<hbm>>
      %dma_wait3A_58 = arith.constant 0 : i32
      %dma_wait3A_59 = tpu.memref_slice %arg3[%add3A_6, %dma_wait3A_58] : memref<2560x125xi32, #tpu.memory_space<hbm>> -> memref<40x125xi32, #tpu.memory_space<hbm>>
      tpu.wait_dma2 semaphore(%run_scoped3A : memref<!tpu.dma_semaphore, #tpu.memory_space<semaphore_mem>>) src(%dma_wait3A_59 : memref<40x125xi32, #tpu.memory_space<hbm>>) dst(%arg8 : memref<40x125xi32, #tpu.memory_space<vmem>>)
      tpu.yield
    }) : () -> ()
    "tpu.region"() ({
      %run_scoped3A = tpu.sem_alloc : memref<!tpu.dma_semaphore, #tpu.memory_space<semaphore_mem>>
      %dma_start3A_52 = arith.constant 0 : i32
      %dma_start3A_53 = tpu.memref_slice %arg4[%add3A_6, %dma_start3A_52] : memref<2560x125xi32, #tpu.memory_space<hbm>> -> memref<40x125xi32, #tpu.memory_space<hbm>>
      %dma_start3A_54 = arith.constant 0 : i32
      %dma_start3A_55 = tpu.memref_slice %arg4[%add3A_6, %dma_start3A_54] : memref<2560x125xi32, #tpu.memory_space<hbm>> -> memref<40x125xi32, #tpu.memory_space<hbm>>
      tpu.enqueue_dma source(%dma_start3A_55 : memref<40x125xi32, #tpu.memory_space<hbm>>) target(%arg9 : memref<40x125xi32, #tpu.memory_space<vmem>>) target_semaphore(%run_scoped3A : memref<!tpu.dma_semaphore, #tpu.memory_space<semaphore_mem>>)
      %dma_wait3A_56 = arith.constant 0 : i32
      %dma_wait3A_57 = tpu.memref_slice %arg4[%add3A_6, %dma_wait3A_56] : memref<2560x125xi32, #tpu.memory_space<hbm>> -> memref<40x125xi32, #tpu.memory_space<hbm>>
      %dma_wait3A_58 = arith.constant 0 : i32
      %dma_wait3A_59 = tpu.memref_slice %arg4[%add3A_6, %dma_wait3A_58] : memref<2560x125xi32, #tpu.memory_space<hbm>> -> memref<40x125xi32, #tpu.memory_space<hbm>>
      tpu.wait_dma2 semaphore(%run_scoped3A : memref<!tpu.dma_semaphore, #tpu.memory_space<semaphore_mem>>) src(%dma_wait3A_59 : memref<40x125xi32, #tpu.memory_space<hbm>>) dst(%arg9 : memref<40x125xi32, #tpu.memory_space<vmem>>)
      tpu.yield
    }) : () -> ()
    %dma_start3A = arith.constant 0 : i32
    %dma_start3A_7 = arith.constant 0 : i32
    %dma_start3A_8 = tpu.memref_slice %arg8[%dma_start3A, %dma_start3A_7] : memref<40x125xi32, #tpu.memory_space<vmem>> -> memref<1x125xi32, #tpu.memory_space<vmem>>
    %dma_start3A_9 = tpu.memref_squeeze %dma_start3A_8 : memref<1x125xi32, #tpu.memory_space<vmem>> -> memref<125xi32, #tpu.memory_space<vmem>>
    %dma_start3A_10 = arith.constant 0 : i32
    %dma_start3A_11 = arith.constant 0 : i32
    %dma_start3A_12 = tpu.memref_slice %arg2[%dma_start3A_10, %dma_start3A_11] : memref<10000x128xf32, #tpu.memory_space<hbm>> -> memref<10000x128xf32, #tpu.memory_space<hbm>>
    tpu.enqueue_indirect_dma source(%dma_start3A_12 : memref<10000x128xf32, #tpu.memory_space<hbm>>) target(%arg10 : memref<125x128xf32, #tpu.memory_space<vmem>>) offsets(%dma_start3A_9 : memref<125xi32, #tpu.memory_space<vmem>>) semaphore(%arg12 : memref<!tpu.dma_semaphore, #tpu.memory_space<semaphore_mem>>)
    %scan3A = arith.constant 0 : i32
    %scan3A_13 = arith.constant 0 : i32
    %scan3A_14 = arith.constant 20 : i32
    %scan3A_15 = arith.addi %scan3A_13, %scan3A_14 : i32
    %scan3A_16 = arith.constant 1 : i32
    scf.for %scan3A_52 = %scan3A_13 to %scan3A_15 step %scan3A_16  : i32 {
      %mul3A_53 = arith.constant 2 : i32
      %mul3A_54 = arith.muli %mul3A_53, %scan3A_52 : i32
      %add3A_55 = arith.constant 1 : i32
      %add3A_56 = arith.addi %mul3A_54, %add3A_55 : i32
      %dma_start3A_57 = arith.constant 0 : i32
      %dma_start3A_58 = tpu.memref_slice %arg8[%add3A_56, %dma_start3A_57] : memref<40x125xi32, #tpu.memory_space<vmem>> -> memref<1x125xi32, #tpu.memory_space<vmem>>
      %dma_start3A_59 = tpu.memref_squeeze %dma_start3A_58 : memref<1x125xi32, #tpu.memory_space<vmem>> -> memref<125xi32, #tpu.memory_space<vmem>>
      %dma_start3A_60 = arith.constant 0 : i32
      %dma_start3A_61 = arith.constant 0 : i32
      %dma_start3A_62 = tpu.memref_slice %arg2[%dma_start3A_60, %dma_start3A_61] : memref<10000x128xf32, #tpu.memory_space<hbm>> -> memref<10000x128xf32, #tpu.memory_space<hbm>>
      tpu.enqueue_indirect_dma source(%dma_start3A_62 : memref<10000x128xf32, #tpu.memory_space<hbm>>) target(%arg11 : memref<125x128xf32, #tpu.memory_space<vmem>>) offsets(%dma_start3A_59 : memref<125xi32, #tpu.memory_space<vmem>>) semaphore(%arg13 : memref<!tpu.dma_semaphore, #tpu.memory_space<semaphore_mem>>)
      %dma_wait3A_63 = arith.constant 0 : i32
      %dma_wait3A_64 = tpu.memref_slice %arg8[%mul3A_54, %dma_wait3A_63] : memref<40x125xi32, #tpu.memory_space<vmem>> -> memref<1x125xi32, #tpu.memory_space<vmem>>
      %dma_wait3A_65 = tpu.memref_squeeze %dma_wait3A_64 : memref<1x125xi32, #tpu.memory_space<vmem>> -> memref<125xi32, #tpu.memory_space<vmem>>
      %dma_wait3A_66 = arith.constant 0 : i32
      %dma_wait3A_67 = arith.constant 0 : i32
      %dma_wait3A_68 = tpu.memref_slice %arg2[%dma_wait3A_66, %dma_wait3A_67] : memref<10000x128xf32, #tpu.memory_space<hbm>> -> memref<10000x128xf32, #tpu.memory_space<hbm>>
      tpu.wait_indirect_dma semaphore(%arg12 : memref<!tpu.dma_semaphore, #tpu.memory_space<semaphore_mem>>) src(%dma_wait3A_68 : memref<10000x128xf32, #tpu.memory_space<hbm>>) dst(%arg10 : memref<125x128xf32, #tpu.memory_space<vmem>>)
      "tpu.region"() ({
        %run_scoped3A = tpu.sem_alloc : memref<!tpu.dma_semaphore, #tpu.memory_space<semaphore_mem>>
        %dma_start3A_86 = arith.constant 0 : i32
        %dma_start3A_87 = tpu.memref_slice %arg9[%mul3A_54, %dma_start3A_86] : memref<40x125xi32, #tpu.memory_space<vmem>> -> memref<1x125xi32, #tpu.memory_space<vmem>>
        %dma_start3A_88 = tpu.memref_squeeze %dma_start3A_87 : memref<1x125xi32, #tpu.memory_space<vmem>> -> memref<125xi32, #tpu.memory_space<vmem>>
        %dma_start3A_89 = arith.constant 0 : i32
        %dma_start3A_90 = arith.constant 0 : i32
        %dma_start3A_91 = tpu.memref_slice %arg7[%dma_start3A_89, %dma_start3A_90] : memref<10240x128xf32, #tpu.memory_space<vmem_shared>> -> memref<10240x128xf32, #tpu.memory_space<vmem_shared>>
        tpu.enqueue_indirect_dma source(%arg10 : memref<125x128xf32, #tpu.memory_space<vmem>>) target(%dma_start3A_91 : memref<10240x128xf32, #tpu.memory_space<vmem_shared>>) offsets(%dma_start3A_88 : memref<125xi32, #tpu.memory_space<vmem>>) semaphore(%run_scoped3A : memref<!tpu.dma_semaphore, #tpu.memory_space<semaphore_mem>>) {add = true}
        %dma_wait3A_92 = arith.constant 0 : i32
        %dma_wait3A_93 = tpu.memref_slice %arg9[%mul3A_54, %dma_wait3A_92] : memref<40x125xi32, #tpu.memory_space<vmem>> -> memref<1x125xi32, #tpu.memory_space<vmem>>
        %dma_wait3A_94 = tpu.memref_squeeze %dma_wait3A_93 : memref<1x125xi32, #tpu.memory_space<vmem>> -> memref<125xi32, #tpu.memory_space<vmem>>
        %dma_wait3A_95 = arith.constant 0 : i32
        %dma_wait3A_96 = arith.constant 0 : i32
        %dma_wait3A_97 = tpu.memref_slice %arg7[%dma_wait3A_95, %dma_wait3A_96] : memref<10240x128xf32, #tpu.memory_space<vmem_shared>> -> memref<10240x128xf32, #tpu.memory_space<vmem_shared>>
        tpu.wait_indirect_dma semaphore(%run_scoped3A : memref<!tpu.dma_semaphore, #tpu.memory_space<semaphore_mem>>) src(%arg10 : memref<125x128xf32, #tpu.memory_space<vmem>>) dst(%dma_wait3A_97 : memref<10240x128xf32, #tpu.memory_space<vmem_shared>>)
        tpu.yield
      }) : () -> ()
      %add3A_69 = arith.constant 2 : i32
      %add3A_70 = arith.addi %mul3A_54, %add3A_69 : i32
      %lt3A = arith.constant 40 : i32
      %lt3A_71 = arith.cmpi slt, %add3A_70, %lt3A : i32
      %add3A_72 = arith.constant 2 : i32
      %add3A_73 = arith.addi %mul3A_54, %add3A_72 : i32
      %jit3A = arith.constant 0 : i32
      %select_n3A = arith.select %lt3A_71, %add3A_73, %jit3A : i32
      %dma_start3A_74 = arith.constant 0 : i32
      %dma_start3A_75 = tpu.memref_slice %arg8[%select_n3A, %dma_start3A_74] : memref<40x125xi32, #tpu.memory_space<vmem>> -> memref<1x125xi32, #tpu.memory_space<vmem>>
      %dma_start3A_76 = tpu.memref_squeeze %dma_start3A_75 : memref<1x125xi32, #tpu.memory_space<vmem>> -> memref<125xi32, #tpu.memory_space<vmem>>
      %dma_start3A_77 = arith.constant 0 : i32
      %dma_start3A_78 = arith.constant 0 : i32
      %dma_start3A_79 = tpu.memref_slice %arg2[%dma_start3A_77, %dma_start3A_78] : memref<10000x128xf32, #tpu.memory_space<hbm>> -> memref<10000x128xf32, #tpu.memory_space<hbm>>
      tpu.enqueue_indirect_dma source(%dma_start3A_79 : memref<10000x128xf32, #tpu.memory_space<hbm>>) target(%arg10 : memref<125x128xf32, #tpu.memory_space<vmem>>) offsets(%dma_start3A_76 : memref<125xi32, #tpu.memory_space<vmem>>) semaphore(%arg12 : memref<!tpu.dma_semaphore, #tpu.memory_space<semaphore_mem>>)
      %dma_wait3A_80 = arith.constant 0 : i32
      %dma_wait3A_81 = tpu.memref_slice %arg8[%add3A_56, %dma_wait3A_80] : memref<40x125xi32, #tpu.memory_space<vmem>> -> memref<1x125xi32, #tpu.memory_space<vmem>>
      %dma_wait3A_82 = tpu.memref_squeeze %dma_wait3A_81 : memref<1x125xi32, #tpu.memory_space<vmem>> -> memref<125xi32, #tpu.memory_space<vmem>>
      %dma_wait3A_83 = arith.constant 0 : i32
      %dma_wait3A_84 = arith.constant 0 : i32
      %dma_wait3A_85 = tpu.memref_slice %arg2[%dma_wait3A_83, %dma_wait3A_84] : memref<10000x128xf32, #tpu.memory_space<hbm>> -> memref<10000x128xf32, #tpu.memory_space<hbm>>
      tpu.wait_indirect_dma semaphore(%arg13 : memref<!tpu.dma_semaphore, #tpu.memory_space<semaphore_mem>>) src(%dma_wait3A_85 : memref<10000x128xf32, #tpu.memory_space<hbm>>) dst(%arg11 : memref<125x128xf32, #tpu.memory_space<vmem>>)
      "tpu.region"() ({
        %run_scoped3A = tpu.sem_alloc : memref<!tpu.dma_semaphore, #tpu.memory_space<semaphore_mem>>
        %dma_start3A_86 = arith.constant 0 : i32
        %dma_start3A_87 = tpu.memref_slice %arg9[%add3A_56, %dma_start3A_86] : memref<40x125xi32, #tpu.memory_space<vmem>> -> memref<1x125xi32, #tpu.memory_space<vmem>>
        %dma_start3A_88 = tpu.memref_squeeze %dma_start3A_87 : memref<1x125xi32, #tpu.memory_space<vmem>> -> memref<125xi32, #tpu.memory_space<vmem>>
        %dma_start3A_89 = arith.constant 0 : i32
        %dma_start3A_90 = arith.constant 0 : i32
        %dma_start3A_91 = tpu.memref_slice %arg7[%dma_start3A_89, %dma_start3A_90] : memref<10240x128xf32, #tpu.memory_space<vmem_shared>> -> memref<10240x128xf32, #tpu.memory_space<vmem_shared>>
        tpu.enqueue_indirect_dma source(%arg11 : memref<125x128xf32, #tpu.memory_space<vmem>>) target(%dma_start3A_91 : memref<10240x128xf32, #tpu.memory_space<vmem_shared>>) offsets(%dma_start3A_88 : memref<125xi32, #tpu.memory_space<vmem>>) semaphore(%run_scoped3A : memref<!tpu.dma_semaphore, #tpu.memory_space<semaphore_mem>>) {add = true}
        %dma_wait3A_92 = arith.constant 0 : i32
        %dma_wait3A_93 = tpu.memref_slice %arg9[%add3A_56, %dma_wait3A_92] : memref<40x125xi32, #tpu.memory_space<vmem>> -> memref<1x125xi32, #tpu.memory_space<vmem>>
        %dma_wait3A_94 = tpu.memref_squeeze %dma_wait3A_93 : memref<1x125xi32, #tpu.memory_space<vmem>> -> memref<125xi32, #tpu.memory_space<vmem>>
        %dma_wait3A_95 = arith.constant 0 : i32
        %dma_wait3A_96 = arith.constant 0 : i32
        %dma_wait3A_97 = tpu.memref_slice %arg7[%dma_wait3A_95, %dma_wait3A_96] : memref<10240x128xf32, #tpu.memory_space<vmem_shared>> -> memref<10240x128xf32, #tpu.memory_space<vmem_shared>>
        tpu.wait_indirect_dma semaphore(%run_scoped3A : memref<!tpu.dma_semaphore, #tpu.memory_space<semaphore_mem>>) src(%arg11 : memref<125x128xf32, #tpu.memory_space<vmem>>) dst(%dma_wait3A_97 : memref<10240x128xf32, #tpu.memory_space<vmem_shared>>)
        tpu.yield
      }) : () -> ()
    }
    %scan3A_17 = arith.constant 20 : i32
    %dma_wait3A = arith.constant 0 : i32
    %dma_wait3A_18 = arith.constant 0 : i32
    %dma_wait3A_19 = tpu.memref_slice %arg8[%dma_wait3A, %dma_wait3A_18] : memref<40x125xi32, #tpu.memory_space<vmem>> -> memref<1x125xi32, #tpu.memory_space<vmem>>
    %dma_wait3A_20 = tpu.memref_squeeze %dma_wait3A_19 : memref<1x125xi32, #tpu.memory_space<vmem>> -> memref<125xi32, #tpu.memory_space<vmem>>
    %dma_wait3A_21 = arith.constant 0 : i32
    %dma_wait3A_22 = arith.constant 0 : i32
    %dma_wait3A_23 = tpu.memref_slice %arg2[%dma_wait3A_21, %dma_wait3A_22] : memref<10000x128xf32, #tpu.memory_space<hbm>> -> memref<10000x128xf32, #tpu.memory_space<hbm>>
    tpu.wait_indirect_dma semaphore(%arg12 : memref<!tpu.dma_semaphore, #tpu.memory_space<semaphore_mem>>) src(%dma_wait3A_23 : memref<10000x128xf32, #tpu.memory_space<hbm>>) dst(%arg10 : memref<125x128xf32, #tpu.memory_space<vmem>>)
    %mul3A_24 = arith.constant 80 : i32
    %mul3A_25 = arith.muli %add3A, %mul3A_24 : i32
    %add3A_26 = arith.constant 40 : i32
    %add3A_27 = arith.addi %mul3A_25, %add3A_26 : i32
    "tpu.region"() ({
      %run_scoped3A = tpu.sem_alloc : memref<!tpu.dma_semaphore, #tpu.memory_space<semaphore_mem>>
      %dma_start3A_52 = arith.constant 0 : i32
      %dma_start3A_53 = tpu.memref_slice %arg3[%add3A_27, %dma_start3A_52] : memref<2560x125xi32, #tpu.memory_space<hbm>> -> memref<40x125xi32, #tpu.memory_space<hbm>>
      %dma_start3A_54 = arith.constant 0 : i32
      %dma_start3A_55 = tpu.memref_slice %arg3[%add3A_27, %dma_start3A_54] : memref<2560x125xi32, #tpu.memory_space<hbm>> -> memref<40x125xi32, #tpu.memory_space<hbm>>
      tpu.enqueue_dma source(%dma_start3A_55 : memref<40x125xi32, #tpu.memory_space<hbm>>) target(%arg8 : memref<40x125xi32, #tpu.memory_space<vmem>>) target_semaphore(%run_scoped3A : memref<!tpu.dma_semaphore, #tpu.memory_space<semaphore_mem>>)
      %dma_wait3A_56 = arith.constant 0 : i32
      %dma_wait3A_57 = tpu.memref_slice %arg3[%add3A_27, %dma_wait3A_56] : memref<2560x125xi32, #tpu.memory_space<hbm>> -> memref<40x125xi32, #tpu.memory_space<hbm>>
      %dma_wait3A_58 = arith.constant 0 : i32
      %dma_wait3A_59 = tpu.memref_slice %arg3[%add3A_27, %dma_wait3A_58] : memref<2560x125xi32, #tpu.memory_space<hbm>> -> memref<40x125xi32, #tpu.memory_space<hbm>>
      tpu.wait_dma2 semaphore(%run_scoped3A : memref<!tpu.dma_semaphore, #tpu.memory_space<semaphore_mem>>) src(%dma_wait3A_59 : memref<40x125xi32, #tpu.memory_space<hbm>>) dst(%arg8 : memref<40x125xi32, #tpu.memory_space<vmem>>)
      tpu.yield
    }) : () -> ()
    "tpu.region"() ({
      %run_scoped3A = tpu.sem_alloc : memref<!tpu.dma_semaphore, #tpu.memory_space<semaphore_mem>>
      %dma_start3A_52 = arith.constant 0 : i32
      %dma_start3A_53 = tpu.memref_slice %arg4[%add3A_27, %dma_start3A_52] : memref<2560x125xi32, #tpu.memory_space<hbm>> -> memref<40x125xi32, #tpu.memory_space<hbm>>
      %dma_start3A_54 = arith.constant 0 : i32
      %dma_start3A_55 = tpu.memref_slice %arg4[%add3A_27, %dma_start3A_54] : memref<2560x125xi32, #tpu.memory_space<hbm>> -> memref<40x125xi32, #tpu.memory_space<hbm>>
      tpu.enqueue_dma source(%dma_start3A_55 : memref<40x125xi32, #tpu.memory_space<hbm>>) target(%arg9 : memref<40x125xi32, #tpu.memory_space<vmem>>) target_semaphore(%run_scoped3A : memref<!tpu.dma_semaphore, #tpu.memory_space<semaphore_mem>>)
      %dma_wait3A_56 = arith.constant 0 : i32
      %dma_wait3A_57 = tpu.memref_slice %arg4[%add3A_27, %dma_wait3A_56] : memref<2560x125xi32, #tpu.memory_space<hbm>> -> memref<40x125xi32, #tpu.memory_space<hbm>>
      %dma_wait3A_58 = arith.constant 0 : i32
      %dma_wait3A_59 = tpu.memref_slice %arg4[%add3A_27, %dma_wait3A_58] : memref<2560x125xi32, #tpu.memory_space<hbm>> -> memref<40x125xi32, #tpu.memory_space<hbm>>
      tpu.wait_dma2 semaphore(%run_scoped3A : memref<!tpu.dma_semaphore, #tpu.memory_space<semaphore_mem>>) src(%dma_wait3A_59 : memref<40x125xi32, #tpu.memory_space<hbm>>) dst(%arg9 : memref<40x125xi32, #tpu.memory_space<vmem>>)
      tpu.yield
    }) : () -> ()
    %dma_start3A_28 = arith.constant 0 : i32
    %dma_start3A_29 = arith.constant 0 : i32
    %dma_start3A_30 = tpu.memref_slice %arg8[%dma_start3A_28, %dma_start3A_29] : memref<40x125xi32, #tpu.memory_space<vmem>> -> memref<1x125xi32, #tpu.memory_space<vmem>>
    %dma_start3A_31 = tpu.memref_squeeze %dma_start3A_30 : memref<1x125xi32, #tpu.memory_space<vmem>> -> memref<125xi32, #tpu.memory_space<vmem>>
    %dma_start3A_32 = arith.constant 0 : i32
    %dma_start3A_33 = arith.constant 0 : i32
    %dma_start3A_34 = tpu.memref_slice %arg2[%dma_start3A_32, %dma_start3A_33] : memref<10000x128xf32, #tpu.memory_space<hbm>> -> memref<10000x128xf32, #tpu.memory_space<hbm>>
    tpu.enqueue_indirect_dma source(%dma_start3A_34 : memref<10000x128xf32, #tpu.memory_space<hbm>>) target(%arg10 : memref<125x128xf32, #tpu.memory_space<vmem>>) offsets(%dma_start3A_31 : memref<125xi32, #tpu.memory_space<vmem>>) semaphore(%arg12 : memref<!tpu.dma_semaphore, #tpu.memory_space<semaphore_mem>>)
    %scan3A_35 = arith.constant 0 : i32
    %scan3A_36 = arith.constant 0 : i32
    %scan3A_37 = arith.constant 20 : i32
    %scan3A_38 = arith.addi %scan3A_36, %scan3A_37 : i32
    %scan3A_39 = arith.constant 1 : i32
    scf.for %scan3A_52 = %scan3A_36 to %scan3A_38 step %scan3A_39  : i32 {
      %mul3A_53 = arith.constant 2 : i32
      %mul3A_54 = arith.muli %mul3A_53, %scan3A_52 : i32
      %add3A_55 = arith.constant 1 : i32
      %add3A_56 = arith.addi %mul3A_54, %add3A_55 : i32
      %dma_start3A_57 = arith.constant 0 : i32
      %dma_start3A_58 = tpu.memref_slice %arg8[%add3A_56, %dma_start3A_57] : memref<40x125xi32, #tpu.memory_space<vmem>> -> memref<1x125xi32, #tpu.memory_space<vmem>>
      %dma_start3A_59 = tpu.memref_squeeze %dma_start3A_58 : memref<1x125xi32, #tpu.memory_space<vmem>> -> memref<125xi32, #tpu.memory_space<vmem>>
      %dma_start3A_60 = arith.constant 0 : i32
      %dma_start3A_61 = arith.constant 0 : i32
      %dma_start3A_62 = tpu.memref_slice %arg2[%dma_start3A_60, %dma_start3A_61] : memref<10000x128xf32, #tpu.memory_space<hbm>> -> memref<10000x128xf32, #tpu.memory_space<hbm>>
      tpu.enqueue_indirect_dma source(%dma_start3A_62 : memref<10000x128xf32, #tpu.memory_space<hbm>>) target(%arg11 : memref<125x128xf32, #tpu.memory_space<vmem>>) offsets(%dma_start3A_59 : memref<125xi32, #tpu.memory_space<vmem>>) semaphore(%arg13 : memref<!tpu.dma_semaphore, #tpu.memory_space<semaphore_mem>>)
      %dma_wait3A_63 = arith.constant 0 : i32
      %dma_wait3A_64 = tpu.memref_slice %arg8[%mul3A_54, %dma_wait3A_63] : memref<40x125xi32, #tpu.memory_space<vmem>> -> memref<1x125xi32, #tpu.memory_space<vmem>>
      %dma_wait3A_65 = tpu.memref_squeeze %dma_wait3A_64 : memref<1x125xi32, #tpu.memory_space<vmem>> -> memref<125xi32, #tpu.memory_space<vmem>>
      %dma_wait3A_66 = arith.constant 0 : i32
      %dma_wait3A_67 = arith.constant 0 : i32
      %dma_wait3A_68 = tpu.memref_slice %arg2[%dma_wait3A_66, %dma_wait3A_67] : memref<10000x128xf32, #tpu.memory_space<hbm>> -> memref<10000x128xf32, #tpu.memory_space<hbm>>
      tpu.wait_indirect_dma semaphore(%arg12 : memref<!tpu.dma_semaphore, #tpu.memory_space<semaphore_mem>>) src(%dma_wait3A_68 : memref<10000x128xf32, #tpu.memory_space<hbm>>) dst(%arg10 : memref<125x128xf32, #tpu.memory_space<vmem>>)
      "tpu.region"() ({
        %run_scoped3A = tpu.sem_alloc : memref<!tpu.dma_semaphore, #tpu.memory_space<semaphore_mem>>
        %dma_start3A_86 = arith.constant 0 : i32
        %dma_start3A_87 = tpu.memref_slice %arg9[%mul3A_54, %dma_start3A_86] : memref<40x125xi32, #tpu.memory_space<vmem>> -> memref<1x125xi32, #tpu.memory_space<vmem>>
        %dma_start3A_88 = tpu.memref_squeeze %dma_start3A_87 : memref<1x125xi32, #tpu.memory_space<vmem>> -> memref<125xi32, #tpu.memory_space<vmem>>
        %dma_start3A_89 = arith.constant 0 : i32
        %dma_start3A_90 = arith.constant 0 : i32
        %dma_start3A_91 = tpu.memref_slice %arg7[%dma_start3A_89, %dma_start3A_90] : memref<10240x128xf32, #tpu.memory_space<vmem_shared>> -> memref<10240x128xf32, #tpu.memory_space<vmem_shared>>
        tpu.enqueue_indirect_dma source(%arg10 : memref<125x128xf32, #tpu.memory_space<vmem>>) target(%dma_start3A_91 : memref<10240x128xf32, #tpu.memory_space<vmem_shared>>) offsets(%dma_start3A_88 : memref<125xi32, #tpu.memory_space<vmem>>) semaphore(%run_scoped3A : memref<!tpu.dma_semaphore, #tpu.memory_space<semaphore_mem>>) {add = true}
        %dma_wait3A_92 = arith.constant 0 : i32
        %dma_wait3A_93 = tpu.memref_slice %arg9[%mul3A_54, %dma_wait3A_92] : memref<40x125xi32, #tpu.memory_space<vmem>> -> memref<1x125xi32, #tpu.memory_space<vmem>>
        %dma_wait3A_94 = tpu.memref_squeeze %dma_wait3A_93 : memref<1x125xi32, #tpu.memory_space<vmem>> -> memref<125xi32, #tpu.memory_space<vmem>>
        %dma_wait3A_95 = arith.constant 0 : i32
        %dma_wait3A_96 = arith.constant 0 : i32
        %dma_wait3A_97 = tpu.memref_slice %arg7[%dma_wait3A_95, %dma_wait3A_96] : memref<10240x128xf32, #tpu.memory_space<vmem_shared>> -> memref<10240x128xf32, #tpu.memory_space<vmem_shared>>
        tpu.wait_indirect_dma semaphore(%run_scoped3A : memref<!tpu.dma_semaphore, #tpu.memory_space<semaphore_mem>>) src(%arg10 : memref<125x128xf32, #tpu.memory_space<vmem>>) dst(%dma_wait3A_97 : memref<10240x128xf32, #tpu.memory_space<vmem_shared>>)
        tpu.yield
      }) : () -> ()
      %add3A_69 = arith.constant 2 : i32
      %add3A_70 = arith.addi %mul3A_54, %add3A_69 : i32
      %lt3A = arith.constant 40 : i32
      %lt3A_71 = arith.cmpi slt, %add3A_70, %lt3A : i32
      %add3A_72 = arith.constant 2 : i32
      %add3A_73 = arith.addi %mul3A_54, %add3A_72 : i32
      %jit3A = arith.constant 0 : i32
      %select_n3A = arith.select %lt3A_71, %add3A_73, %jit3A : i32
      %dma_start3A_74 = arith.constant 0 : i32
      %dma_start3A_75 = tpu.memref_slice %arg8[%select_n3A, %dma_start3A_74] : memref<40x125xi32, #tpu.memory_space<vmem>> -> memref<1x125xi32, #tpu.memory_space<vmem>>
      %dma_start3A_76 = tpu.memref_squeeze %dma_start3A_75 : memref<1x125xi32, #tpu.memory_space<vmem>> -> memref<125xi32, #tpu.memory_space<vmem>>
      %dma_start3A_77 = arith.constant 0 : i32
      %dma_start3A_78 = arith.constant 0 : i32
      %dma_start3A_79 = tpu.memref_slice %arg2[%dma_start3A_77, %dma_start3A_78] : memref<10000x128xf32, #tpu.memory_space<hbm>> -> memref<10000x128xf32, #tpu.memory_space<hbm>>
      tpu.enqueue_indirect_dma source(%dma_start3A_79 : memref<10000x128xf32, #tpu.memory_space<hbm>>) target(%arg10 : memref<125x128xf32, #tpu.memory_space<vmem>>) offsets(%dma_start3A_76 : memref<125xi32, #tpu.memory_space<vmem>>) semaphore(%arg12 : memref<!tpu.dma_semaphore, #tpu.memory_space<semaphore_mem>>)
      %dma_wait3A_80 = arith.constant 0 : i32
      %dma_wait3A_81 = tpu.memref_slice %arg8[%add3A_56, %dma_wait3A_80] : memref<40x125xi32, #tpu.memory_space<vmem>> -> memref<1x125xi32, #tpu.memory_space<vmem>>
      %dma_wait3A_82 = tpu.memref_squeeze %dma_wait3A_81 : memref<1x125xi32, #tpu.memory_space<vmem>> -> memref<125xi32, #tpu.memory_space<vmem>>
      %dma_wait3A_83 = arith.constant 0 : i32
      %dma_wait3A_84 = arith.constant 0 : i32
      %dma_wait3A_85 = tpu.memref_slice %arg2[%dma_wait3A_83, %dma_wait3A_84] : memref<10000x128xf32, #tpu.memory_space<hbm>> -> memref<10000x128xf32, #tpu.memory_space<hbm>>
      tpu.wait_indirect_dma semaphore(%arg13 : memref<!tpu.dma_semaphore, #tpu.memory_space<semaphore_mem>>) src(%dma_wait3A_85 : memref<10000x128xf32, #tpu.memory_space<hbm>>) dst(%arg11 : memref<125x128xf32, #tpu.memory_space<vmem>>)
      "tpu.region"() ({
        %run_scoped3A = tpu.sem_alloc : memref<!tpu.dma_semaphore, #tpu.memory_space<semaphore_mem>>
        %dma_start3A_86 = arith.constant 0 : i32
        %dma_start3A_87 = tpu.memref_slice %arg9[%add3A_56, %dma_start3A_86] : memref<40x125xi32, #tpu.memory_space<vmem>> -> memref<1x125xi32, #tpu.memory_space<vmem>>
        %dma_start3A_88 = tpu.memref_squeeze %dma_start3A_87 : memref<1x125xi32, #tpu.memory_space<vmem>> -> memref<125xi32, #tpu.memory_space<vmem>>
        %dma_start3A_89 = arith.constant 0 : i32
        %dma_start3A_90 = arith.constant 0 : i32
        %dma_start3A_91 = tpu.memref_slice %arg7[%dma_start3A_89, %dma_start3A_90] : memref<10240x128xf32, #tpu.memory_space<vmem_shared>> -> memref<10240x128xf32, #tpu.memory_space<vmem_shared>>
        tpu.enqueue_indirect_dma source(%arg11 : memref<125x128xf32, #tpu.memory_space<vmem>>) target(%dma_start3A_91 : memref<10240x128xf32, #tpu.memory_space<vmem_shared>>) offsets(%dma_start3A_88 : memref<125xi32, #tpu.memory_space<vmem>>) semaphore(%run_scoped3A : memref<!tpu.dma_semaphore, #tpu.memory_space<semaphore_mem>>) {add = true}
        %dma_wait3A_92 = arith.constant 0 : i32
        %dma_wait3A_93 = tpu.memref_slice %arg9[%add3A_56, %dma_wait3A_92] : memref<40x125xi32, #tpu.memory_space<vmem>> -> memref<1x125xi32, #tpu.memory_space<vmem>>
        %dma_wait3A_94 = tpu.memref_squeeze %dma_wait3A_93 : memref<1x125xi32, #tpu.memory_space<vmem>> -> memref<125xi32, #tpu.memory_space<vmem>>
        %dma_wait3A_95 = arith.constant 0 : i32
        %dma_wait3A_96 = arith.constant 0 : i32
        %dma_wait3A_97 = tpu.memref_slice %arg7[%dma_wait3A_95, %dma_wait3A_96] : memref<10240x128xf32, #tpu.memory_space<vmem_shared>> -> memref<10240x128xf32, #tpu.memory_space<vmem_shared>>
        tpu.wait_indirect_dma semaphore(%run_scoped3A : memref<!tpu.dma_semaphore, #tpu.memory_space<semaphore_mem>>) src(%arg11 : memref<125x128xf32, #tpu.memory_space<vmem>>) dst(%dma_wait3A_97 : memref<10240x128xf32, #tpu.memory_space<vmem_shared>>)
        tpu.yield
      }) : () -> ()
    }
    %scan3A_40 = arith.constant 20 : i32
    %dma_wait3A_41 = arith.constant 0 : i32
    %dma_wait3A_42 = arith.constant 0 : i32
    %dma_wait3A_43 = tpu.memref_slice %arg8[%dma_wait3A_41, %dma_wait3A_42] : memref<40x125xi32, #tpu.memory_space<vmem>> -> memref<1x125xi32, #tpu.memory_space<vmem>>
    %dma_wait3A_44 = tpu.memref_squeeze %dma_wait3A_43 : memref<1x125xi32, #tpu.memory_space<vmem>> -> memref<125xi32, #tpu.memory_space<vmem>>
    %dma_wait3A_45 = arith.constant 0 : i32
    %dma_wait3A_46 = arith.constant 0 : i32
    %dma_wait3A_47 = tpu.memref_slice %arg2[%dma_wait3A_45, %dma_wait3A_46] : memref<10000x128xf32, #tpu.memory_space<hbm>> -> memref<10000x128xf32, #tpu.memory_space<hbm>>
    tpu.wait_indirect_dma semaphore(%arg12 : memref<!tpu.dma_semaphore, #tpu.memory_space<semaphore_mem>>) src(%dma_wait3A_47 : memref<10000x128xf32, #tpu.memory_space<hbm>>) dst(%arg10 : memref<125x128xf32, #tpu.memory_space<vmem>>)
    %barrier3A_48 = arith.constant 0 : index
    tpu.barrier barrier_id(%barrier3A_48)
    %mul3A_49 = arith.constant 10240 : i32
    %mul3A_50 = arith.muli %arg0, %mul3A_49 : i32
    %add3A_51 = arith.addi %mul3A_50, %mul3A_2 : i32
    "tpu.region"() ({
      %run_scoped3A = tpu.sem_alloc : memref<!tpu.dma_semaphore, #tpu.memory_space<semaphore_mem>>
      %dma_start3A_52 = arith.constant 0 : i32
      %dma_start3A_53 = tpu.memref_slice %arg6[%add3A_51, %dma_start3A_52] : memref<20480x128xf32, #tpu.memory_space<hbm>> -> memref<640x128xf32, #tpu.memory_space<hbm>>
      %dma_start3A_54 = arith.constant 0 : i32
      %dma_start3A_55 = tpu.memref_slice %arg7[%mul3A_2, %dma_start3A_54] : memref<10240x128xf32, #tpu.memory_space<vmem_shared>> -> memref<640x128xf32, #tpu.memory_space<vmem_shared>>
      tpu.enqueue_dma source(%dma_start3A_55 : memref<640x128xf32, #tpu.memory_space<vmem_shared>>) target(%dma_start3A_53 : memref<640x128xf32, #tpu.memory_space<hbm>>) target_semaphore(%run_scoped3A : memref<!tpu.dma_semaphore, #tpu.memory_space<semaphore_mem>>)
      %dma_wait3A_56 = arith.constant 0 : i32
      %dma_wait3A_57 = tpu.memref_slice %arg6[%add3A_51, %dma_wait3A_56] : memref<20480x128xf32, #tpu.memory_space<hbm>> -> memref<640x128xf32, #tpu.memory_space<hbm>>
      %dma_wait3A_58 = arith.constant 0 : i32
      %dma_wait3A_59 = tpu.memref_slice %arg7[%mul3A_2, %dma_wait3A_58] : memref<10240x128xf32, #tpu.memory_space<vmem_shared>> -> memref<640x128xf32, #tpu.memory_space<vmem_shared>>
      tpu.wait_dma2 semaphore(%run_scoped3A : memref<!tpu.dma_semaphore, #tpu.memory_space<semaphore_mem>>) src(%dma_wait3A_59 : memref<640x128xf32, #tpu.memory_space<vmem_shared>>) dst(%dma_wait3A_57 : memref<640x128xf32, #tpu.memory_space<hbm>>)
      tpu.yield
    }) : () -> ()
    return
  }
}

#map = affine_map<(d0, d1) -> (0)>
module attributes {stable_mosaic.version = 14 : i64} {
  func.func @_deg_body(%arg0: i32, %arg1: i32, %arg2: memref<320000xi32, #tpu.memory_space<hbm>>, %arg3: memref<10240xf32, #tpu.memory_space<hbm>>, %arg4: memref<20480xf32, #tpu.memory_space<hbm>>, %arg5: memref<16x10240xf32, #tpu.memory_space<vmem_shared>>, %arg6: memref<10000xi32, #tpu.memory_space<vmem>>, %arg7: memref<10240xf32, #tpu.memory_space<vmem>>, %arg8: memref<10240xf32, #tpu.memory_space<vmem>>, %arg9: memref<640xf32, #tpu.memory_space<vmem>>) attributes {dimension_semantics = [#tpu.dimension_semantics<core_parallel>, #tpu.dimension_semantics<subcore_parallel>], iteration_bounds = array<i64: 2, 16>, scalar_prefetch = 0 : i64, scratch_operands = 5 : i64, tpu.core_type = #tpu.core_type<sc_vector_subcore>, window_params = [{transform_indices = #map}, {transform_indices = #map}, {transform_indices = #map}]} {
    %mul3A = arith.constant 16 : i32
    %mul3A_0 = arith.muli %arg0, %mul3A : i32
    %add3A = arith.addi %mul3A_0, %arg1 : i32
    "tpu.region"() ({
      %run_scoped3A_37 = tpu.sem_alloc : memref<!tpu.dma_semaphore, #tpu.memory_space<semaphore_mem>>
      tpu.enqueue_dma source(%arg3 : memref<10240xf32, #tpu.memory_space<hbm>>) target(%arg7 : memref<10240xf32, #tpu.memory_space<vmem>>) target_semaphore(%run_scoped3A_37 : memref<!tpu.dma_semaphore, #tpu.memory_space<semaphore_mem>>)
      tpu.wait_dma2 semaphore(%run_scoped3A_37 : memref<!tpu.dma_semaphore, #tpu.memory_space<semaphore_mem>>) src(%arg3 : memref<10240xf32, #tpu.memory_space<hbm>>) dst(%arg7 : memref<10240xf32, #tpu.memory_space<vmem>>)
      tpu.yield
    }) : () -> ()
    %mul3A_1 = arith.constant 80 : i32
    %mul3A_2 = arith.muli %add3A, %mul3A_1 : i32
    %mul3A_3 = arith.constant 125 : i32
    %mul3A_4 = arith.muli %mul3A_2, %mul3A_3 : i32
    "tpu.region"() ({
      %run_scoped3A_37 = tpu.sem_alloc : memref<!tpu.dma_semaphore, #tpu.memory_space<semaphore_mem>>
      %dma_start3A = tpu.memref_slice %arg2[%mul3A_4] : memref<320000xi32, #tpu.memory_space<hbm>> -> memref<10000xi32, #tpu.memory_space<hbm>>
      %dma_start3A_38 = tpu.memref_slice %arg2[%mul3A_4] : memref<320000xi32, #tpu.memory_space<hbm>> -> memref<10000xi32, #tpu.memory_space<hbm>>
      tpu.enqueue_dma source(%dma_start3A_38 : memref<10000xi32, #tpu.memory_space<hbm>>) target(%arg6 : memref<10000xi32, #tpu.memory_space<vmem>>) target_semaphore(%run_scoped3A_37 : memref<!tpu.dma_semaphore, #tpu.memory_space<semaphore_mem>>)
      %dma_wait3A = tpu.memref_slice %arg2[%mul3A_4] : memref<320000xi32, #tpu.memory_space<hbm>> -> memref<10000xi32, #tpu.memory_space<hbm>>
      %dma_wait3A_39 = tpu.memref_slice %arg2[%mul3A_4] : memref<320000xi32, #tpu.memory_space<hbm>> -> memref<10000xi32, #tpu.memory_space<hbm>>
      tpu.wait_dma2 semaphore(%run_scoped3A_37 : memref<!tpu.dma_semaphore, #tpu.memory_space<semaphore_mem>>) src(%dma_wait3A_39 : memref<10000xi32, #tpu.memory_space<hbm>>) dst(%arg6 : memref<10000xi32, #tpu.memory_space<vmem>>)
      tpu.yield
    }) : () -> ()
    %broadcast_in_dim3A = arith.constant 1.000000e+00 : f32
    %broadcast_in_dim3A_5 = vector.broadcast %broadcast_in_dim3A : f32 to vector<16xf32>
    %scan3A = arith.constant 0 : i32
    %scan3A_6 = arith.constant 0 : i32
    %scan3A_7 = arith.constant 125 : i32
    %scan3A_8 = arith.addi %scan3A_6, %scan3A_7 : i32
    %scan3A_9 = arith.constant 1 : i32
    scf.for %scan3A_37 = %scan3A_6 to %scan3A_8 step %scan3A_9  : i32 {
      %mul3A_38 = arith.constant 5 : i32
      %mul3A_39 = arith.muli %scan3A_37, %mul3A_38 : i32
      %add3A_40 = arith.constant 0 : i32
      %add3A_41 = arith.addi %mul3A_39, %add3A_40 : i32
      %mul3A_42 = arith.constant 16 : i32
      %mul3A_43 = arith.muli %add3A_41, %mul3A_42 : i32
      %get3A = arith.index_cast %mul3A_43 : i32 to index
      %get3A_44 = tpu.vector_load %arg6[%get3A] {strides = array<i32>} : memref<10000xi32, #tpu.memory_space<vmem>>, vector<16xi32>,
      tpu.vector_store_idx %arg7[%get3A_44], %broadcast_in_dim3A_5 {add = true} : memref<10240xf32, #tpu.memory_space<vmem>>[vector<16xi32>], vector<16xf32>,
      %mul3A_45 = arith.constant 5 : i32
      %mul3A_46 = arith.muli %scan3A_37, %mul3A_45 : i32
      %add3A_47 = arith.constant 1 : i32
      %add3A_48 = arith.addi %mul3A_46, %add3A_47 : i32
      %mul3A_49 = arith.constant 16 : i32
      %mul3A_50 = arith.muli %add3A_48, %mul3A_49 : i32
      %get3A_51 = arith.index_cast %mul3A_50 : i32 to index
      %get3A_52 = tpu.vector_load %arg6[%get3A_51] {strides = array<i32>} : memref<10000xi32, #tpu.memory_space<vmem>>, vector<16xi32>,
      tpu.vector_store_idx %arg7[%get3A_52], %broadcast_in_dim3A_5 {add = true} : memref<10240xf32, #tpu.memory_space<vmem>>[vector<16xi32>], vector<16xf32>,
      %mul3A_53 = arith.constant 5 : i32
      %mul3A_54 = arith.muli %scan3A_37, %mul3A_53 : i32
      %add3A_55 = arith.constant 2 : i32
      %add3A_56 = arith.addi %mul3A_54, %add3A_55 : i32
      %mul3A_57 = arith.constant 16 : i32
      %mul3A_58 = arith.muli %add3A_56, %mul3A_57 : i32
      %get3A_59 = arith.index_cast %mul3A_58 : i32 to index
      %get3A_60 = tpu.vector_load %arg6[%get3A_59] {strides = array<i32>} : memref<10000xi32, #tpu.memory_space<vmem>>, vector<16xi32>,
      tpu.vector_store_idx %arg7[%get3A_60], %broadcast_in_dim3A_5 {add = true} : memref<10240xf32, #tpu.memory_space<vmem>>[vector<16xi32>], vector<16xf32>,
      %mul3A_61 = arith.constant 5 : i32
      %mul3A_62 = arith.muli %scan3A_37, %mul3A_61 : i32
      %add3A_63 = arith.constant 3 : i32
      %add3A_64 = arith.addi %mul3A_62, %add3A_63 : i32
      %mul3A_65 = arith.constant 16 : i32
      %mul3A_66 = arith.muli %add3A_64, %mul3A_65 : i32
      %get3A_67 = arith.index_cast %mul3A_66 : i32 to index
      %get3A_68 = tpu.vector_load %arg6[%get3A_67] {strides = array<i32>} : memref<10000xi32, #tpu.memory_space<vmem>>, vector<16xi32>,
      tpu.vector_store_idx %arg7[%get3A_68], %broadcast_in_dim3A_5 {add = true} : memref<10240xf32, #tpu.memory_space<vmem>>[vector<16xi32>], vector<16xf32>,
      %mul3A_69 = arith.constant 5 : i32
      %mul3A_70 = arith.muli %scan3A_37, %mul3A_69 : i32
      %add3A_71 = arith.constant 4 : i32
      %add3A_72 = arith.addi %mul3A_70, %add3A_71 : i32
      %mul3A_73 = arith.constant 16 : i32
      %mul3A_74 = arith.muli %add3A_72, %mul3A_73 : i32
      %get3A_75 = arith.index_cast %mul3A_74 : i32 to index
      %get3A_76 = tpu.vector_load %arg6[%get3A_75] {strides = array<i32>} : memref<10000xi32, #tpu.memory_space<vmem>>, vector<16xi32>,
      tpu.vector_store_idx %arg7[%get3A_76], %broadcast_in_dim3A_5 {add = true} : memref<10240xf32, #tpu.memory_space<vmem>>[vector<16xi32>], vector<16xf32>,
    }
    %scan3A_10 = arith.constant 125 : i32
    "tpu.region"() ({
      %run_scoped3A_37 = tpu.sem_alloc : memref<!tpu.dma_semaphore, #tpu.memory_space<semaphore_mem>>
      %dma_start3A = arith.constant 0 : i32
      %dma_start3A_38 = tpu.memref_slice %arg5[%arg1, %dma_start3A] : memref<16x10240xf32, #tpu.memory_space<vmem_shared>> -> memref<1x10240xf32, #tpu.memory_space<vmem_shared>>
      %dma_start3A_39 = tpu.memref_squeeze %dma_start3A_38 : memref<1x10240xf32, #tpu.memory_space<vmem_shared>> -> memref<10240xf32, #tpu.memory_space<vmem_shared>>
      %dma_start3A_40 = arith.constant 0 : i32
      %dma_start3A_41 = tpu.memref_slice %arg5[%arg1, %dma_start3A_40] : memref<16x10240xf32, #tpu.memory_space<vmem_shared>> -> memref<1x10240xf32, #tpu.memory_space<vmem_shared>>
      %dma_start3A_42 = tpu.memref_squeeze %dma_start3A_41 : memref<1x10240xf32, #tpu.memory_space<vmem_shared>> -> memref<10240xf32, #tpu.memory_space<vmem_shared>>
      tpu.enqueue_dma source(%arg7 : memref<10240xf32, #tpu.memory_space<vmem>>) target(%dma_start3A_42 : memref<10240xf32, #tpu.memory_space<vmem_shared>>) target_semaphore(%run_scoped3A_37 : memref<!tpu.dma_semaphore, #tpu.memory_space<semaphore_mem>>)
      %dma_wait3A = arith.constant 0 : i32
      %dma_wait3A_43 = tpu.memref_slice %arg5[%arg1, %dma_wait3A] : memref<16x10240xf32, #tpu.memory_space<vmem_shared>> -> memref<1x10240xf32, #tpu.memory_space<vmem_shared>>
      %dma_wait3A_44 = tpu.memref_squeeze %dma_wait3A_43 : memref<1x10240xf32, #tpu.memory_space<vmem_shared>> -> memref<10240xf32, #tpu.memory_space<vmem_shared>>
      %dma_wait3A_45 = arith.constant 0 : i32
      %dma_wait3A_46 = tpu.memref_slice %arg5[%arg1, %dma_wait3A_45] : memref<16x10240xf32, #tpu.memory_space<vmem_shared>> -> memref<1x10240xf32, #tpu.memory_space<vmem_shared>>
      %dma_wait3A_47 = tpu.memref_squeeze %dma_wait3A_46 : memref<1x10240xf32, #tpu.memory_space<vmem_shared>> -> memref<10240xf32, #tpu.memory_space<vmem_shared>>
      tpu.wait_dma2 semaphore(%run_scoped3A_37 : memref<!tpu.dma_semaphore, #tpu.memory_space<semaphore_mem>>) src(%arg7 : memref<10240xf32, #tpu.memory_space<vmem>>) dst(%dma_wait3A_47 : memref<10240xf32, #tpu.memory_space<vmem_shared>>)
      tpu.yield
    }) : () -> ()
    %barrier3A = arith.constant 0 : index
    tpu.barrier barrier_id(%barrier3A)
    %mul3A_11 = arith.constant 640 : i32
    %mul3A_12 = arith.muli %arg1, %mul3A_11 : i32
    %run_scoped3A = arith.constant 0 : i32
    "tpu.region"() ({
      %run_scoped3A_37 = tpu.sem_alloc : memref<!tpu.dma_semaphore, #tpu.memory_space<semaphore_mem>>
      %dma_start3A = arith.constant 0 : i32
      %dma_start3A_38 = tpu.memref_slice %arg8[%dma_start3A] : memref<10240xf32, #tpu.memory_space<vmem>> -> memref<640xf32, #tpu.memory_space<vmem>>
      %dma_start3A_39 = tpu.memref_slice %arg5[%run_scoped3A, %mul3A_12] : memref<16x10240xf32, #tpu.memory_space<vmem_shared>> -> memref<1x640xf32, #tpu.memory_space<vmem_shared>>
      %dma_start3A_40 = tpu.memref_squeeze %dma_start3A_39 : memref<1x640xf32, #tpu.memory_space<vmem_shared>> -> memref<640xf32, #tpu.memory_space<vmem_shared>>
      %dma_start3A_41 = arith.constant 0 : i32
      %dma_start3A_42 = tpu.memref_slice %arg8[%dma_start3A_41] : memref<10240xf32, #tpu.memory_space<vmem>> -> memref<640xf32, #tpu.memory_space<vmem>>
      %dma_start3A_43 = tpu.memref_slice %arg5[%run_scoped3A, %mul3A_12] : memref<16x10240xf32, #tpu.memory_space<vmem_shared>> -> memref<1x640xf32, #tpu.memory_space<vmem_shared>>
      %dma_start3A_44 = tpu.memref_squeeze %dma_start3A_43 : memref<1x640xf32, #tpu.memory_space<vmem_shared>> -> memref<640xf32, #tpu.memory_space<vmem_shared>>
      tpu.enqueue_dma source(%dma_start3A_44 : memref<640xf32, #tpu.memory_space<vmem_shared>>) target(%dma_start3A_42 : memref<640xf32, #tpu.memory_space<vmem>>) target_semaphore(%run_scoped3A_37 : memref<!tpu.dma_semaphore, #tpu.memory_space<semaphore_mem>>)
      %dma_wait3A = arith.constant 0 : i32
      %dma_wait3A_45 = tpu.memref_slice %arg8[%dma_wait3A] : memref<10240xf32, #tpu.memory_space<vmem>> -> memref<640xf32, #tpu.memory_space<vmem>>
      %dma_wait3A_46 = tpu.memref_slice %arg5[%run_scoped3A, %mul3A_12] : memref<16x10240xf32, #tpu.memory_space<vmem_shared>> -> memref<1x640xf32, #tpu.memory_space<vmem_shared>>
      %dma_wait3A_47 = tpu.memref_squeeze %dma_wait3A_46 : memref<1x640xf32, #tpu.memory_space<vmem_shared>> -> memref<640xf32, #tpu.memory_space<vmem_shared>>
      %dma_wait3A_48 = arith.constant 0 : i32
      %dma_wait3A_49 = tpu.memref_slice %arg8[%dma_wait3A_48] : memref<10240xf32, #tpu.memory_space<vmem>> -> memref<640xf32, #tpu.memory_space<vmem>>
      %dma_wait3A_50 = tpu.memref_slice %arg5[%run_scoped3A, %mul3A_12] : memref<16x10240xf32, #tpu.memory_space<vmem_shared>> -> memref<1x640xf32, #tpu.memory_space<vmem_shared>>
      %dma_wait3A_51 = tpu.memref_squeeze %dma_wait3A_50 : memref<1x640xf32, #tpu.memory_space<vmem_shared>> -> memref<640xf32, #tpu.memory_space<vmem_shared>>
      tpu.wait_dma2 semaphore(%run_scoped3A_37 : memref<!tpu.dma_semaphore, #tpu.memory_space<semaphore_mem>>) src(%dma_wait3A_51 : memref<640xf32, #tpu.memory_space<vmem_shared>>) dst(%dma_wait3A_49 : memref<640xf32, #tpu.memory_space<vmem>>)
      tpu.yield
    }) : () -> ()
    %run_scoped3A_13 = arith.constant 1 : i32
    "tpu.region"() ({
      %run_scoped3A_37 = tpu.sem_alloc : memref<!tpu.dma_semaphore, #tpu.memory_space<semaphore_mem>>
      %dma_start3A = arith.constant 640 : i32
      %dma_start3A_38 = tpu.memref_slice %arg8[%dma_start3A] : memref<10240xf32, #tpu.memory_space<vmem>> -> memref<640xf32, #tpu.memory_space<vmem>>
      %dma_start3A_39 = tpu.memref_slice %arg5[%run_scoped3A_13, %mul3A_12] : memref<16x10240xf32, #tpu.memory_space<vmem_shared>> -> memref<1x640xf32, #tpu.memory_space<vmem_shared>>
      %dma_start3A_40 = tpu.memref_squeeze %dma_start3A_39 : memref<1x640xf32, #tpu.memory_space<vmem_shared>> -> memref<640xf32, #tpu.memory_space<vmem_shared>>
      %dma_start3A_41 = arith.constant 640 : i32
      %dma_start3A_42 = tpu.memref_slice %arg8[%dma_start3A_41] : memref<10240xf32, #tpu.memory_space<vmem>> -> memref<640xf32, #tpu.memory_space<vmem>>
      %dma_start3A_43 = tpu.memref_slice %arg5[%run_scoped3A_13, %mul3A_12] : memref<16x10240xf32, #tpu.memory_space<vmem_shared>> -> memref<1x640xf32, #tpu.memory_space<vmem_shared>>
      %dma_start3A_44 = tpu.memref_squeeze %dma_start3A_43 : memref<1x640xf32, #tpu.memory_space<vmem_shared>> -> memref<640xf32, #tpu.memory_space<vmem_shared>>
      tpu.enqueue_dma source(%dma_start3A_44 : memref<640xf32, #tpu.memory_space<vmem_shared>>) target(%dma_start3A_42 : memref<640xf32, #tpu.memory_space<vmem>>) target_semaphore(%run_scoped3A_37 : memref<!tpu.dma_semaphore, #tpu.memory_space<semaphore_mem>>)
      %dma_wait3A = arith.constant 640 : i32
      %dma_wait3A_45 = tpu.memref_slice %arg8[%dma_wait3A] : memref<10240xf32, #tpu.memory_space<vmem>> -> memref<640xf32, #tpu.memory_space<vmem>>
      %dma_wait3A_46 = tpu.memref_slice %arg5[%run_scoped3A_13, %mul3A_12] : memref<16x10240xf32, #tpu.memory_space<vmem_shared>> -> memref<1x640xf32, #tpu.memory_space<vmem_shared>>
      %dma_wait3A_47 = tpu.memref_squeeze %dma_wait3A_46 : memref<1x640xf32, #tpu.memory_space<vmem_shared>> -> memref<640xf32, #tpu.memory_space<vmem_shared>>
      %dma_wait3A_48 = arith.constant 640 : i32
      %dma_wait3A_49 = tpu.memref_slice %arg8[%dma_wait3A_48] : memref<10240xf32, #tpu.memory_space<vmem>> -> memref<640xf32, #tpu.memory_space<vmem>>
      %dma_wait3A_50 = tpu.memref_slice %arg5[%run_scoped3A_13, %mul3A_12] : memref<16x10240xf32, #tpu.memory_space<vmem_shared>> -> memref<1x640xf32, #tpu.memory_space<vmem_shared>>
      %dma_wait3A_51 = tpu.memref_squeeze %dma_wait3A_50 : memref<1x640xf32, #tpu.memory_space<vmem_shared>> -> memref<640xf32, #tpu.memory_space<vmem_shared>>
      tpu.wait_dma2 semaphore(%run_scoped3A_37 : memref<!tpu.dma_semaphore, #tpu.memory_space<semaphore_mem>>) src(%dma_wait3A_51 : memref<640xf32, #tpu.memory_space<vmem_shared>>) dst(%dma_wait3A_49 : memref<640xf32, #tpu.memory_space<vmem>>)
      tpu.yield
    }) : () -> ()
    %run_scoped3A_14 = arith.constant 2 : i32
    "tpu.region"() ({
      %run_scoped3A_37 = tpu.sem_alloc : memref<!tpu.dma_semaphore, #tpu.memory_space<semaphore_mem>>
      %dma_start3A = arith.constant 1280 : i32
      %dma_start3A_38 = tpu.memref_slice %arg8[%dma_start3A] : memref<10240xf32, #tpu.memory_space<vmem>> -> memref<640xf32, #tpu.memory_space<vmem>>
      %dma_start3A_39 = tpu.memref_slice %arg5[%run_scoped3A_14, %mul3A_12] : memref<16x10240xf32, #tpu.memory_space<vmem_shared>> -> memref<1x640xf32, #tpu.memory_space<vmem_shared>>
      %dma_start3A_40 = tpu.memref_squeeze %dma_start3A_39 : memref<1x640xf32, #tpu.memory_space<vmem_shared>> -> memref<640xf32, #tpu.memory_space<vmem_shared>>
      %dma_start3A_41 = arith.constant 1280 : i32
      %dma_start3A_42 = tpu.memref_slice %arg8[%dma_start3A_41] : memref<10240xf32, #tpu.memory_space<vmem>> -> memref<640xf32, #tpu.memory_space<vmem>>
      %dma_start3A_43 = tpu.memref_slice %arg5[%run_scoped3A_14, %mul3A_12] : memref<16x10240xf32, #tpu.memory_space<vmem_shared>> -> memref<1x640xf32, #tpu.memory_space<vmem_shared>>
      %dma_start3A_44 = tpu.memref_squeeze %dma_start3A_43 : memref<1x640xf32, #tpu.memory_space<vmem_shared>> -> memref<640xf32, #tpu.memory_space<vmem_shared>>
      tpu.enqueue_dma source(%dma_start3A_44 : memref<640xf32, #tpu.memory_space<vmem_shared>>) target(%dma_start3A_42 : memref<640xf32, #tpu.memory_space<vmem>>) target_semaphore(%run_scoped3A_37 : memref<!tpu.dma_semaphore, #tpu.memory_space<semaphore_mem>>)
      %dma_wait3A = arith.constant 1280 : i32
      %dma_wait3A_45 = tpu.memref_slice %arg8[%dma_wait3A] : memref<10240xf32, #tpu.memory_space<vmem>> -> memref<640xf32, #tpu.memory_space<vmem>>
      %dma_wait3A_46 = tpu.memref_slice %arg5[%run_scoped3A_14, %mul3A_12] : memref<16x10240xf32, #tpu.memory_space<vmem_shared>> -> memref<1x640xf32, #tpu.memory_space<vmem_shared>>
      %dma_wait3A_47 = tpu.memref_squeeze %dma_wait3A_46 : memref<1x640xf32, #tpu.memory_space<vmem_shared>> -> memref<640xf32, #tpu.memory_space<vmem_shared>>
      %dma_wait3A_48 = arith.constant 1280 : i32
      %dma_wait3A_49 = tpu.memref_slice %arg8[%dma_wait3A_48] : memref<10240xf32, #tpu.memory_space<vmem>> -> memref<640xf32, #tpu.memory_space<vmem>>
      %dma_wait3A_50 = tpu.memref_slice %arg5[%run_scoped3A_14, %mul3A_12] : memref<16x10240xf32, #tpu.memory_space<vmem_shared>> -> memref<1x640xf32, #tpu.memory_space<vmem_shared>>
      %dma_wait3A_51 = tpu.memref_squeeze %dma_wait3A_50 : memref<1x640xf32, #tpu.memory_space<vmem_shared>> -> memref<640xf32, #tpu.memory_space<vmem_shared>>
      tpu.wait_dma2 semaphore(%run_scoped3A_37 : memref<!tpu.dma_semaphore, #tpu.memory_space<semaphore_mem>>) src(%dma_wait3A_51 : memref<640xf32, #tpu.memory_space<vmem_shared>>) dst(%dma_wait3A_49 : memref<640xf32, #tpu.memory_space<vmem>>)
      tpu.yield
    }) : () -> ()
    %run_scoped3A_15 = arith.constant 3 : i32
    "tpu.region"() ({
      %run_scoped3A_37 = tpu.sem_alloc : memref<!tpu.dma_semaphore, #tpu.memory_space<semaphore_mem>>
      %dma_start3A = arith.constant 1920 : i32
      %dma_start3A_38 = tpu.memref_slice %arg8[%dma_start3A] : memref<10240xf32, #tpu.memory_space<vmem>> -> memref<640xf32, #tpu.memory_space<vmem>>
      %dma_start3A_39 = tpu.memref_slice %arg5[%run_scoped3A_15, %mul3A_12] : memref<16x10240xf32, #tpu.memory_space<vmem_shared>> -> memref<1x640xf32, #tpu.memory_space<vmem_shared>>
      %dma_start3A_40 = tpu.memref_squeeze %dma_start3A_39 : memref<1x640xf32, #tpu.memory_space<vmem_shared>> -> memref<640xf32, #tpu.memory_space<vmem_shared>>
      %dma_start3A_41 = arith.constant 1920 : i32
      %dma_start3A_42 = tpu.memref_slice %arg8[%dma_start3A_41] : memref<10240xf32, #tpu.memory_space<vmem>> -> memref<640xf32, #tpu.memory_space<vmem>>
      %dma_start3A_43 = tpu.memref_slice %arg5[%run_scoped3A_15, %mul3A_12] : memref<16x10240xf32, #tpu.memory_space<vmem_shared>> -> memref<1x640xf32, #tpu.memory_space<vmem_shared>>
      %dma_start3A_44 = tpu.memref_squeeze %dma_start3A_43 : memref<1x640xf32, #tpu.memory_space<vmem_shared>> -> memref<640xf32, #tpu.memory_space<vmem_shared>>
      tpu.enqueue_dma source(%dma_start3A_44 : memref<640xf32, #tpu.memory_space<vmem_shared>>) target(%dma_start3A_42 : memref<640xf32, #tpu.memory_space<vmem>>) target_semaphore(%run_scoped3A_37 : memref<!tpu.dma_semaphore, #tpu.memory_space<semaphore_mem>>)
      %dma_wait3A = arith.constant 1920 : i32
      %dma_wait3A_45 = tpu.memref_slice %arg8[%dma_wait3A] : memref<10240xf32, #tpu.memory_space<vmem>> -> memref<640xf32, #tpu.memory_space<vmem>>
      %dma_wait3A_46 = tpu.memref_slice %arg5[%run_scoped3A_15, %mul3A_12] : memref<16x10240xf32, #tpu.memory_space<vmem_shared>> -> memref<1x640xf32, #tpu.memory_space<vmem_shared>>
      %dma_wait3A_47 = tpu.memref_squeeze %dma_wait3A_46 : memref<1x640xf32, #tpu.memory_space<vmem_shared>> -> memref<640xf32, #tpu.memory_space<vmem_shared>>
      %dma_wait3A_48 = arith.constant 1920 : i32
      %dma_wait3A_49 = tpu.memref_slice %arg8[%dma_wait3A_48] : memref<10240xf32, #tpu.memory_space<vmem>> -> memref<640xf32, #tpu.memory_space<vmem>>
      %dma_wait3A_50 = tpu.memref_slice %arg5[%run_scoped3A_15, %mul3A_12] : memref<16x10240xf32, #tpu.memory_space<vmem_shared>> -> memref<1x640xf32, #tpu.memory_space<vmem_shared>>
      %dma_wait3A_51 = tpu.memref_squeeze %dma_wait3A_50 : memref<1x640xf32, #tpu.memory_space<vmem_shared>> -> memref<640xf32, #tpu.memory_space<vmem_shared>>
      tpu.wait_dma2 semaphore(%run_scoped3A_37 : memref<!tpu.dma_semaphore, #tpu.memory_space<semaphore_mem>>) src(%dma_wait3A_51 : memref<640xf32, #tpu.memory_space<vmem_shared>>) dst(%dma_wait3A_49 : memref<640xf32, #tpu.memory_space<vmem>>)
      tpu.yield
    }) : () -> ()
    %run_scoped3A_16 = arith.constant 4 : i32
    "tpu.region"() ({
      %run_scoped3A_37 = tpu.sem_alloc : memref<!tpu.dma_semaphore, #tpu.memory_space<semaphore_mem>>
      %dma_start3A = arith.constant 2560 : i32
      %dma_start3A_38 = tpu.memref_slice %arg8[%dma_start3A] : memref<10240xf32, #tpu.memory_space<vmem>> -> memref<640xf32, #tpu.memory_space<vmem>>
      %dma_start3A_39 = tpu.memref_slice %arg5[%run_scoped3A_16, %mul3A_12] : memref<16x10240xf32, #tpu.memory_space<vmem_shared>> -> memref<1x640xf32, #tpu.memory_space<vmem_shared>>
      %dma_start3A_40 = tpu.memref_squeeze %dma_start3A_39 : memref<1x640xf32, #tpu.memory_space<vmem_shared>> -> memref<640xf32, #tpu.memory_space<vmem_shared>>
      %dma_start3A_41 = arith.constant 2560 : i32
      %dma_start3A_42 = tpu.memref_slice %arg8[%dma_start3A_41] : memref<10240xf32, #tpu.memory_space<vmem>> -> memref<640xf32, #tpu.memory_space<vmem>>
      %dma_start3A_43 = tpu.memref_slice %arg5[%run_scoped3A_16, %mul3A_12] : memref<16x10240xf32, #tpu.memory_space<vmem_shared>> -> memref<1x640xf32, #tpu.memory_space<vmem_shared>>
      %dma_start3A_44 = tpu.memref_squeeze %dma_start3A_43 : memref<1x640xf32, #tpu.memory_space<vmem_shared>> -> memref<640xf32, #tpu.memory_space<vmem_shared>>
      tpu.enqueue_dma source(%dma_start3A_44 : memref<640xf32, #tpu.memory_space<vmem_shared>>) target(%dma_start3A_42 : memref<640xf32, #tpu.memory_space<vmem>>) target_semaphore(%run_scoped3A_37 : memref<!tpu.dma_semaphore, #tpu.memory_space<semaphore_mem>>)
      %dma_wait3A = arith.constant 2560 : i32
      %dma_wait3A_45 = tpu.memref_slice %arg8[%dma_wait3A] : memref<10240xf32, #tpu.memory_space<vmem>> -> memref<640xf32, #tpu.memory_space<vmem>>
      %dma_wait3A_46 = tpu.memref_slice %arg5[%run_scoped3A_16, %mul3A_12] : memref<16x10240xf32, #tpu.memory_space<vmem_shared>> -> memref<1x640xf32, #tpu.memory_space<vmem_shared>>
      %dma_wait3A_47 = tpu.memref_squeeze %dma_wait3A_46 : memref<1x640xf32, #tpu.memory_space<vmem_shared>> -> memref<640xf32, #tpu.memory_space<vmem_shared>>
      %dma_wait3A_48 = arith.constant 2560 : i32
      %dma_wait3A_49 = tpu.memref_slice %arg8[%dma_wait3A_48] : memref<10240xf32, #tpu.memory_space<vmem>> -> memref<640xf32, #tpu.memory_space<vmem>>
      %dma_wait3A_50 = tpu.memref_slice %arg5[%run_scoped3A_16, %mul3A_12] : memref<16x10240xf32, #tpu.memory_space<vmem_shared>> -> memref<1x640xf32, #tpu.memory_space<vmem_shared>>
      %dma_wait3A_51 = tpu.memref_squeeze %dma_wait3A_50 : memref<1x640xf32, #tpu.memory_space<vmem_shared>> -> memref<640xf32, #tpu.memory_space<vmem_shared>>
      tpu.wait_dma2 semaphore(%run_scoped3A_37 : memref<!tpu.dma_semaphore, #tpu.memory_space<semaphore_mem>>) src(%dma_wait3A_51 : memref<640xf32, #tpu.memory_space<vmem_shared>>) dst(%dma_wait3A_49 : memref<640xf32, #tpu.memory_space<vmem>>)
      tpu.yield
    }) : () -> ()
    %run_scoped3A_17 = arith.constant 5 : i32
    "tpu.region"() ({
      %run_scoped3A_37 = tpu.sem_alloc : memref<!tpu.dma_semaphore, #tpu.memory_space<semaphore_mem>>
      %dma_start3A = arith.constant 3200 : i32
      %dma_start3A_38 = tpu.memref_slice %arg8[%dma_start3A] : memref<10240xf32, #tpu.memory_space<vmem>> -> memref<640xf32, #tpu.memory_space<vmem>>
      %dma_start3A_39 = tpu.memref_slice %arg5[%run_scoped3A_17, %mul3A_12] : memref<16x10240xf32, #tpu.memory_space<vmem_shared>> -> memref<1x640xf32, #tpu.memory_space<vmem_shared>>
      %dma_start3A_40 = tpu.memref_squeeze %dma_start3A_39 : memref<1x640xf32, #tpu.memory_space<vmem_shared>> -> memref<640xf32, #tpu.memory_space<vmem_shared>>
      %dma_start3A_41 = arith.constant 3200 : i32
      %dma_start3A_42 = tpu.memref_slice %arg8[%dma_start3A_41] : memref<10240xf32, #tpu.memory_space<vmem>> -> memref<640xf32, #tpu.memory_space<vmem>>
      %dma_start3A_43 = tpu.memref_slice %arg5[%run_scoped3A_17, %mul3A_12] : memref<16x10240xf32, #tpu.memory_space<vmem_shared>> -> memref<1x640xf32, #tpu.memory_space<vmem_shared>>
      %dma_start3A_44 = tpu.memref_squeeze %dma_start3A_43 : memref<1x640xf32, #tpu.memory_space<vmem_shared>> -> memref<640xf32, #tpu.memory_space<vmem_shared>>
      tpu.enqueue_dma source(%dma_start3A_44 : memref<640xf32, #tpu.memory_space<vmem_shared>>) target(%dma_start3A_42 : memref<640xf32, #tpu.memory_space<vmem>>) target_semaphore(%run_scoped3A_37 : memref<!tpu.dma_semaphore, #tpu.memory_space<semaphore_mem>>)
      %dma_wait3A = arith.constant 3200 : i32
      %dma_wait3A_45 = tpu.memref_slice %arg8[%dma_wait3A] : memref<10240xf32, #tpu.memory_space<vmem>> -> memref<640xf32, #tpu.memory_space<vmem>>
      %dma_wait3A_46 = tpu.memref_slice %arg5[%run_scoped3A_17, %mul3A_12] : memref<16x10240xf32, #tpu.memory_space<vmem_shared>> -> memref<1x640xf32, #tpu.memory_space<vmem_shared>>
      %dma_wait3A_47 = tpu.memref_squeeze %dma_wait3A_46 : memref<1x640xf32, #tpu.memory_space<vmem_shared>> -> memref<640xf32, #tpu.memory_space<vmem_shared>>
      %dma_wait3A_48 = arith.constant 3200 : i32
      %dma_wait3A_49 = tpu.memref_slice %arg8[%dma_wait3A_48] : memref<10240xf32, #tpu.memory_space<vmem>> -> memref<640xf32, #tpu.memory_space<vmem>>
      %dma_wait3A_50 = tpu.memref_slice %arg5[%run_scoped3A_17, %mul3A_12] : memref<16x10240xf32, #tpu.memory_space<vmem_shared>> -> memref<1x640xf32, #tpu.memory_space<vmem_shared>>
      %dma_wait3A_51 = tpu.memref_squeeze %dma_wait3A_50 : memref<1x640xf32, #tpu.memory_space<vmem_shared>> -> memref<640xf32, #tpu.memory_space<vmem_shared>>
      tpu.wait_dma2 semaphore(%run_scoped3A_37 : memref<!tpu.dma_semaphore, #tpu.memory_space<semaphore_mem>>) src(%dma_wait3A_51 : memref<640xf32, #tpu.memory_space<vmem_shared>>) dst(%dma_wait3A_49 : memref<640xf32, #tpu.memory_space<vmem>>)
      tpu.yield
    }) : () -> ()
    %run_scoped3A_18 = arith.constant 6 : i32
    "tpu.region"() ({
      %run_scoped3A_37 = tpu.sem_alloc : memref<!tpu.dma_semaphore, #tpu.memory_space<semaphore_mem>>
      %dma_start3A = arith.constant 3840 : i32
      %dma_start3A_38 = tpu.memref_slice %arg8[%dma_start3A] : memref<10240xf32, #tpu.memory_space<vmem>> -> memref<640xf32, #tpu.memory_space<vmem>>
      %dma_start3A_39 = tpu.memref_slice %arg5[%run_scoped3A_18, %mul3A_12] : memref<16x10240xf32, #tpu.memory_space<vmem_shared>> -> memref<1x640xf32, #tpu.memory_space<vmem_shared>>
      %dma_start3A_40 = tpu.memref_squeeze %dma_start3A_39 : memref<1x640xf32, #tpu.memory_space<vmem_shared>> -> memref<640xf32, #tpu.memory_space<vmem_shared>>
      %dma_start3A_41 = arith.constant 3840 : i32
      %dma_start3A_42 = tpu.memref_slice %arg8[%dma_start3A_41] : memref<10240xf32, #tpu.memory_space<vmem>> -> memref<640xf32, #tpu.memory_space<vmem>>
      %dma_start3A_43 = tpu.memref_slice %arg5[%run_scoped3A_18, %mul3A_12] : memref<16x10240xf32, #tpu.memory_space<vmem_shared>> -> memref<1x640xf32, #tpu.memory_space<vmem_shared>>
      %dma_start3A_44 = tpu.memref_squeeze %dma_start3A_43 : memref<1x640xf32, #tpu.memory_space<vmem_shared>> -> memref<640xf32, #tpu.memory_space<vmem_shared>>
      tpu.enqueue_dma source(%dma_start3A_44 : memref<640xf32, #tpu.memory_space<vmem_shared>>) target(%dma_start3A_42 : memref<640xf32, #tpu.memory_space<vmem>>) target_semaphore(%run_scoped3A_37 : memref<!tpu.dma_semaphore, #tpu.memory_space<semaphore_mem>>)
      %dma_wait3A = arith.constant 3840 : i32
      %dma_wait3A_45 = tpu.memref_slice %arg8[%dma_wait3A] : memref<10240xf32, #tpu.memory_space<vmem>> -> memref<640xf32, #tpu.memory_space<vmem>>
      %dma_wait3A_46 = tpu.memref_slice %arg5[%run_scoped3A_18, %mul3A_12] : memref<16x10240xf32, #tpu.memory_space<vmem_shared>> -> memref<1x640xf32, #tpu.memory_space<vmem_shared>>
      %dma_wait3A_47 = tpu.memref_squeeze %dma_wait3A_46 : memref<1x640xf32, #tpu.memory_space<vmem_shared>> -> memref<640xf32, #tpu.memory_space<vmem_shared>>
      %dma_wait3A_48 = arith.constant 3840 : i32
      %dma_wait3A_49 = tpu.memref_slice %arg8[%dma_wait3A_48] : memref<10240xf32, #tpu.memory_space<vmem>> -> memref<640xf32, #tpu.memory_space<vmem>>
      %dma_wait3A_50 = tpu.memref_slice %arg5[%run_scoped3A_18, %mul3A_12] : memref<16x10240xf32, #tpu.memory_space<vmem_shared>> -> memref<1x640xf32, #tpu.memory_space<vmem_shared>>
      %dma_wait3A_51 = tpu.memref_squeeze %dma_wait3A_50 : memref<1x640xf32, #tpu.memory_space<vmem_shared>> -> memref<640xf32, #tpu.memory_space<vmem_shared>>
      tpu.wait_dma2 semaphore(%run_scoped3A_37 : memref<!tpu.dma_semaphore, #tpu.memory_space<semaphore_mem>>) src(%dma_wait3A_51 : memref<640xf32, #tpu.memory_space<vmem_shared>>) dst(%dma_wait3A_49 : memref<640xf32, #tpu.memory_space<vmem>>)
      tpu.yield
    }) : () -> ()
    %run_scoped3A_19 = arith.constant 7 : i32
    "tpu.region"() ({
      %run_scoped3A_37 = tpu.sem_alloc : memref<!tpu.dma_semaphore, #tpu.memory_space<semaphore_mem>>
      %dma_start3A = arith.constant 4480 : i32
      %dma_start3A_38 = tpu.memref_slice %arg8[%dma_start3A] : memref<10240xf32, #tpu.memory_space<vmem>> -> memref<640xf32, #tpu.memory_space<vmem>>
      %dma_start3A_39 = tpu.memref_slice %arg5[%run_scoped3A_19, %mul3A_12] : memref<16x10240xf32, #tpu.memory_space<vmem_shared>> -> memref<1x640xf32, #tpu.memory_space<vmem_shared>>
      %dma_start3A_40 = tpu.memref_squeeze %dma_start3A_39 : memref<1x640xf32, #tpu.memory_space<vmem_shared>> -> memref<640xf32, #tpu.memory_space<vmem_shared>>
      %dma_start3A_41 = arith.constant 4480 : i32
      %dma_start3A_42 = tpu.memref_slice %arg8[%dma_start3A_41] : memref<10240xf32, #tpu.memory_space<vmem>> -> memref<640xf32, #tpu.memory_space<vmem>>
      %dma_start3A_43 = tpu.memref_slice %arg5[%run_scoped3A_19, %mul3A_12] : memref<16x10240xf32, #tpu.memory_space<vmem_shared>> -> memref<1x640xf32, #tpu.memory_space<vmem_shared>>
      %dma_start3A_44 = tpu.memref_squeeze %dma_start3A_43 : memref<1x640xf32, #tpu.memory_space<vmem_shared>> -> memref<640xf32, #tpu.memory_space<vmem_shared>>
      tpu.enqueue_dma source(%dma_start3A_44 : memref<640xf32, #tpu.memory_space<vmem_shared>>) target(%dma_start3A_42 : memref<640xf32, #tpu.memory_space<vmem>>) target_semaphore(%run_scoped3A_37 : memref<!tpu.dma_semaphore, #tpu.memory_space<semaphore_mem>>)
      %dma_wait3A = arith.constant 4480 : i32
      %dma_wait3A_45 = tpu.memref_slice %arg8[%dma_wait3A] : memref<10240xf32, #tpu.memory_space<vmem>> -> memref<640xf32, #tpu.memory_space<vmem>>
      %dma_wait3A_46 = tpu.memref_slice %arg5[%run_scoped3A_19, %mul3A_12] : memref<16x10240xf32, #tpu.memory_space<vmem_shared>> -> memref<1x640xf32, #tpu.memory_space<vmem_shared>>
      %dma_wait3A_47 = tpu.memref_squeeze %dma_wait3A_46 : memref<1x640xf32, #tpu.memory_space<vmem_shared>> -> memref<640xf32, #tpu.memory_space<vmem_shared>>
      %dma_wait3A_48 = arith.constant 4480 : i32
      %dma_wait3A_49 = tpu.memref_slice %arg8[%dma_wait3A_48] : memref<10240xf32, #tpu.memory_space<vmem>> -> memref<640xf32, #tpu.memory_space<vmem>>
      %dma_wait3A_50 = tpu.memref_slice %arg5[%run_scoped3A_19, %mul3A_12] : memref<16x10240xf32, #tpu.memory_space<vmem_shared>> -> memref<1x640xf32, #tpu.memory_space<vmem_shared>>
      %dma_wait3A_51 = tpu.memref_squeeze %dma_wait3A_50 : memref<1x640xf32, #tpu.memory_space<vmem_shared>> -> memref<640xf32, #tpu.memory_space<vmem_shared>>
      tpu.wait_dma2 semaphore(%run_scoped3A_37 : memref<!tpu.dma_semaphore, #tpu.memory_space<semaphore_mem>>) src(%dma_wait3A_51 : memref<640xf32, #tpu.memory_space<vmem_shared>>) dst(%dma_wait3A_49 : memref<640xf32, #tpu.memory_space<vmem>>)
      tpu.yield
    }) : () -> ()
    %run_scoped3A_20 = arith.constant 8 : i32
    "tpu.region"() ({
      %run_scoped3A_37 = tpu.sem_alloc : memref<!tpu.dma_semaphore, #tpu.memory_space<semaphore_mem>>
      %dma_start3A = arith.constant 5120 : i32
      %dma_start3A_38 = tpu.memref_slice %arg8[%dma_start3A] : memref<10240xf32, #tpu.memory_space<vmem>> -> memref<640xf32, #tpu.memory_space<vmem>>
      %dma_start3A_39 = tpu.memref_slice %arg5[%run_scoped3A_20, %mul3A_12] : memref<16x10240xf32, #tpu.memory_space<vmem_shared>> -> memref<1x640xf32, #tpu.memory_space<vmem_shared>>
      %dma_start3A_40 = tpu.memref_squeeze %dma_start3A_39 : memref<1x640xf32, #tpu.memory_space<vmem_shared>> -> memref<640xf32, #tpu.memory_space<vmem_shared>>
      %dma_start3A_41 = arith.constant 5120 : i32
      %dma_start3A_42 = tpu.memref_slice %arg8[%dma_start3A_41] : memref<10240xf32, #tpu.memory_space<vmem>> -> memref<640xf32, #tpu.memory_space<vmem>>
      %dma_start3A_43 = tpu.memref_slice %arg5[%run_scoped3A_20, %mul3A_12] : memref<16x10240xf32, #tpu.memory_space<vmem_shared>> -> memref<1x640xf32, #tpu.memory_space<vmem_shared>>
      %dma_start3A_44 = tpu.memref_squeeze %dma_start3A_43 : memref<1x640xf32, #tpu.memory_space<vmem_shared>> -> memref<640xf32, #tpu.memory_space<vmem_shared>>
      tpu.enqueue_dma source(%dma_start3A_44 : memref<640xf32, #tpu.memory_space<vmem_shared>>) target(%dma_start3A_42 : memref<640xf32, #tpu.memory_space<vmem>>) target_semaphore(%run_scoped3A_37 : memref<!tpu.dma_semaphore, #tpu.memory_space<semaphore_mem>>)
      %dma_wait3A = arith.constant 5120 : i32
      %dma_wait3A_45 = tpu.memref_slice %arg8[%dma_wait3A] : memref<10240xf32, #tpu.memory_space<vmem>> -> memref<640xf32, #tpu.memory_space<vmem>>
      %dma_wait3A_46 = tpu.memref_slice %arg5[%run_scoped3A_20, %mul3A_12] : memref<16x10240xf32, #tpu.memory_space<vmem_shared>> -> memref<1x640xf32, #tpu.memory_space<vmem_shared>>
      %dma_wait3A_47 = tpu.memref_squeeze %dma_wait3A_46 : memref<1x640xf32, #tpu.memory_space<vmem_shared>> -> memref<640xf32, #tpu.memory_space<vmem_shared>>
      %dma_wait3A_48 = arith.constant 5120 : i32
      %dma_wait3A_49 = tpu.memref_slice %arg8[%dma_wait3A_48] : memref<10240xf32, #tpu.memory_space<vmem>> -> memref<640xf32, #tpu.memory_space<vmem>>
      %dma_wait3A_50 = tpu.memref_slice %arg5[%run_scoped3A_20, %mul3A_12] : memref<16x10240xf32, #tpu.memory_space<vmem_shared>> -> memref<1x640xf32, #tpu.memory_space<vmem_shared>>
      %dma_wait3A_51 = tpu.memref_squeeze %dma_wait3A_50 : memref<1x640xf32, #tpu.memory_space<vmem_shared>> -> memref<640xf32, #tpu.memory_space<vmem_shared>>
      tpu.wait_dma2 semaphore(%run_scoped3A_37 : memref<!tpu.dma_semaphore, #tpu.memory_space<semaphore_mem>>) src(%dma_wait3A_51 : memref<640xf32, #tpu.memory_space<vmem_shared>>) dst(%dma_wait3A_49 : memref<640xf32, #tpu.memory_space<vmem>>)
      tpu.yield
    }) : () -> ()
    %run_scoped3A_21 = arith.constant 9 : i32
    "tpu.region"() ({
      %run_scoped3A_37 = tpu.sem_alloc : memref<!tpu.dma_semaphore, #tpu.memory_space<semaphore_mem>>
      %dma_start3A = arith.constant 5760 : i32
      %dma_start3A_38 = tpu.memref_slice %arg8[%dma_start3A] : memref<10240xf32, #tpu.memory_space<vmem>> -> memref<640xf32, #tpu.memory_space<vmem>>
      %dma_start3A_39 = tpu.memref_slice %arg5[%run_scoped3A_21, %mul3A_12] : memref<16x10240xf32, #tpu.memory_space<vmem_shared>> -> memref<1x640xf32, #tpu.memory_space<vmem_shared>>
      %dma_start3A_40 = tpu.memref_squeeze %dma_start3A_39 : memref<1x640xf32, #tpu.memory_space<vmem_shared>> -> memref<640xf32, #tpu.memory_space<vmem_shared>>
      %dma_start3A_41 = arith.constant 5760 : i32
      %dma_start3A_42 = tpu.memref_slice %arg8[%dma_start3A_41] : memref<10240xf32, #tpu.memory_space<vmem>> -> memref<640xf32, #tpu.memory_space<vmem>>
      %dma_start3A_43 = tpu.memref_slice %arg5[%run_scoped3A_21, %mul3A_12] : memref<16x10240xf32, #tpu.memory_space<vmem_shared>> -> memref<1x640xf32, #tpu.memory_space<vmem_shared>>
      %dma_start3A_44 = tpu.memref_squeeze %dma_start3A_43 : memref<1x640xf32, #tpu.memory_space<vmem_shared>> -> memref<640xf32, #tpu.memory_space<vmem_shared>>
      tpu.enqueue_dma source(%dma_start3A_44 : memref<640xf32, #tpu.memory_space<vmem_shared>>) target(%dma_start3A_42 : memref<640xf32, #tpu.memory_space<vmem>>) target_semaphore(%run_scoped3A_37 : memref<!tpu.dma_semaphore, #tpu.memory_space<semaphore_mem>>)
      %dma_wait3A = arith.constant 5760 : i32
      %dma_wait3A_45 = tpu.memref_slice %arg8[%dma_wait3A] : memref<10240xf32, #tpu.memory_space<vmem>> -> memref<640xf32, #tpu.memory_space<vmem>>
      %dma_wait3A_46 = tpu.memref_slice %arg5[%run_scoped3A_21, %mul3A_12] : memref<16x10240xf32, #tpu.memory_space<vmem_shared>> -> memref<1x640xf32, #tpu.memory_space<vmem_shared>>
      %dma_wait3A_47 = tpu.memref_squeeze %dma_wait3A_46 : memref<1x640xf32, #tpu.memory_space<vmem_shared>> -> memref<640xf32, #tpu.memory_space<vmem_shared>>
      %dma_wait3A_48 = arith.constant 5760 : i32
      %dma_wait3A_49 = tpu.memref_slice %arg8[%dma_wait3A_48] : memref<10240xf32, #tpu.memory_space<vmem>> -> memref<640xf32, #tpu.memory_space<vmem>>
      %dma_wait3A_50 = tpu.memref_slice %arg5[%run_scoped3A_21, %mul3A_12] : memref<16x10240xf32, #tpu.memory_space<vmem_shared>> -> memref<1x640xf32, #tpu.memory_space<vmem_shared>>
      %dma_wait3A_51 = tpu.memref_squeeze %dma_wait3A_50 : memref<1x640xf32, #tpu.memory_space<vmem_shared>> -> memref<640xf32, #tpu.memory_space<vmem_shared>>
      tpu.wait_dma2 semaphore(%run_scoped3A_37 : memref<!tpu.dma_semaphore, #tpu.memory_space<semaphore_mem>>) src(%dma_wait3A_51 : memref<640xf32, #tpu.memory_space<vmem_shared>>) dst(%dma_wait3A_49 : memref<640xf32, #tpu.memory_space<vmem>>)
      tpu.yield
    }) : () -> ()
    %run_scoped3A_22 = arith.constant 10 : i32
    "tpu.region"() ({
      %run_scoped3A_37 = tpu.sem_alloc : memref<!tpu.dma_semaphore, #tpu.memory_space<semaphore_mem>>
      %dma_start3A = arith.constant 6400 : i32
      %dma_start3A_38 = tpu.memref_slice %arg8[%dma_start3A] : memref<10240xf32, #tpu.memory_space<vmem>> -> memref<640xf32, #tpu.memory_space<vmem>>
      %dma_start3A_39 = tpu.memref_slice %arg5[%run_scoped3A_22, %mul3A_12] : memref<16x10240xf32, #tpu.memory_space<vmem_shared>> -> memref<1x640xf32, #tpu.memory_space<vmem_shared>>
      %dma_start3A_40 = tpu.memref_squeeze %dma_start3A_39 : memref<1x640xf32, #tpu.memory_space<vmem_shared>> -> memref<640xf32, #tpu.memory_space<vmem_shared>>
      %dma_start3A_41 = arith.constant 6400 : i32
      %dma_start3A_42 = tpu.memref_slice %arg8[%dma_start3A_41] : memref<10240xf32, #tpu.memory_space<vmem>> -> memref<640xf32, #tpu.memory_space<vmem>>
      %dma_start3A_43 = tpu.memref_slice %arg5[%run_scoped3A_22, %mul3A_12] : memref<16x10240xf32, #tpu.memory_space<vmem_shared>> -> memref<1x640xf32, #tpu.memory_space<vmem_shared>>
      %dma_start3A_44 = tpu.memref_squeeze %dma_start3A_43 : memref<1x640xf32, #tpu.memory_space<vmem_shared>> -> memref<640xf32, #tpu.memory_space<vmem_shared>>
      tpu.enqueue_dma source(%dma_start3A_44 : memref<640xf32, #tpu.memory_space<vmem_shared>>) target(%dma_start3A_42 : memref<640xf32, #tpu.memory_space<vmem>>) target_semaphore(%run_scoped3A_37 : memref<!tpu.dma_semaphore, #tpu.memory_space<semaphore_mem>>)
      %dma_wait3A = arith.constant 6400 : i32
      %dma_wait3A_45 = tpu.memref_slice %arg8[%dma_wait3A] : memref<10240xf32, #tpu.memory_space<vmem>> -> memref<640xf32, #tpu.memory_space<vmem>>
      %dma_wait3A_46 = tpu.memref_slice %arg5[%run_scoped3A_22, %mul3A_12] : memref<16x10240xf32, #tpu.memory_space<vmem_shared>> -> memref<1x640xf32, #tpu.memory_space<vmem_shared>>
      %dma_wait3A_47 = tpu.memref_squeeze %dma_wait3A_46 : memref<1x640xf32, #tpu.memory_space<vmem_shared>> -> memref<640xf32, #tpu.memory_space<vmem_shared>>
      %dma_wait3A_48 = arith.constant 6400 : i32
      %dma_wait3A_49 = tpu.memref_slice %arg8[%dma_wait3A_48] : memref<10240xf32, #tpu.memory_space<vmem>> -> memref<640xf32, #tpu.memory_space<vmem>>
      %dma_wait3A_50 = tpu.memref_slice %arg5[%run_scoped3A_22, %mul3A_12] : memref<16x10240xf32, #tpu.memory_space<vmem_shared>> -> memref<1x640xf32, #tpu.memory_space<vmem_shared>>
      %dma_wait3A_51 = tpu.memref_squeeze %dma_wait3A_50 : memref<1x640xf32, #tpu.memory_space<vmem_shared>> -> memref<640xf32, #tpu.memory_space<vmem_shared>>
      tpu.wait_dma2 semaphore(%run_scoped3A_37 : memref<!tpu.dma_semaphore, #tpu.memory_space<semaphore_mem>>) src(%dma_wait3A_51 : memref<640xf32, #tpu.memory_space<vmem_shared>>) dst(%dma_wait3A_49 : memref<640xf32, #tpu.memory_space<vmem>>)
      tpu.yield
    }) : () -> ()
    %run_scoped3A_23 = arith.constant 11 : i32
    "tpu.region"() ({
      %run_scoped3A_37 = tpu.sem_alloc : memref<!tpu.dma_semaphore, #tpu.memory_space<semaphore_mem>>
      %dma_start3A = arith.constant 7040 : i32
      %dma_start3A_38 = tpu.memref_slice %arg8[%dma_start3A] : memref<10240xf32, #tpu.memory_space<vmem>> -> memref<640xf32, #tpu.memory_space<vmem>>
      %dma_start3A_39 = tpu.memref_slice %arg5[%run_scoped3A_23, %mul3A_12] : memref<16x10240xf32, #tpu.memory_space<vmem_shared>> -> memref<1x640xf32, #tpu.memory_space<vmem_shared>>
      %dma_start3A_40 = tpu.memref_squeeze %dma_start3A_39 : memref<1x640xf32, #tpu.memory_space<vmem_shared>> -> memref<640xf32, #tpu.memory_space<vmem_shared>>
      %dma_start3A_41 = arith.constant 7040 : i32
      %dma_start3A_42 = tpu.memref_slice %arg8[%dma_start3A_41] : memref<10240xf32, #tpu.memory_space<vmem>> -> memref<640xf32, #tpu.memory_space<vmem>>
      %dma_start3A_43 = tpu.memref_slice %arg5[%run_scoped3A_23, %mul3A_12] : memref<16x10240xf32, #tpu.memory_space<vmem_shared>> -> memref<1x640xf32, #tpu.memory_space<vmem_shared>>
      %dma_start3A_44 = tpu.memref_squeeze %dma_start3A_43 : memref<1x640xf32, #tpu.memory_space<vmem_shared>> -> memref<640xf32, #tpu.memory_space<vmem_shared>>
      tpu.enqueue_dma source(%dma_start3A_44 : memref<640xf32, #tpu.memory_space<vmem_shared>>) target(%dma_start3A_42 : memref<640xf32, #tpu.memory_space<vmem>>) target_semaphore(%run_scoped3A_37 : memref<!tpu.dma_semaphore, #tpu.memory_space<semaphore_mem>>)
      %dma_wait3A = arith.constant 7040 : i32
      %dma_wait3A_45 = tpu.memref_slice %arg8[%dma_wait3A] : memref<10240xf32, #tpu.memory_space<vmem>> -> memref<640xf32, #tpu.memory_space<vmem>>
      %dma_wait3A_46 = tpu.memref_slice %arg5[%run_scoped3A_23, %mul3A_12] : memref<16x10240xf32, #tpu.memory_space<vmem_shared>> -> memref<1x640xf32, #tpu.memory_space<vmem_shared>>
      %dma_wait3A_47 = tpu.memref_squeeze %dma_wait3A_46 : memref<1x640xf32, #tpu.memory_space<vmem_shared>> -> memref<640xf32, #tpu.memory_space<vmem_shared>>
      %dma_wait3A_48 = arith.constant 7040 : i32
      %dma_wait3A_49 = tpu.memref_slice %arg8[%dma_wait3A_48] : memref<10240xf32, #tpu.memory_space<vmem>> -> memref<640xf32, #tpu.memory_space<vmem>>
      %dma_wait3A_50 = tpu.memref_slice %arg5[%run_scoped3A_23, %mul3A_12] : memref<16x10240xf32, #tpu.memory_space<vmem_shared>> -> memref<1x640xf32, #tpu.memory_space<vmem_shared>>
      %dma_wait3A_51 = tpu.memref_squeeze %dma_wait3A_50 : memref<1x640xf32, #tpu.memory_space<vmem_shared>> -> memref<640xf32, #tpu.memory_space<vmem_shared>>
      tpu.wait_dma2 semaphore(%run_scoped3A_37 : memref<!tpu.dma_semaphore, #tpu.memory_space<semaphore_mem>>) src(%dma_wait3A_51 : memref<640xf32, #tpu.memory_space<vmem_shared>>) dst(%dma_wait3A_49 : memref<640xf32, #tpu.memory_space<vmem>>)
      tpu.yield
    }) : () -> ()
    %run_scoped3A_24 = arith.constant 12 : i32
    "tpu.region"() ({
      %run_scoped3A_37 = tpu.sem_alloc : memref<!tpu.dma_semaphore, #tpu.memory_space<semaphore_mem>>
      %dma_start3A = arith.constant 7680 : i32
      %dma_start3A_38 = tpu.memref_slice %arg8[%dma_start3A] : memref<10240xf32, #tpu.memory_space<vmem>> -> memref<640xf32, #tpu.memory_space<vmem>>
      %dma_start3A_39 = tpu.memref_slice %arg5[%run_scoped3A_24, %mul3A_12] : memref<16x10240xf32, #tpu.memory_space<vmem_shared>> -> memref<1x640xf32, #tpu.memory_space<vmem_shared>>
      %dma_start3A_40 = tpu.memref_squeeze %dma_start3A_39 : memref<1x640xf32, #tpu.memory_space<vmem_shared>> -> memref<640xf32, #tpu.memory_space<vmem_shared>>
      %dma_start3A_41 = arith.constant 7680 : i32
      %dma_start3A_42 = tpu.memref_slice %arg8[%dma_start3A_41] : memref<10240xf32, #tpu.memory_space<vmem>> -> memref<640xf32, #tpu.memory_space<vmem>>
      %dma_start3A_43 = tpu.memref_slice %arg5[%run_scoped3A_24, %mul3A_12] : memref<16x10240xf32, #tpu.memory_space<vmem_shared>> -> memref<1x640xf32, #tpu.memory_space<vmem_shared>>
      %dma_start3A_44 = tpu.memref_squeeze %dma_start3A_43 : memref<1x640xf32, #tpu.memory_space<vmem_shared>> -> memref<640xf32, #tpu.memory_space<vmem_shared>>
      tpu.enqueue_dma source(%dma_start3A_44 : memref<640xf32, #tpu.memory_space<vmem_shared>>) target(%dma_start3A_42 : memref<640xf32, #tpu.memory_space<vmem>>) target_semaphore(%run_scoped3A_37 : memref<!tpu.dma_semaphore, #tpu.memory_space<semaphore_mem>>)
      %dma_wait3A = arith.constant 7680 : i32
      %dma_wait3A_45 = tpu.memref_slice %arg8[%dma_wait3A] : memref<10240xf32, #tpu.memory_space<vmem>> -> memref<640xf32, #tpu.memory_space<vmem>>
      %dma_wait3A_46 = tpu.memref_slice %arg5[%run_scoped3A_24, %mul3A_12] : memref<16x10240xf32, #tpu.memory_space<vmem_shared>> -> memref<1x640xf32, #tpu.memory_space<vmem_shared>>
      %dma_wait3A_47 = tpu.memref_squeeze %dma_wait3A_46 : memref<1x640xf32, #tpu.memory_space<vmem_shared>> -> memref<640xf32, #tpu.memory_space<vmem_shared>>
      %dma_wait3A_48 = arith.constant 7680 : i32
      %dma_wait3A_49 = tpu.memref_slice %arg8[%dma_wait3A_48] : memref<10240xf32, #tpu.memory_space<vmem>> -> memref<640xf32, #tpu.memory_space<vmem>>
      %dma_wait3A_50 = tpu.memref_slice %arg5[%run_scoped3A_24, %mul3A_12] : memref<16x10240xf32, #tpu.memory_space<vmem_shared>> -> memref<1x640xf32, #tpu.memory_space<vmem_shared>>
      %dma_wait3A_51 = tpu.memref_squeeze %dma_wait3A_50 : memref<1x640xf32, #tpu.memory_space<vmem_shared>> -> memref<640xf32, #tpu.memory_space<vmem_shared>>
      tpu.wait_dma2 semaphore(%run_scoped3A_37 : memref<!tpu.dma_semaphore, #tpu.memory_space<semaphore_mem>>) src(%dma_wait3A_51 : memref<640xf32, #tpu.memory_space<vmem_shared>>) dst(%dma_wait3A_49 : memref<640xf32, #tpu.memory_space<vmem>>)
      tpu.yield
    }) : () -> ()
    %run_scoped3A_25 = arith.constant 13 : i32
    "tpu.region"() ({
      %run_scoped3A_37 = tpu.sem_alloc : memref<!tpu.dma_semaphore, #tpu.memory_space<semaphore_mem>>
      %dma_start3A = arith.constant 8320 : i32
      %dma_start3A_38 = tpu.memref_slice %arg8[%dma_start3A] : memref<10240xf32, #tpu.memory_space<vmem>> -> memref<640xf32, #tpu.memory_space<vmem>>
      %dma_start3A_39 = tpu.memref_slice %arg5[%run_scoped3A_25, %mul3A_12] : memref<16x10240xf32, #tpu.memory_space<vmem_shared>> -> memref<1x640xf32, #tpu.memory_space<vmem_shared>>
      %dma_start3A_40 = tpu.memref_squeeze %dma_start3A_39 : memref<1x640xf32, #tpu.memory_space<vmem_shared>> -> memref<640xf32, #tpu.memory_space<vmem_shared>>
      %dma_start3A_41 = arith.constant 8320 : i32
      %dma_start3A_42 = tpu.memref_slice %arg8[%dma_start3A_41] : memref<10240xf32, #tpu.memory_space<vmem>> -> memref<640xf32, #tpu.memory_space<vmem>>
      %dma_start3A_43 = tpu.memref_slice %arg5[%run_scoped3A_25, %mul3A_12] : memref<16x10240xf32, #tpu.memory_space<vmem_shared>> -> memref<1x640xf32, #tpu.memory_space<vmem_shared>>
      %dma_start3A_44 = tpu.memref_squeeze %dma_start3A_43 : memref<1x640xf32, #tpu.memory_space<vmem_shared>> -> memref<640xf32, #tpu.memory_space<vmem_shared>>
      tpu.enqueue_dma source(%dma_start3A_44 : memref<640xf32, #tpu.memory_space<vmem_shared>>) target(%dma_start3A_42 : memref<640xf32, #tpu.memory_space<vmem>>) target_semaphore(%run_scoped3A_37 : memref<!tpu.dma_semaphore, #tpu.memory_space<semaphore_mem>>)
      %dma_wait3A = arith.constant 8320 : i32
      %dma_wait3A_45 = tpu.memref_slice %arg8[%dma_wait3A] : memref<10240xf32, #tpu.memory_space<vmem>> -> memref<640xf32, #tpu.memory_space<vmem>>
      %dma_wait3A_46 = tpu.memref_slice %arg5[%run_scoped3A_25, %mul3A_12] : memref<16x10240xf32, #tpu.memory_space<vmem_shared>> -> memref<1x640xf32, #tpu.memory_space<vmem_shared>>
      %dma_wait3A_47 = tpu.memref_squeeze %dma_wait3A_46 : memref<1x640xf32, #tpu.memory_space<vmem_shared>> -> memref<640xf32, #tpu.memory_space<vmem_shared>>
      %dma_wait3A_48 = arith.constant 8320 : i32
      %dma_wait3A_49 = tpu.memref_slice %arg8[%dma_wait3A_48] : memref<10240xf32, #tpu.memory_space<vmem>> -> memref<640xf32, #tpu.memory_space<vmem>>
      %dma_wait3A_50 = tpu.memref_slice %arg5[%run_scoped3A_25, %mul3A_12] : memref<16x10240xf32, #tpu.memory_space<vmem_shared>> -> memref<1x640xf32, #tpu.memory_space<vmem_shared>>
      %dma_wait3A_51 = tpu.memref_squeeze %dma_wait3A_50 : memref<1x640xf32, #tpu.memory_space<vmem_shared>> -> memref<640xf32, #tpu.memory_space<vmem_shared>>
      tpu.wait_dma2 semaphore(%run_scoped3A_37 : memref<!tpu.dma_semaphore, #tpu.memory_space<semaphore_mem>>) src(%dma_wait3A_51 : memref<640xf32, #tpu.memory_space<vmem_shared>>) dst(%dma_wait3A_49 : memref<640xf32, #tpu.memory_space<vmem>>)
      tpu.yield
    }) : () -> ()
    %run_scoped3A_26 = arith.constant 14 : i32
    "tpu.region"() ({
      %run_scoped3A_37 = tpu.sem_alloc : memref<!tpu.dma_semaphore, #tpu.memory_space<semaphore_mem>>
      %dma_start3A = arith.constant 8960 : i32
      %dma_start3A_38 = tpu.memref_slice %arg8[%dma_start3A] : memref<10240xf32, #tpu.memory_space<vmem>> -> memref<640xf32, #tpu.memory_space<vmem>>
      %dma_start3A_39 = tpu.memref_slice %arg5[%run_scoped3A_26, %mul3A_12] : memref<16x10240xf32, #tpu.memory_space<vmem_shared>> -> memref<1x640xf32, #tpu.memory_space<vmem_shared>>
      %dma_start3A_40 = tpu.memref_squeeze %dma_start3A_39 : memref<1x640xf32, #tpu.memory_space<vmem_shared>> -> memref<640xf32, #tpu.memory_space<vmem_shared>>
      %dma_start3A_41 = arith.constant 8960 : i32
      %dma_start3A_42 = tpu.memref_slice %arg8[%dma_start3A_41] : memref<10240xf32, #tpu.memory_space<vmem>> -> memref<640xf32, #tpu.memory_space<vmem>>
      %dma_start3A_43 = tpu.memref_slice %arg5[%run_scoped3A_26, %mul3A_12] : memref<16x10240xf32, #tpu.memory_space<vmem_shared>> -> memref<1x640xf32, #tpu.memory_space<vmem_shared>>
      %dma_start3A_44 = tpu.memref_squeeze %dma_start3A_43 : memref<1x640xf32, #tpu.memory_space<vmem_shared>> -> memref<640xf32, #tpu.memory_space<vmem_shared>>
      tpu.enqueue_dma source(%dma_start3A_44 : memref<640xf32, #tpu.memory_space<vmem_shared>>) target(%dma_start3A_42 : memref<640xf32, #tpu.memory_space<vmem>>) target_semaphore(%run_scoped3A_37 : memref<!tpu.dma_semaphore, #tpu.memory_space<semaphore_mem>>)
      %dma_wait3A = arith.constant 8960 : i32
      %dma_wait3A_45 = tpu.memref_slice %arg8[%dma_wait3A] : memref<10240xf32, #tpu.memory_space<vmem>> -> memref<640xf32, #tpu.memory_space<vmem>>
      %dma_wait3A_46 = tpu.memref_slice %arg5[%run_scoped3A_26, %mul3A_12] : memref<16x10240xf32, #tpu.memory_space<vmem_shared>> -> memref<1x640xf32, #tpu.memory_space<vmem_shared>>
      %dma_wait3A_47 = tpu.memref_squeeze %dma_wait3A_46 : memref<1x640xf32, #tpu.memory_space<vmem_shared>> -> memref<640xf32, #tpu.memory_space<vmem_shared>>
      %dma_wait3A_48 = arith.constant 8960 : i32
      %dma_wait3A_49 = tpu.memref_slice %arg8[%dma_wait3A_48] : memref<10240xf32, #tpu.memory_space<vmem>> -> memref<640xf32, #tpu.memory_space<vmem>>
      %dma_wait3A_50 = tpu.memref_slice %arg5[%run_scoped3A_26, %mul3A_12] : memref<16x10240xf32, #tpu.memory_space<vmem_shared>> -> memref<1x640xf32, #tpu.memory_space<vmem_shared>>
      %dma_wait3A_51 = tpu.memref_squeeze %dma_wait3A_50 : memref<1x640xf32, #tpu.memory_space<vmem_shared>> -> memref<640xf32, #tpu.memory_space<vmem_shared>>
      tpu.wait_dma2 semaphore(%run_scoped3A_37 : memref<!tpu.dma_semaphore, #tpu.memory_space<semaphore_mem>>) src(%dma_wait3A_51 : memref<640xf32, #tpu.memory_space<vmem_shared>>) dst(%dma_wait3A_49 : memref<640xf32, #tpu.memory_space<vmem>>)
      tpu.yield
    }) : () -> ()
    %run_scoped3A_27 = arith.constant 15 : i32
    "tpu.region"() ({
      %run_scoped3A_37 = tpu.sem_alloc : memref<!tpu.dma_semaphore, #tpu.memory_space<semaphore_mem>>
      %dma_start3A = arith.constant 9600 : i32
      %dma_start3A_38 = tpu.memref_slice %arg8[%dma_start3A] : memref<10240xf32, #tpu.memory_space<vmem>> -> memref<640xf32, #tpu.memory_space<vmem>>
      %dma_start3A_39 = tpu.memref_slice %arg5[%run_scoped3A_27, %mul3A_12] : memref<16x10240xf32, #tpu.memory_space<vmem_shared>> -> memref<1x640xf32, #tpu.memory_space<vmem_shared>>
      %dma_start3A_40 = tpu.memref_squeeze %dma_start3A_39 : memref<1x640xf32, #tpu.memory_space<vmem_shared>> -> memref<640xf32, #tpu.memory_space<vmem_shared>>
      %dma_start3A_41 = arith.constant 9600 : i32
      %dma_start3A_42 = tpu.memref_slice %arg8[%dma_start3A_41] : memref<10240xf32, #tpu.memory_space<vmem>> -> memref<640xf32, #tpu.memory_space<vmem>>
      %dma_start3A_43 = tpu.memref_slice %arg5[%run_scoped3A_27, %mul3A_12] : memref<16x10240xf32, #tpu.memory_space<vmem_shared>> -> memref<1x640xf32, #tpu.memory_space<vmem_shared>>
      %dma_start3A_44 = tpu.memref_squeeze %dma_start3A_43 : memref<1x640xf32, #tpu.memory_space<vmem_shared>> -> memref<640xf32, #tpu.memory_space<vmem_shared>>
      tpu.enqueue_dma source(%dma_start3A_44 : memref<640xf32, #tpu.memory_space<vmem_shared>>) target(%dma_start3A_42 : memref<640xf32, #tpu.memory_space<vmem>>) target_semaphore(%run_scoped3A_37 : memref<!tpu.dma_semaphore, #tpu.memory_space<semaphore_mem>>)
      %dma_wait3A = arith.constant 9600 : i32
      %dma_wait3A_45 = tpu.memref_slice %arg8[%dma_wait3A] : memref<10240xf32, #tpu.memory_space<vmem>> -> memref<640xf32, #tpu.memory_space<vmem>>
      %dma_wait3A_46 = tpu.memref_slice %arg5[%run_scoped3A_27, %mul3A_12] : memref<16x10240xf32, #tpu.memory_space<vmem_shared>> -> memref<1x640xf32, #tpu.memory_space<vmem_shared>>
      %dma_wait3A_47 = tpu.memref_squeeze %dma_wait3A_46 : memref<1x640xf32, #tpu.memory_space<vmem_shared>> -> memref<640xf32, #tpu.memory_space<vmem_shared>>
      %dma_wait3A_48 = arith.constant 9600 : i32
      %dma_wait3A_49 = tpu.memref_slice %arg8[%dma_wait3A_48] : memref<10240xf32, #tpu.memory_space<vmem>> -> memref<640xf32, #tpu.memory_space<vmem>>
      %dma_wait3A_50 = tpu.memref_slice %arg5[%run_scoped3A_27, %mul3A_12] : memref<16x10240xf32, #tpu.memory_space<vmem_shared>> -> memref<1x640xf32, #tpu.memory_space<vmem_shared>>
      %dma_wait3A_51 = tpu.memref_squeeze %dma_wait3A_50 : memref<1x640xf32, #tpu.memory_space<vmem_shared>> -> memref<640xf32, #tpu.memory_space<vmem_shared>>
      tpu.wait_dma2 semaphore(%run_scoped3A_37 : memref<!tpu.dma_semaphore, #tpu.memory_space<semaphore_mem>>) src(%dma_wait3A_51 : memref<640xf32, #tpu.memory_space<vmem_shared>>) dst(%dma_wait3A_49 : memref<640xf32, #tpu.memory_space<vmem>>)
      tpu.yield
    }) : () -> ()
    %scan3A_28 = arith.constant 0 : i32
    %scan3A_29 = arith.constant 0 : i32
    %scan3A_30 = arith.constant 40 : i32
    %scan3A_31 = arith.addi %scan3A_29, %scan3A_30 : i32
    %scan3A_32 = arith.constant 1 : i32
    scf.for %scan3A_37 = %scan3A_29 to %scan3A_31 step %scan3A_32  : i32 {
      %mul3A_38 = arith.constant 16 : i32
      %mul3A_39 = arith.muli %scan3A_37, %mul3A_38 : i32
      %get3A = arith.index_cast %mul3A_39 : i32 to index
      %get3A_40 = tpu.vector_load %arg8[%get3A] {strides = array<i32>} : memref<10240xf32, #tpu.memory_space<vmem>>, vector<16xf32>,
      %mul3A_41 = arith.constant 16 : i32
      %mul3A_42 = arith.muli %scan3A_37, %mul3A_41 : i32
      %add3A_43 = arith.constant 640 : i32
      %add3A_44 = arith.addi %add3A_43, %mul3A_42 : i32
      %get3A_45 = arith.index_cast %add3A_44 : i32 to index
      %get3A_46 = tpu.vector_load %arg8[%get3A_45] {strides = array<i32>} : memref<10240xf32, #tpu.memory_space<vmem>>, vector<16xf32>,
      %add3A_47 = arith.addf %get3A_40, %get3A_46 : vector<16xf32>
      %mul3A_48 = arith.constant 16 : i32
      %mul3A_49 = arith.muli %scan3A_37, %mul3A_48 : i32
      %add3A_50 = arith.constant 1280 : i32
      %add3A_51 = arith.addi %add3A_50, %mul3A_49 : i32
      %get3A_52 = arith.index_cast %add3A_51 : i32 to index
      %get3A_53 = tpu.vector_load %arg8[%get3A_52] {strides = array<i32>} : memref<10240xf32, #tpu.memory_space<vmem>>, vector<16xf32>,
      %add3A_54 = arith.addf %add3A_47, %get3A_53 : vector<16xf32>
      %mul3A_55 = arith.constant 16 : i32
      %mul3A_56 = arith.muli %scan3A_37, %mul3A_55 : i32
      %add3A_57 = arith.constant 1920 : i32
      %add3A_58 = arith.addi %add3A_57, %mul3A_56 : i32
      %get3A_59 = arith.index_cast %add3A_58 : i32 to index
      %get3A_60 = tpu.vector_load %arg8[%get3A_59] {strides = array<i32>} : memref<10240xf32, #tpu.memory_space<vmem>>, vector<16xf32>,
      %add3A_61 = arith.addf %add3A_54, %get3A_60 : vector<16xf32>
      %mul3A_62 = arith.constant 16 : i32
      %mul3A_63 = arith.muli %scan3A_37, %mul3A_62 : i32
      %add3A_64 = arith.constant 2560 : i32
      %add3A_65 = arith.addi %add3A_64, %mul3A_63 : i32
      %get3A_66 = arith.index_cast %add3A_65 : i32 to index
      %get3A_67 = tpu.vector_load %arg8[%get3A_66] {strides = array<i32>} : memref<10240xf32, #tpu.memory_space<vmem>>, vector<16xf32>,
      %add3A_68 = arith.addf %add3A_61, %get3A_67 : vector<16xf32>
      %mul3A_69 = arith.constant 16 : i32
      %mul3A_70 = arith.muli %scan3A_37, %mul3A_69 : i32
      %add3A_71 = arith.constant 3200 : i32
      %add3A_72 = arith.addi %add3A_71, %mul3A_70 : i32
      %get3A_73 = arith.index_cast %add3A_72 : i32 to index
      %get3A_74 = tpu.vector_load %arg8[%get3A_73] {strides = array<i32>} : memref<10240xf32, #tpu.memory_space<vmem>>, vector<16xf32>,
      %add3A_75 = arith.addf %add3A_68, %get3A_74 : vector<16xf32>
      %mul3A_76 = arith.constant 16 : i32
      %mul3A_77 = arith.muli %scan3A_37, %mul3A_76 : i32
      %add3A_78 = arith.constant 3840 : i32
      %add3A_79 = arith.addi %add3A_78, %mul3A_77 : i32
      %get3A_80 = arith.index_cast %add3A_79 : i32 to index
      %get3A_81 = tpu.vector_load %arg8[%get3A_80] {strides = array<i32>} : memref<10240xf32, #tpu.memory_space<vmem>>, vector<16xf32>,
      %add3A_82 = arith.addf %add3A_75, %get3A_81 : vector<16xf32>
      %mul3A_83 = arith.constant 16 : i32
      %mul3A_84 = arith.muli %scan3A_37, %mul3A_83 : i32
      %add3A_85 = arith.constant 4480 : i32
      %add3A_86 = arith.addi %add3A_85, %mul3A_84 : i32
      %get3A_87 = arith.index_cast %add3A_86 : i32 to index
      %get3A_88 = tpu.vector_load %arg8[%get3A_87] {strides = array<i32>} : memref<10240xf32, #tpu.memory_space<vmem>>, vector<16xf32>,
      %add3A_89 = arith.addf %add3A_82, %get3A_88 : vector<16xf32>
      %mul3A_90 = arith.constant 16 : i32
      %mul3A_91 = arith.muli %scan3A_37, %mul3A_90 : i32
      %add3A_92 = arith.constant 5120 : i32
      %add3A_93 = arith.addi %add3A_92, %mul3A_91 : i32
      %get3A_94 = arith.index_cast %add3A_93 : i32 to index
      %get3A_95 = tpu.vector_load %arg8[%get3A_94] {strides = array<i32>} : memref<10240xf32, #tpu.memory_space<vmem>>, vector<16xf32>,
      %add3A_96 = arith.addf %add3A_89, %get3A_95 : vector<16xf32>
      %mul3A_97 = arith.constant 16 : i32
      %mul3A_98 = arith.muli %scan3A_37, %mul3A_97 : i32
      %add3A_99 = arith.constant 5760 : i32
      %add3A_100 = arith.addi %add3A_99, %mul3A_98 : i32
      %get3A_101 = arith.index_cast %add3A_100 : i32 to index
      %get3A_102 = tpu.vector_load %arg8[%get3A_101] {strides = array<i32>} : memref<10240xf32, #tpu.memory_space<vmem>>, vector<16xf32>,
      %add3A_103 = arith.addf %add3A_96, %get3A_102 : vector<16xf32>
      %mul3A_104 = arith.constant 16 : i32
      %mul3A_105 = arith.muli %scan3A_37, %mul3A_104 : i32
      %add3A_106 = arith.constant 6400 : i32
      %add3A_107 = arith.addi %add3A_106, %mul3A_105 : i32
      %get3A_108 = arith.index_cast %add3A_107 : i32 to index
      %get3A_109 = tpu.vector_load %arg8[%get3A_108] {strides = array<i32>} : memref<10240xf32, #tpu.memory_space<vmem>>, vector<16xf32>,
      %add3A_110 = arith.addf %add3A_103, %get3A_109 : vector<16xf32>
      %mul3A_111 = arith.constant 16 : i32
      %mul3A_112 = arith.muli %scan3A_37, %mul3A_111 : i32
      %add3A_113 = arith.constant 7040 : i32
      %add3A_114 = arith.addi %add3A_113, %mul3A_112 : i32
      %get3A_115 = arith.index_cast %add3A_114 : i32 to index
      %get3A_116 = tpu.vector_load %arg8[%get3A_115] {strides = array<i32>} : memref<10240xf32, #tpu.memory_space<vmem>>, vector<16xf32>,
      %add3A_117 = arith.addf %add3A_110, %get3A_116 : vector<16xf32>
      %mul3A_118 = arith.constant 16 : i32
      %mul3A_119 = arith.muli %scan3A_37, %mul3A_118 : i32
      %add3A_120 = arith.constant 7680 : i32
      %add3A_121 = arith.addi %add3A_120, %mul3A_119 : i32
      %get3A_122 = arith.index_cast %add3A_121 : i32 to index
      %get3A_123 = tpu.vector_load %arg8[%get3A_122] {strides = array<i32>} : memref<10240xf32, #tpu.memory_space<vmem>>, vector<16xf32>,
      %add3A_124 = arith.addf %add3A_117, %get3A_123 : vector<16xf32>
      %mul3A_125 = arith.constant 16 : i32
      %mul3A_126 = arith.muli %scan3A_37, %mul3A_125 : i32
      %add3A_127 = arith.constant 8320 : i32
      %add3A_128 = arith.addi %add3A_127, %mul3A_126 : i32
      %get3A_129 = arith.index_cast %add3A_128 : i32 to index
      %get3A_130 = tpu.vector_load %arg8[%get3A_129] {strides = array<i32>} : memref<10240xf32, #tpu.memory_space<vmem>>, vector<16xf32>,
      %add3A_131 = arith.addf %add3A_124, %get3A_130 : vector<16xf32>
      %mul3A_132 = arith.constant 16 : i32
      %mul3A_133 = arith.muli %scan3A_37, %mul3A_132 : i32
      %add3A_134 = arith.constant 8960 : i32
      %add3A_135 = arith.addi %add3A_134, %mul3A_133 : i32
      %get3A_136 = arith.index_cast %add3A_135 : i32 to index
      %get3A_137 = tpu.vector_load %arg8[%get3A_136] {strides = array<i32>} : memref<10240xf32, #tpu.memory_space<vmem>>, vector<16xf32>,
      %add3A_138 = arith.addf %add3A_131, %get3A_137 : vector<16xf32>
      %mul3A_139 = arith.constant 16 : i32
      %mul3A_140 = arith.muli %scan3A_37, %mul3A_139 : i32
      %add3A_141 = arith.constant 9600 : i32
      %add3A_142 = arith.addi %add3A_141, %mul3A_140 : i32
      %get3A_143 = arith.index_cast %add3A_142 : i32 to index
      %get3A_144 = tpu.vector_load %arg8[%get3A_143] {strides = array<i32>} : memref<10240xf32, #tpu.memory_space<vmem>>, vector<16xf32>,
      %add3A_145 = arith.addf %add3A_138, %get3A_144 : vector<16xf32>
      %mul3A_146 = arith.constant 16 : i32
      %mul3A_147 = arith.muli %scan3A_37, %mul3A_146 : i32
      %swap3A = arith.index_cast %mul3A_147 : i32 to index
      %swap3A_148 = tpu.vector_load %arg9[%swap3A] {strides = array<i32>} : memref<640xf32, #tpu.memory_space<vmem>>, vector<16xf32>,
      tpu.vector_store %arg9[%swap3A], %add3A_145 {strides = array<i32>} : memref<640xf32, #tpu.memory_space<vmem>>, vector<16xf32>,
    }
    %scan3A_33 = arith.constant 40 : i32
    %mul3A_34 = arith.constant 10240 : i32
    %mul3A_35 = arith.muli %arg0, %mul3A_34 : i32
    %add3A_36 = arith.addi %mul3A_35, %mul3A_12 : i32
    "tpu.region"() ({
      %run_scoped3A_37 = tpu.sem_alloc : memref<!tpu.dma_semaphore, #tpu.memory_space<semaphore_mem>>
      %dma_start3A = tpu.memref_slice %arg4[%add3A_36] : memref<20480xf32, #tpu.memory_space<hbm>> -> memref<640xf32, #tpu.memory_space<hbm>>
      %dma_start3A_38 = tpu.memref_slice %arg4[%add3A_36] : memref<20480xf32, #tpu.memory_space<hbm>> -> memref<640xf32, #tpu.memory_space<hbm>>
      tpu.enqueue_dma source(%arg9 : memref<640xf32, #tpu.memory_space<vmem>>) target(%dma_start3A_38 : memref<640xf32, #tpu.memory_space<hbm>>) target_semaphore(%run_scoped3A_37 : memref<!tpu.dma_semaphore, #tpu.memory_space<semaphore_mem>>)
      %dma_wait3A = tpu.memref_slice %arg4[%add3A_36] : memref<20480xf32, #tpu.memory_space<hbm>> -> memref<640xf32, #tpu.memory_space<hbm>>
      %dma_wait3A_39 = tpu.memref_slice %arg4[%add3A_36] : memref<20480xf32, #tpu.memory_space<hbm>> -> memref<640xf32, #tpu.memory_space<hbm>>
      tpu.wait_dma2 semaphore(%run_scoped3A_37 : memref<!tpu.dma_semaphore, #tpu.memory_space<semaphore_mem>>) src(%arg9 : memref<640xf32, #tpu.memory_space<vmem>>) dst(%dma_wait3A_39 : memref<640xf32, #tpu.memory_space<hbm>>)
      tpu.yield
    }) : () -> ()
    return
  }
}

#map = affine_map<(d0, d1) -> (0, 0)>
module attributes {stable_mosaic.version = 14 : i64} {
  func.func @_scatter_body(%arg0: i32, %arg1: i32, %arg2: memref<10000x128xf32, #tpu.memory_space<hbm>>, %arg3: memref<2560x125xi32, #tpu.memory_space<hbm>>, %arg4: memref<2560x125xi32, #tpu.memory_space<hbm>>, %arg5: memref<640x128xf32, #tpu.memory_space<hbm>>, %arg6: memref<20480x128xf32, #tpu.memory_space<hbm>>, %arg7: memref<10240x128xf32, #tpu.memory_space<vmem_shared>>, %arg8: memref<40x125xi32, #tpu.memory_space<vmem>>, %arg9: memref<40x125xi32, #tpu.memory_space<vmem>>, %arg10: memref<125x128xf32, #tpu.memory_space<vmem>>, %arg11: memref<125x128xf32, #tpu.memory_space<vmem>>, %arg12: memref<!tpu.dma_semaphore, #tpu.memory_space<semaphore_mem>>, %arg13: memref<!tpu.dma_semaphore, #tpu.memory_space<semaphore_mem>>) attributes {dimension_semantics = [#tpu.dimension_semantics<core_parallel>, #tpu.dimension_semantics<subcore_parallel>], iteration_bounds = array<i64: 2, 16>, scalar_prefetch = 0 : i64, scratch_operands = 7 : i64, tpu.core_type = #tpu.core_type<sc_vector_subcore>, window_params = [{transform_indices = #map}, {transform_indices = #map}, {transform_indices = #map}, {transform_indices = #map}, {transform_indices = #map}]} {
    %mul3A = arith.constant 16 : i32
    %mul3A_0 = arith.muli %arg0, %mul3A : i32
    %add3A = arith.addi %mul3A_0, %arg1 : i32
    %mul3A_1 = arith.constant 640 : i32
    %mul3A_2 = arith.muli %arg1, %mul3A_1 : i32
    "tpu.region"() ({
      %run_scoped3A = tpu.sem_alloc : memref<!tpu.dma_semaphore, #tpu.memory_space<semaphore_mem>>
      %dma_start3A_52 = arith.constant 0 : i32
      %dma_start3A_53 = tpu.memref_slice %arg7[%mul3A_2, %dma_start3A_52] : memref<10240x128xf32, #tpu.memory_space<vmem_shared>> -> memref<640x128xf32, #tpu.memory_space<vmem_shared>>
      tpu.enqueue_dma source(%arg5 : memref<640x128xf32, #tpu.memory_space<hbm>>) target(%dma_start3A_53 : memref<640x128xf32, #tpu.memory_space<vmem_shared>>) target_semaphore(%run_scoped3A : memref<!tpu.dma_semaphore, #tpu.memory_space<semaphore_mem>>)
      %dma_wait3A_54 = arith.constant 0 : i32
      %dma_wait3A_55 = tpu.memref_slice %arg7[%mul3A_2, %dma_wait3A_54] : memref<10240x128xf32, #tpu.memory_space<vmem_shared>> -> memref<640x128xf32, #tpu.memory_space<vmem_shared>>
      tpu.wait_dma2 semaphore(%run_scoped3A : memref<!tpu.dma_semaphore, #tpu.memory_space<semaphore_mem>>) src(%arg5 : memref<640x128xf32, #tpu.memory_space<hbm>>) dst(%dma_wait3A_55 : memref<640x128xf32, #tpu.memory_space<vmem_shared>>)
      tpu.yield
    }) : () -> ()
    %barrier3A = arith.constant 0 : index
    tpu.barrier barrier_id(%barrier3A)
    %mul3A_3 = arith.constant 80 : i32
    %mul3A_4 = arith.muli %add3A, %mul3A_3 : i32
    %add3A_5 = arith.constant 0 : i32
    %add3A_6 = arith.addi %mul3A_4, %add3A_5 : i32
    "tpu.region"() ({
      %run_scoped3A = tpu.sem_alloc : memref<!tpu.dma_semaphore, #tpu.memory_space<semaphore_mem>>
      %dma_start3A_52 = arith.constant 0 : i32
      %dma_start3A_53 = tpu.memref_slice %arg3[%add3A_6, %dma_start3A_52] : memref<2560x125xi32, #tpu.memory_space<hbm>> -> memref<40x125xi32, #tpu.memory_space<hbm>>
      %dma_start3A_54 = arith.constant 0 : i32
      %dma_start3A_55 = tpu.memref_slice %arg3[%add3A_6, %dma_start3A_54] : memref<2560x125xi32, #tpu.memory_space<hbm>> -> memref<40x125xi32, #tpu.memory_space<hbm>>
      tpu.enqueue_dma source(%dma_start3A_55 : memref<40x125xi32, #tpu.memory_space<hbm>>) target(%arg8 : memref<40x125xi32, #tpu.memory_space<vmem>>) target_semaphore(%run_scoped3A : memref<!tpu.dma_semaphore, #tpu.memory_space<semaphore_mem>>)
      %dma_wait3A_56 = arith.constant 0 : i32
      %dma_wait3A_57 = tpu.memref_slice %arg3[%add3A_6, %dma_wait3A_56] : memref<2560x125xi32, #tpu.memory_space<hbm>> -> memref<40x125xi32, #tpu.memory_space<hbm>>
      %dma_wait3A_58 = arith.constant 0 : i32
      %dma_wait3A_59 = tpu.memref_slice %arg3[%add3A_6, %dma_wait3A_58] : memref<2560x125xi32, #tpu.memory_space<hbm>> -> memref<40x125xi32, #tpu.memory_space<hbm>>
      tpu.wait_dma2 semaphore(%run_scoped3A : memref<!tpu.dma_semaphore, #tpu.memory_space<semaphore_mem>>) src(%dma_wait3A_59 : memref<40x125xi32, #tpu.memory_space<hbm>>) dst(%arg8 : memref<40x125xi32, #tpu.memory_space<vmem>>)
      tpu.yield
    }) : () -> ()
    "tpu.region"() ({
      %run_scoped3A = tpu.sem_alloc : memref<!tpu.dma_semaphore, #tpu.memory_space<semaphore_mem>>
      %dma_start3A_52 = arith.constant 0 : i32
      %dma_start3A_53 = tpu.memref_slice %arg4[%add3A_6, %dma_start3A_52] : memref<2560x125xi32, #tpu.memory_space<hbm>> -> memref<40x125xi32, #tpu.memory_space<hbm>>
      %dma_start3A_54 = arith.constant 0 : i32
      %dma_start3A_55 = tpu.memref_slice %arg4[%add3A_6, %dma_start3A_54] : memref<2560x125xi32, #tpu.memory_space<hbm>> -> memref<40x125xi32, #tpu.memory_space<hbm>>
      tpu.enqueue_dma source(%dma_start3A_55 : memref<40x125xi32, #tpu.memory_space<hbm>>) target(%arg9 : memref<40x125xi32, #tpu.memory_space<vmem>>) target_semaphore(%run_scoped3A : memref<!tpu.dma_semaphore, #tpu.memory_space<semaphore_mem>>)
      %dma_wait3A_56 = arith.constant 0 : i32
      %dma_wait3A_57 = tpu.memref_slice %arg4[%add3A_6, %dma_wait3A_56] : memref<2560x125xi32, #tpu.memory_space<hbm>> -> memref<40x125xi32, #tpu.memory_space<hbm>>
      %dma_wait3A_58 = arith.constant 0 : i32
      %dma_wait3A_59 = tpu.memref_slice %arg4[%add3A_6, %dma_wait3A_58] : memref<2560x125xi32, #tpu.memory_space<hbm>> -> memref<40x125xi32, #tpu.memory_space<hbm>>
      tpu.wait_dma2 semaphore(%run_scoped3A : memref<!tpu.dma_semaphore, #tpu.memory_space<semaphore_mem>>) src(%dma_wait3A_59 : memref<40x125xi32, #tpu.memory_space<hbm>>) dst(%arg9 : memref<40x125xi32, #tpu.memory_space<vmem>>)
      tpu.yield
    }) : () -> ()
    %dma_start3A = arith.constant 0 : i32
    %dma_start3A_7 = arith.constant 0 : i32
    %dma_start3A_8 = tpu.memref_slice %arg8[%dma_start3A, %dma_start3A_7] : memref<40x125xi32, #tpu.memory_space<vmem>> -> memref<1x125xi32, #tpu.memory_space<vmem>>
    %dma_start3A_9 = tpu.memref_squeeze %dma_start3A_8 : memref<1x125xi32, #tpu.memory_space<vmem>> -> memref<125xi32, #tpu.memory_space<vmem>>
    %dma_start3A_10 = arith.constant 0 : i32
    %dma_start3A_11 = arith.constant 0 : i32
    %dma_start3A_12 = tpu.memref_slice %arg2[%dma_start3A_10, %dma_start3A_11] : memref<10000x128xf32, #tpu.memory_space<hbm>> -> memref<10000x128xf32, #tpu.memory_space<hbm>>
    tpu.enqueue_indirect_dma source(%dma_start3A_12 : memref<10000x128xf32, #tpu.memory_space<hbm>>) target(%arg10 : memref<125x128xf32, #tpu.memory_space<vmem>>) offsets(%dma_start3A_9 : memref<125xi32, #tpu.memory_space<vmem>>) semaphore(%arg12 : memref<!tpu.dma_semaphore, #tpu.memory_space<semaphore_mem>>)
    %scan3A = arith.constant 0 : i32
    %scan3A_13 = arith.constant 0 : i32
    %scan3A_14 = arith.constant 20 : i32
    %scan3A_15 = arith.addi %scan3A_13, %scan3A_14 : i32
    %scan3A_16 = arith.constant 1 : i32
    scf.for %scan3A_52 = %scan3A_13 to %scan3A_15 step %scan3A_16  : i32 {
      %mul3A_53 = arith.constant 2 : i32
      %mul3A_54 = arith.muli %mul3A_53, %scan3A_52 : i32
      %add3A_55 = arith.constant 1 : i32
      %add3A_56 = arith.addi %mul3A_54, %add3A_55 : i32
      %dma_start3A_57 = arith.constant 0 : i32
      %dma_start3A_58 = tpu.memref_slice %arg8[%add3A_56, %dma_start3A_57] : memref<40x125xi32, #tpu.memory_space<vmem>> -> memref<1x125xi32, #tpu.memory_space<vmem>>
      %dma_start3A_59 = tpu.memref_squeeze %dma_start3A_58 : memref<1x125xi32, #tpu.memory_space<vmem>> -> memref<125xi32, #tpu.memory_space<vmem>>
      %dma_start3A_60 = arith.constant 0 : i32
      %dma_start3A_61 = arith.constant 0 : i32
      %dma_start3A_62 = tpu.memref_slice %arg2[%dma_start3A_60, %dma_start3A_61] : memref<10000x128xf32, #tpu.memory_space<hbm>> -> memref<10000x128xf32, #tpu.memory_space<hbm>>
      tpu.enqueue_indirect_dma source(%dma_start3A_62 : memref<10000x128xf32, #tpu.memory_space<hbm>>) target(%arg11 : memref<125x128xf32, #tpu.memory_space<vmem>>) offsets(%dma_start3A_59 : memref<125xi32, #tpu.memory_space<vmem>>) semaphore(%arg13 : memref<!tpu.dma_semaphore, #tpu.memory_space<semaphore_mem>>)
      %dma_wait3A_63 = arith.constant 0 : i32
      %dma_wait3A_64 = tpu.memref_slice %arg8[%mul3A_54, %dma_wait3A_63] : memref<40x125xi32, #tpu.memory_space<vmem>> -> memref<1x125xi32, #tpu.memory_space<vmem>>
      %dma_wait3A_65 = tpu.memref_squeeze %dma_wait3A_64 : memref<1x125xi32, #tpu.memory_space<vmem>> -> memref<125xi32, #tpu.memory_space<vmem>>
      %dma_wait3A_66 = arith.constant 0 : i32
      %dma_wait3A_67 = arith.constant 0 : i32
      %dma_wait3A_68 = tpu.memref_slice %arg2[%dma_wait3A_66, %dma_wait3A_67] : memref<10000x128xf32, #tpu.memory_space<hbm>> -> memref<10000x128xf32, #tpu.memory_space<hbm>>
      tpu.wait_indirect_dma semaphore(%arg12 : memref<!tpu.dma_semaphore, #tpu.memory_space<semaphore_mem>>) src(%dma_wait3A_68 : memref<10000x128xf32, #tpu.memory_space<hbm>>) dst(%arg10 : memref<125x128xf32, #tpu.memory_space<vmem>>)
      "tpu.region"() ({
        %run_scoped3A = tpu.sem_alloc : memref<!tpu.dma_semaphore, #tpu.memory_space<semaphore_mem>>
        %dma_start3A_86 = arith.constant 0 : i32
        %dma_start3A_87 = tpu.memref_slice %arg9[%mul3A_54, %dma_start3A_86] : memref<40x125xi32, #tpu.memory_space<vmem>> -> memref<1x125xi32, #tpu.memory_space<vmem>>
        %dma_start3A_88 = tpu.memref_squeeze %dma_start3A_87 : memref<1x125xi32, #tpu.memory_space<vmem>> -> memref<125xi32, #tpu.memory_space<vmem>>
        %dma_start3A_89 = arith.constant 0 : i32
        %dma_start3A_90 = arith.constant 0 : i32
        %dma_start3A_91 = tpu.memref_slice %arg7[%dma_start3A_89, %dma_start3A_90] : memref<10240x128xf32, #tpu.memory_space<vmem_shared>> -> memref<10240x128xf32, #tpu.memory_space<vmem_shared>>
        tpu.enqueue_indirect_dma source(%arg10 : memref<125x128xf32, #tpu.memory_space<vmem>>) target(%dma_start3A_91 : memref<10240x128xf32, #tpu.memory_space<vmem_shared>>) offsets(%dma_start3A_88 : memref<125xi32, #tpu.memory_space<vmem>>) semaphore(%run_scoped3A : memref<!tpu.dma_semaphore, #tpu.memory_space<semaphore_mem>>) {add = true}
        %dma_wait3A_92 = arith.constant 0 : i32
        %dma_wait3A_93 = tpu.memref_slice %arg9[%mul3A_54, %dma_wait3A_92] : memref<40x125xi32, #tpu.memory_space<vmem>> -> memref<1x125xi32, #tpu.memory_space<vmem>>
        %dma_wait3A_94 = tpu.memref_squeeze %dma_wait3A_93 : memref<1x125xi32, #tpu.memory_space<vmem>> -> memref<125xi32, #tpu.memory_space<vmem>>
        %dma_wait3A_95 = arith.constant 0 : i32
        %dma_wait3A_96 = arith.constant 0 : i32
        %dma_wait3A_97 = tpu.memref_slice %arg7[%dma_wait3A_95, %dma_wait3A_96] : memref<10240x128xf32, #tpu.memory_space<vmem_shared>> -> memref<10240x128xf32, #tpu.memory_space<vmem_shared>>
        tpu.wait_indirect_dma semaphore(%run_scoped3A : memref<!tpu.dma_semaphore, #tpu.memory_space<semaphore_mem>>) src(%arg10 : memref<125x128xf32, #tpu.memory_space<vmem>>) dst(%dma_wait3A_97 : memref<10240x128xf32, #tpu.memory_space<vmem_shared>>)
        tpu.yield
      }) : () -> ()
      %add3A_69 = arith.constant 2 : i32
      %add3A_70 = arith.addi %mul3A_54, %add3A_69 : i32
      %lt3A = arith.constant 40 : i32
      %lt3A_71 = arith.cmpi slt, %add3A_70, %lt3A : i32
      %add3A_72 = arith.constant 2 : i32
      %add3A_73 = arith.addi %mul3A_54, %add3A_72 : i32
      %jit3A = arith.constant 0 : i32
      %select_n3A = arith.select %lt3A_71, %add3A_73, %jit3A : i32
      %dma_start3A_74 = arith.constant 0 : i32
      %dma_start3A_75 = tpu.memref_slice %arg8[%select_n3A, %dma_start3A_74] : memref<40x125xi32, #tpu.memory_space<vmem>> -> memref<1x125xi32, #tpu.memory_space<vmem>>
      %dma_start3A_76 = tpu.memref_squeeze %dma_start3A_75 : memref<1x125xi32, #tpu.memory_space<vmem>> -> memref<125xi32, #tpu.memory_space<vmem>>
      %dma_start3A_77 = arith.constant 0 : i32
      %dma_start3A_78 = arith.constant 0 : i32
      %dma_start3A_79 = tpu.memref_slice %arg2[%dma_start3A_77, %dma_start3A_78] : memref<10000x128xf32, #tpu.memory_space<hbm>> -> memref<10000x128xf32, #tpu.memory_space<hbm>>
      tpu.enqueue_indirect_dma source(%dma_start3A_79 : memref<10000x128xf32, #tpu.memory_space<hbm>>) target(%arg10 : memref<125x128xf32, #tpu.memory_space<vmem>>) offsets(%dma_start3A_76 : memref<125xi32, #tpu.memory_space<vmem>>) semaphore(%arg12 : memref<!tpu.dma_semaphore, #tpu.memory_space<semaphore_mem>>)
      %dma_wait3A_80 = arith.constant 0 : i32
      %dma_wait3A_81 = tpu.memref_slice %arg8[%add3A_56, %dma_wait3A_80] : memref<40x125xi32, #tpu.memory_space<vmem>> -> memref<1x125xi32, #tpu.memory_space<vmem>>
      %dma_wait3A_82 = tpu.memref_squeeze %dma_wait3A_81 : memref<1x125xi32, #tpu.memory_space<vmem>> -> memref<125xi32, #tpu.memory_space<vmem>>
      %dma_wait3A_83 = arith.constant 0 : i32
      %dma_wait3A_84 = arith.constant 0 : i32
      %dma_wait3A_85 = tpu.memref_slice %arg2[%dma_wait3A_83, %dma_wait3A_84] : memref<10000x128xf32, #tpu.memory_space<hbm>> -> memref<10000x128xf32, #tpu.memory_space<hbm>>
      tpu.wait_indirect_dma semaphore(%arg13 : memref<!tpu.dma_semaphore, #tpu.memory_space<semaphore_mem>>) src(%dma_wait3A_85 : memref<10000x128xf32, #tpu.memory_space<hbm>>) dst(%arg11 : memref<125x128xf32, #tpu.memory_space<vmem>>)
      "tpu.region"() ({
        %run_scoped3A = tpu.sem_alloc : memref<!tpu.dma_semaphore, #tpu.memory_space<semaphore_mem>>
        %dma_start3A_86 = arith.constant 0 : i32
        %dma_start3A_87 = tpu.memref_slice %arg9[%add3A_56, %dma_start3A_86] : memref<40x125xi32, #tpu.memory_space<vmem>> -> memref<1x125xi32, #tpu.memory_space<vmem>>
        %dma_start3A_88 = tpu.memref_squeeze %dma_start3A_87 : memref<1x125xi32, #tpu.memory_space<vmem>> -> memref<125xi32, #tpu.memory_space<vmem>>
        %dma_start3A_89 = arith.constant 0 : i32
        %dma_start3A_90 = arith.constant 0 : i32
        %dma_start3A_91 = tpu.memref_slice %arg7[%dma_start3A_89, %dma_start3A_90] : memref<10240x128xf32, #tpu.memory_space<vmem_shared>> -> memref<10240x128xf32, #tpu.memory_space<vmem_shared>>
        tpu.enqueue_indirect_dma source(%arg11 : memref<125x128xf32, #tpu.memory_space<vmem>>) target(%dma_start3A_91 : memref<10240x128xf32, #tpu.memory_space<vmem_shared>>) offsets(%dma_start3A_88 : memref<125xi32, #tpu.memory_space<vmem>>) semaphore(%run_scoped3A : memref<!tpu.dma_semaphore, #tpu.memory_space<semaphore_mem>>) {add = true}
        %dma_wait3A_92 = arith.constant 0 : i32
        %dma_wait3A_93 = tpu.memref_slice %arg9[%add3A_56, %dma_wait3A_92] : memref<40x125xi32, #tpu.memory_space<vmem>> -> memref<1x125xi32, #tpu.memory_space<vmem>>
        %dma_wait3A_94 = tpu.memref_squeeze %dma_wait3A_93 : memref<1x125xi32, #tpu.memory_space<vmem>> -> memref<125xi32, #tpu.memory_space<vmem>>
        %dma_wait3A_95 = arith.constant 0 : i32
        %dma_wait3A_96 = arith.constant 0 : i32
        %dma_wait3A_97 = tpu.memref_slice %arg7[%dma_wait3A_95, %dma_wait3A_96] : memref<10240x128xf32, #tpu.memory_space<vmem_shared>> -> memref<10240x128xf32, #tpu.memory_space<vmem_shared>>
        tpu.wait_indirect_dma semaphore(%run_scoped3A : memref<!tpu.dma_semaphore, #tpu.memory_space<semaphore_mem>>) src(%arg11 : memref<125x128xf32, #tpu.memory_space<vmem>>) dst(%dma_wait3A_97 : memref<10240x128xf32, #tpu.memory_space<vmem_shared>>)
        tpu.yield
      }) : () -> ()
    }
    %scan3A_17 = arith.constant 20 : i32
    %dma_wait3A = arith.constant 0 : i32
    %dma_wait3A_18 = arith.constant 0 : i32
    %dma_wait3A_19 = tpu.memref_slice %arg8[%dma_wait3A, %dma_wait3A_18] : memref<40x125xi32, #tpu.memory_space<vmem>> -> memref<1x125xi32, #tpu.memory_space<vmem>>
    %dma_wait3A_20 = tpu.memref_squeeze %dma_wait3A_19 : memref<1x125xi32, #tpu.memory_space<vmem>> -> memref<125xi32, #tpu.memory_space<vmem>>
    %dma_wait3A_21 = arith.constant 0 : i32
    %dma_wait3A_22 = arith.constant 0 : i32
    %dma_wait3A_23 = tpu.memref_slice %arg2[%dma_wait3A_21, %dma_wait3A_22] : memref<10000x128xf32, #tpu.memory_space<hbm>> -> memref<10000x128xf32, #tpu.memory_space<hbm>>
    tpu.wait_indirect_dma semaphore(%arg12 : memref<!tpu.dma_semaphore, #tpu.memory_space<semaphore_mem>>) src(%dma_wait3A_23 : memref<10000x128xf32, #tpu.memory_space<hbm>>) dst(%arg10 : memref<125x128xf32, #tpu.memory_space<vmem>>)
    %mul3A_24 = arith.constant 80 : i32
    %mul3A_25 = arith.muli %add3A, %mul3A_24 : i32
    %add3A_26 = arith.constant 40 : i32
    %add3A_27 = arith.addi %mul3A_25, %add3A_26 : i32
    "tpu.region"() ({
      %run_scoped3A = tpu.sem_alloc : memref<!tpu.dma_semaphore, #tpu.memory_space<semaphore_mem>>
      %dma_start3A_52 = arith.constant 0 : i32
      %dma_start3A_53 = tpu.memref_slice %arg3[%add3A_27, %dma_start3A_52] : memref<2560x125xi32, #tpu.memory_space<hbm>> -> memref<40x125xi32, #tpu.memory_space<hbm>>
      %dma_start3A_54 = arith.constant 0 : i32
      %dma_start3A_55 = tpu.memref_slice %arg3[%add3A_27, %dma_start3A_54] : memref<2560x125xi32, #tpu.memory_space<hbm>> -> memref<40x125xi32, #tpu.memory_space<hbm>>
      tpu.enqueue_dma source(%dma_start3A_55 : memref<40x125xi32, #tpu.memory_space<hbm>>) target(%arg8 : memref<40x125xi32, #tpu.memory_space<vmem>>) target_semaphore(%run_scoped3A : memref<!tpu.dma_semaphore, #tpu.memory_space<semaphore_mem>>)
      %dma_wait3A_56 = arith.constant 0 : i32
      %dma_wait3A_57 = tpu.memref_slice %arg3[%add3A_27, %dma_wait3A_56] : memref<2560x125xi32, #tpu.memory_space<hbm>> -> memref<40x125xi32, #tpu.memory_space<hbm>>
      %dma_wait3A_58 = arith.constant 0 : i32
      %dma_wait3A_59 = tpu.memref_slice %arg3[%add3A_27, %dma_wait3A_58] : memref<2560x125xi32, #tpu.memory_space<hbm>> -> memref<40x125xi32, #tpu.memory_space<hbm>>
      tpu.wait_dma2 semaphore(%run_scoped3A : memref<!tpu.dma_semaphore, #tpu.memory_space<semaphore_mem>>) src(%dma_wait3A_59 : memref<40x125xi32, #tpu.memory_space<hbm>>) dst(%arg8 : memref<40x125xi32, #tpu.memory_space<vmem>>)
      tpu.yield
    }) : () -> ()
    "tpu.region"() ({
      %run_scoped3A = tpu.sem_alloc : memref<!tpu.dma_semaphore, #tpu.memory_space<semaphore_mem>>
      %dma_start3A_52 = arith.constant 0 : i32
      %dma_start3A_53 = tpu.memref_slice %arg4[%add3A_27, %dma_start3A_52] : memref<2560x125xi32, #tpu.memory_space<hbm>> -> memref<40x125xi32, #tpu.memory_space<hbm>>
      %dma_start3A_54 = arith.constant 0 : i32
      %dma_start3A_55 = tpu.memref_slice %arg4[%add3A_27, %dma_start3A_54] : memref<2560x125xi32, #tpu.memory_space<hbm>> -> memref<40x125xi32, #tpu.memory_space<hbm>>
      tpu.enqueue_dma source(%dma_start3A_55 : memref<40x125xi32, #tpu.memory_space<hbm>>) target(%arg9 : memref<40x125xi32, #tpu.memory_space<vmem>>) target_semaphore(%run_scoped3A : memref<!tpu.dma_semaphore, #tpu.memory_space<semaphore_mem>>)
      %dma_wait3A_56 = arith.constant 0 : i32
      %dma_wait3A_57 = tpu.memref_slice %arg4[%add3A_27, %dma_wait3A_56] : memref<2560x125xi32, #tpu.memory_space<hbm>> -> memref<40x125xi32, #tpu.memory_space<hbm>>
      %dma_wait3A_58 = arith.constant 0 : i32
      %dma_wait3A_59 = tpu.memref_slice %arg4[%add3A_27, %dma_wait3A_58] : memref<2560x125xi32, #tpu.memory_space<hbm>> -> memref<40x125xi32, #tpu.memory_space<hbm>>
      tpu.wait_dma2 semaphore(%run_scoped3A : memref<!tpu.dma_semaphore, #tpu.memory_space<semaphore_mem>>) src(%dma_wait3A_59 : memref<40x125xi32, #tpu.memory_space<hbm>>) dst(%arg9 : memref<40x125xi32, #tpu.memory_space<vmem>>)
      tpu.yield
    }) : () -> ()
    %dma_start3A_28 = arith.constant 0 : i32
    %dma_start3A_29 = arith.constant 0 : i32
    %dma_start3A_30 = tpu.memref_slice %arg8[%dma_start3A_28, %dma_start3A_29] : memref<40x125xi32, #tpu.memory_space<vmem>> -> memref<1x125xi32, #tpu.memory_space<vmem>>
    %dma_start3A_31 = tpu.memref_squeeze %dma_start3A_30 : memref<1x125xi32, #tpu.memory_space<vmem>> -> memref<125xi32, #tpu.memory_space<vmem>>
    %dma_start3A_32 = arith.constant 0 : i32
    %dma_start3A_33 = arith.constant 0 : i32
    %dma_start3A_34 = tpu.memref_slice %arg2[%dma_start3A_32, %dma_start3A_33] : memref<10000x128xf32, #tpu.memory_space<hbm>> -> memref<10000x128xf32, #tpu.memory_space<hbm>>
    tpu.enqueue_indirect_dma source(%dma_start3A_34 : memref<10000x128xf32, #tpu.memory_space<hbm>>) target(%arg10 : memref<125x128xf32, #tpu.memory_space<vmem>>) offsets(%dma_start3A_31 : memref<125xi32, #tpu.memory_space<vmem>>) semaphore(%arg12 : memref<!tpu.dma_semaphore, #tpu.memory_space<semaphore_mem>>)
    %scan3A_35 = arith.constant 0 : i32
    %scan3A_36 = arith.constant 0 : i32
    %scan3A_37 = arith.constant 20 : i32
    %scan3A_38 = arith.addi %scan3A_36, %scan3A_37 : i32
    %scan3A_39 = arith.constant 1 : i32
    scf.for %scan3A_52 = %scan3A_36 to %scan3A_38 step %scan3A_39  : i32 {
      %mul3A_53 = arith.constant 2 : i32
      %mul3A_54 = arith.muli %mul3A_53, %scan3A_52 : i32
      %add3A_55 = arith.constant 1 : i32
      %add3A_56 = arith.addi %mul3A_54, %add3A_55 : i32
      %dma_start3A_57 = arith.constant 0 : i32
      %dma_start3A_58 = tpu.memref_slice %arg8[%add3A_56, %dma_start3A_57] : memref<40x125xi32, #tpu.memory_space<vmem>> -> memref<1x125xi32, #tpu.memory_space<vmem>>
      %dma_start3A_59 = tpu.memref_squeeze %dma_start3A_58 : memref<1x125xi32, #tpu.memory_space<vmem>> -> memref<125xi32, #tpu.memory_space<vmem>>
      %dma_start3A_60 = arith.constant 0 : i32
      %dma_start3A_61 = arith.constant 0 : i32
      %dma_start3A_62 = tpu.memref_slice %arg2[%dma_start3A_60, %dma_start3A_61] : memref<10000x128xf32, #tpu.memory_space<hbm>> -> memref<10000x128xf32, #tpu.memory_space<hbm>>
      tpu.enqueue_indirect_dma source(%dma_start3A_62 : memref<10000x128xf32, #tpu.memory_space<hbm>>) target(%arg11 : memref<125x128xf32, #tpu.memory_space<vmem>>) offsets(%dma_start3A_59 : memref<125xi32, #tpu.memory_space<vmem>>) semaphore(%arg13 : memref<!tpu.dma_semaphore, #tpu.memory_space<semaphore_mem>>)
      %dma_wait3A_63 = arith.constant 0 : i32
      %dma_wait3A_64 = tpu.memref_slice %arg8[%mul3A_54, %dma_wait3A_63] : memref<40x125xi32, #tpu.memory_space<vmem>> -> memref<1x125xi32, #tpu.memory_space<vmem>>
      %dma_wait3A_65 = tpu.memref_squeeze %dma_wait3A_64 : memref<1x125xi32, #tpu.memory_space<vmem>> -> memref<125xi32, #tpu.memory_space<vmem>>
      %dma_wait3A_66 = arith.constant 0 : i32
      %dma_wait3A_67 = arith.constant 0 : i32
      %dma_wait3A_68 = tpu.memref_slice %arg2[%dma_wait3A_66, %dma_wait3A_67] : memref<10000x128xf32, #tpu.memory_space<hbm>> -> memref<10000x128xf32, #tpu.memory_space<hbm>>
      tpu.wait_indirect_dma semaphore(%arg12 : memref<!tpu.dma_semaphore, #tpu.memory_space<semaphore_mem>>) src(%dma_wait3A_68 : memref<10000x128xf32, #tpu.memory_space<hbm>>) dst(%arg10 : memref<125x128xf32, #tpu.memory_space<vmem>>)
      "tpu.region"() ({
        %run_scoped3A = tpu.sem_alloc : memref<!tpu.dma_semaphore, #tpu.memory_space<semaphore_mem>>
        %dma_start3A_86 = arith.constant 0 : i32
        %dma_start3A_87 = tpu.memref_slice %arg9[%mul3A_54, %dma_start3A_86] : memref<40x125xi32, #tpu.memory_space<vmem>> -> memref<1x125xi32, #tpu.memory_space<vmem>>
        %dma_start3A_88 = tpu.memref_squeeze %dma_start3A_87 : memref<1x125xi32, #tpu.memory_space<vmem>> -> memref<125xi32, #tpu.memory_space<vmem>>
        %dma_start3A_89 = arith.constant 0 : i32
        %dma_start3A_90 = arith.constant 0 : i32
        %dma_start3A_91 = tpu.memref_slice %arg7[%dma_start3A_89, %dma_start3A_90] : memref<10240x128xf32, #tpu.memory_space<vmem_shared>> -> memref<10240x128xf32, #tpu.memory_space<vmem_shared>>
        tpu.enqueue_indirect_dma source(%arg10 : memref<125x128xf32, #tpu.memory_space<vmem>>) target(%dma_start3A_91 : memref<10240x128xf32, #tpu.memory_space<vmem_shared>>) offsets(%dma_start3A_88 : memref<125xi32, #tpu.memory_space<vmem>>) semaphore(%run_scoped3A : memref<!tpu.dma_semaphore, #tpu.memory_space<semaphore_mem>>) {add = true}
        %dma_wait3A_92 = arith.constant 0 : i32
        %dma_wait3A_93 = tpu.memref_slice %arg9[%mul3A_54, %dma_wait3A_92] : memref<40x125xi32, #tpu.memory_space<vmem>> -> memref<1x125xi32, #tpu.memory_space<vmem>>
        %dma_wait3A_94 = tpu.memref_squeeze %dma_wait3A_93 : memref<1x125xi32, #tpu.memory_space<vmem>> -> memref<125xi32, #tpu.memory_space<vmem>>
        %dma_wait3A_95 = arith.constant 0 : i32
        %dma_wait3A_96 = arith.constant 0 : i32
        %dma_wait3A_97 = tpu.memref_slice %arg7[%dma_wait3A_95, %dma_wait3A_96] : memref<10240x128xf32, #tpu.memory_space<vmem_shared>> -> memref<10240x128xf32, #tpu.memory_space<vmem_shared>>
        tpu.wait_indirect_dma semaphore(%run_scoped3A : memref<!tpu.dma_semaphore, #tpu.memory_space<semaphore_mem>>) src(%arg10 : memref<125x128xf32, #tpu.memory_space<vmem>>) dst(%dma_wait3A_97 : memref<10240x128xf32, #tpu.memory_space<vmem_shared>>)
        tpu.yield
      }) : () -> ()
      %add3A_69 = arith.constant 2 : i32
      %add3A_70 = arith.addi %mul3A_54, %add3A_69 : i32
      %lt3A = arith.constant 40 : i32
      %lt3A_71 = arith.cmpi slt, %add3A_70, %lt3A : i32
      %add3A_72 = arith.constant 2 : i32
      %add3A_73 = arith.addi %mul3A_54, %add3A_72 : i32
      %jit3A = arith.constant 0 : i32
      %select_n3A = arith.select %lt3A_71, %add3A_73, %jit3A : i32
      %dma_start3A_74 = arith.constant 0 : i32
      %dma_start3A_75 = tpu.memref_slice %arg8[%select_n3A, %dma_start3A_74] : memref<40x125xi32, #tpu.memory_space<vmem>> -> memref<1x125xi32, #tpu.memory_space<vmem>>
      %dma_start3A_76 = tpu.memref_squeeze %dma_start3A_75 : memref<1x125xi32, #tpu.memory_space<vmem>> -> memref<125xi32, #tpu.memory_space<vmem>>
      %dma_start3A_77 = arith.constant 0 : i32
      %dma_start3A_78 = arith.constant 0 : i32
      %dma_start3A_79 = tpu.memref_slice %arg2[%dma_start3A_77, %dma_start3A_78] : memref<10000x128xf32, #tpu.memory_space<hbm>> -> memref<10000x128xf32, #tpu.memory_space<hbm>>
      tpu.enqueue_indirect_dma source(%dma_start3A_79 : memref<10000x128xf32, #tpu.memory_space<hbm>>) target(%arg10 : memref<125x128xf32, #tpu.memory_space<vmem>>) offsets(%dma_start3A_76 : memref<125xi32, #tpu.memory_space<vmem>>) semaphore(%arg12 : memref<!tpu.dma_semaphore, #tpu.memory_space<semaphore_mem>>)
      %dma_wait3A_80 = arith.constant 0 : i32
      %dma_wait3A_81 = tpu.memref_slice %arg8[%add3A_56, %dma_wait3A_80] : memref<40x125xi32, #tpu.memory_space<vmem>> -> memref<1x125xi32, #tpu.memory_space<vmem>>
      %dma_wait3A_82 = tpu.memref_squeeze %dma_wait3A_81 : memref<1x125xi32, #tpu.memory_space<vmem>> -> memref<125xi32, #tpu.memory_space<vmem>>
      %dma_wait3A_83 = arith.constant 0 : i32
      %dma_wait3A_84 = arith.constant 0 : i32
      %dma_wait3A_85 = tpu.memref_slice %arg2[%dma_wait3A_83, %dma_wait3A_84] : memref<10000x128xf32, #tpu.memory_space<hbm>> -> memref<10000x128xf32, #tpu.memory_space<hbm>>
      tpu.wait_indirect_dma semaphore(%arg13 : memref<!tpu.dma_semaphore, #tpu.memory_space<semaphore_mem>>) src(%dma_wait3A_85 : memref<10000x128xf32, #tpu.memory_space<hbm>>) dst(%arg11 : memref<125x128xf32, #tpu.memory_space<vmem>>)
      "tpu.region"() ({
        %run_scoped3A = tpu.sem_alloc : memref<!tpu.dma_semaphore, #tpu.memory_space<semaphore_mem>>
        %dma_start3A_86 = arith.constant 0 : i32
        %dma_start3A_87 = tpu.memref_slice %arg9[%add3A_56, %dma_start3A_86] : memref<40x125xi32, #tpu.memory_space<vmem>> -> memref<1x125xi32, #tpu.memory_space<vmem>>
        %dma_start3A_88 = tpu.memref_squeeze %dma_start3A_87 : memref<1x125xi32, #tpu.memory_space<vmem>> -> memref<125xi32, #tpu.memory_space<vmem>>
        %dma_start3A_89 = arith.constant 0 : i32
        %dma_start3A_90 = arith.constant 0 : i32
        %dma_start3A_91 = tpu.memref_slice %arg7[%dma_start3A_89, %dma_start3A_90] : memref<10240x128xf32, #tpu.memory_space<vmem_shared>> -> memref<10240x128xf32, #tpu.memory_space<vmem_shared>>
        tpu.enqueue_indirect_dma source(%arg11 : memref<125x128xf32, #tpu.memory_space<vmem>>) target(%dma_start3A_91 : memref<10240x128xf32, #tpu.memory_space<vmem_shared>>) offsets(%dma_start3A_88 : memref<125xi32, #tpu.memory_space<vmem>>) semaphore(%run_scoped3A : memref<!tpu.dma_semaphore, #tpu.memory_space<semaphore_mem>>) {add = true}
        %dma_wait3A_92 = arith.constant 0 : i32
        %dma_wait3A_93 = tpu.memref_slice %arg9[%add3A_56, %dma_wait3A_92] : memref<40x125xi32, #tpu.memory_space<vmem>> -> memref<1x125xi32, #tpu.memory_space<vmem>>
        %dma_wait3A_94 = tpu.memref_squeeze %dma_wait3A_93 : memref<1x125xi32, #tpu.memory_space<vmem>> -> memref<125xi32, #tpu.memory_space<vmem>>
        %dma_wait3A_95 = arith.constant 0 : i32
        %dma_wait3A_96 = arith.constant 0 : i32
        %dma_wait3A_97 = tpu.memref_slice %arg7[%dma_wait3A_95, %dma_wait3A_96] : memref<10240x128xf32, #tpu.memory_space<vmem_shared>> -> memref<10240x128xf32, #tpu.memory_space<vmem_shared>>
        tpu.wait_indirect_dma semaphore(%run_scoped3A : memref<!tpu.dma_semaphore, #tpu.memory_space<semaphore_mem>>) src(%arg11 : memref<125x128xf32, #tpu.memory_space<vmem>>) dst(%dma_wait3A_97 : memref<10240x128xf32, #tpu.memory_space<vmem_shared>>)
        tpu.yield
      }) : () -> ()
    }
    %scan3A_40 = arith.constant 20 : i32
    %dma_wait3A_41 = arith.constant 0 : i32
    %dma_wait3A_42 = arith.constant 0 : i32
    %dma_wait3A_43 = tpu.memref_slice %arg8[%dma_wait3A_41, %dma_wait3A_42] : memref<40x125xi32, #tpu.memory_space<vmem>> -> memref<1x125xi32, #tpu.memory_space<vmem>>
    %dma_wait3A_44 = tpu.memref_squeeze %dma_wait3A_43 : memref<1x125xi32, #tpu.memory_space<vmem>> -> memref<125xi32, #tpu.memory_space<vmem>>
    %dma_wait3A_45 = arith.constant 0 : i32
    %dma_wait3A_46 = arith.constant 0 : i32
    %dma_wait3A_47 = tpu.memref_slice %arg2[%dma_wait3A_45, %dma_wait3A_46] : memref<10000x128xf32, #tpu.memory_space<hbm>> -> memref<10000x128xf32, #tpu.memory_space<hbm>>
    tpu.wait_indirect_dma semaphore(%arg12 : memref<!tpu.dma_semaphore, #tpu.memory_space<semaphore_mem>>) src(%dma_wait3A_47 : memref<10000x128xf32, #tpu.memory_space<hbm>>) dst(%arg10 : memref<125x128xf32, #tpu.memory_space<vmem>>)
    %barrier3A_48 = arith.constant 0 : index
    tpu.barrier barrier_id(%barrier3A_48)
    %mul3A_49 = arith.constant 10240 : i32
    %mul3A_50 = arith.muli %arg0, %mul3A_49 : i32
    %add3A_51 = arith.addi %mul3A_50, %mul3A_2 : i32
    "tpu.region"() ({
      %run_scoped3A = tpu.sem_alloc : memref<!tpu.dma_semaphore, #tpu.memory_space<semaphore_mem>>
      %dma_start3A_52 = arith.constant 0 : i32
      %dma_start3A_53 = tpu.memref_slice %arg6[%add3A_51, %dma_start3A_52] : memref<20480x128xf32, #tpu.memory_space<hbm>> -> memref<640x128xf32, #tpu.memory_space<hbm>>
      %dma_start3A_54 = arith.constant 0 : i32
      %dma_start3A_55 = tpu.memref_slice %arg7[%mul3A_2, %dma_start3A_54] : memref<10240x128xf32, #tpu.memory_space<vmem_shared>> -> memref<640x128xf32, #tpu.memory_space<vmem_shared>>
      tpu.enqueue_dma source(%dma_start3A_55 : memref<640x128xf32, #tpu.memory_space<vmem_shared>>) target(%dma_start3A_53 : memref<640x128xf32, #tpu.memory_space<hbm>>) target_semaphore(%run_scoped3A : memref<!tpu.dma_semaphore, #tpu.memory_space<semaphore_mem>>)
      %dma_wait3A_56 = arith.constant 0 : i32
      %dma_wait3A_57 = tpu.memref_slice %arg6[%add3A_51, %dma_wait3A_56] : memref<20480x128xf32, #tpu.memory_space<hbm>> -> memref<640x128xf32, #tpu.memory_space<hbm>>
      %dma_wait3A_58 = arith.constant 0 : i32
      %dma_wait3A_59 = tpu.memref_slice %arg7[%mul3A_2, %dma_wait3A_58] : memref<10240x128xf32, #tpu.memory_space<vmem_shared>> -> memref<640x128xf32, #tpu.memory_space<vmem_shared>>
      tpu.wait_dma2 semaphore(%run_scoped3A : memref<!tpu.dma_semaphore, #tpu.memory_space<semaphore_mem>>) src(%dma_wait3A_59 : memref<640x128xf32, #tpu.memory_space<vmem_shared>>) dst(%dma_wait3A_57 : memref<640x128xf32, #tpu.memory_space<hbm>>)
      tpu.yield
    }) : () -> ()
    return
  }
}

module attributes {stable_mosaic.version = 14 : i64} {
  func.func @_tc1_body(%arg0: memref<10000x128xf32, #tpu.memory_space<vmem>>, %arg1: memref<128x128xf32, #tpu.memory_space<vmem>>, %arg2: memref<1x128xf32, #tpu.memory_space<vmem>>, %arg3: memref<128x128xf32, #tpu.memory_space<vmem>>, %arg4: memref<128x128xf32, #tpu.memory_space<vmem>>, %arg5: memref<1x128xf32, #tpu.memory_space<vmem>>, %arg6: memref<10000x128xf32, #tpu.memory_space<vmem>>, %arg7: memref<10000x128xf32, #tpu.memory_space<vmem>>) attributes {dimension_semantics = [], scalar_prefetch = 0 : i64, scratch_operands = 0 : i64, tpu.core_type = #tpu.core_type<tc>} {
    %get3A = arith.constant 0 : index
    %get3A_0 = arith.constant 0 : index
    %get3A_1 = vector.load %arg0[%get3A, %get3A_0] : memref<10000x128xf32, #tpu.memory_space<vmem>>, vector<10000x128xf32>
    %get3A_2 = arith.constant 0 : index
    %get3A_3 = arith.constant 0 : index
    %get3A_4 = vector.load %arg1[%get3A_2, %get3A_3] : memref<128x128xf32, #tpu.memory_space<vmem>>, vector<128x128xf32>
    %dot_general3A = arith.constant dense<0.000000e+00> : vector<10000x128xf32>
    %dot_general3A_5 = tpu.matmul %get3A_1, %get3A_4, %dot_general3A {dimension_numbers = #tpu.dot_dimension_numbers<[1], [1], [0], [0], [0, 0, 1, 0], [], []>, transpose_lhs_hint = false} : vector<10000x128xf32>, vector<128x128xf32>, vector<10000x128xf32> -> vector<10000x128xf32>
    %get3A_6 = arith.constant 0 : index
    %get3A_7 = arith.constant 0 : index
    %get3A_8 = vector.load %arg2[%get3A_6, %get3A_7] : memref<1x128xf32, #tpu.memory_space<vmem>>, vector<1x128xf32>
    %add3A = vector.broadcast %get3A_8 : vector<1x128xf32> to vector<10000x128xf32>
    %add3A_9 = arith.addf %dot_general3A_5, %add3A : vector<10000x128xf32>
    %get3A_10 = arith.constant 0 : index
    %get3A_11 = arith.constant 0 : index
    %get3A_12 = vector.load %arg3[%get3A_10, %get3A_11] : memref<128x128xf32, #tpu.memory_space<vmem>>, vector<128x128xf32>
    %dot_general3A_13 = arith.constant dense<0.000000e+00> : vector<10000x128xf32>
    %dot_general3A_14 = tpu.matmul %add3A_9, %get3A_12, %dot_general3A_13 {dimension_numbers = #tpu.dot_dimension_numbers<[1], [1], [0], [0], [0, 0, 1, 0], [], []>, transpose_lhs_hint = false} : vector<10000x128xf32>, vector<128x128xf32>, vector<10000x128xf32> -> vector<10000x128xf32>
    %swap3A = arith.constant 0 : index
    %swap3A_15 = arith.constant 0 : index
    %swap3A_16 = vector.load %arg6[%swap3A, %swap3A_15] : memref<10000x128xf32, #tpu.memory_space<vmem>>, vector<10000x128xf32>
    tpu.vector_store %arg6[%swap3A, %swap3A_15], %dot_general3A_14 {strides = array<i32>} : memref<10000x128xf32, #tpu.memory_space<vmem>>, vector<10000x128xf32>,
    %get3A_17 = arith.constant 0 : index
    %get3A_18 = arith.constant 0 : index
    %get3A_19 = vector.load %arg4[%get3A_17, %get3A_18] : memref<128x128xf32, #tpu.memory_space<vmem>>, vector<128x128xf32>
    %dot_general3A_20 = arith.constant dense<0.000000e+00> : vector<10000x128xf32>
    %dot_general3A_21 = tpu.matmul %add3A_9, %get3A_19, %dot_general3A_20 {dimension_numbers = #tpu.dot_dimension_numbers<[1], [1], [0], [0], [0, 0, 1, 0], [], []>, transpose_lhs_hint = false} : vector<10000x128xf32>, vector<128x128xf32>, vector<10000x128xf32> -> vector<10000x128xf32>
    %get3A_22 = arith.constant 0 : index
    %get3A_23 = arith.constant 0 : index
    %get3A_24 = vector.load %arg5[%get3A_22, %get3A_23] : memref<1x128xf32, #tpu.memory_space<vmem>>, vector<1x128xf32>
    %add3A_25 = vector.broadcast %get3A_24 : vector<1x128xf32> to vector<10000x128xf32>
    %add3A_26 = arith.addf %dot_general3A_21, %add3A_25 : vector<10000x128xf32>
    %swap3A_27 = arith.constant 0 : index
    %swap3A_28 = arith.constant 0 : index
    %swap3A_29 = vector.load %arg7[%swap3A_27, %swap3A_28] : memref<10000x128xf32, #tpu.memory_space<vmem>>, vector<10000x128xf32>
    tpu.vector_store %arg7[%swap3A_27, %swap3A_28], %add3A_26 {strides = array<i32>} : memref<10000x128xf32, #tpu.memory_space<vmem>>, vector<10000x128xf32>,
    return
  }
}

module attributes {stable_mosaic.version = 14 : i64} {
  func.func @_tc2_body(%arg0: memref<20480x128xf32, #tpu.memory_space<vmem>>, %arg1: memref<20480x1xf32, #tpu.memory_space<vmem>>, %arg2: memref<10000x128xf32, #tpu.memory_space<vmem>>, %arg3: memref<128x128xf32, #tpu.memory_space<vmem>>, %arg4: memref<128x128xf32, #tpu.memory_space<vmem>>, %arg5: memref<1x128xf32, #tpu.memory_space<vmem>>, %arg6: memref<10000x128xf32, #tpu.memory_space<vmem>>, %arg7: memref<10000x128xf32, #tpu.memory_space<vmem>>, %arg8: memref<10000x1xf32, #tpu.memory_space<vmem>>) attributes {dimension_semantics = [], scalar_prefetch = 0 : i64, scratch_operands = 0 : i64, tpu.core_type = #tpu.core_type<tc>} {
    %get3A = arith.constant 0 : index
    %get3A_0 = arith.constant 0 : index
    %get3A_1 = vector.load %arg0[%get3A, %get3A_0] : memref<20480x128xf32, #tpu.memory_space<vmem>>, vector<10000x128xf32>
    %get3A_2 = arith.constant 10240 : index
    %get3A_3 = arith.constant 0 : index
    %get3A_4 = vector.load %arg0[%get3A_2, %get3A_3] : memref<20480x128xf32, #tpu.memory_space<vmem>>, vector<10000x128xf32>
    %add3A = arith.addf %get3A_1, %get3A_4 : vector<10000x128xf32>
    %get3A_5 = arith.constant 0 : index
    %get3A_6 = arith.constant 0 : index
    %get3A_7 = vector.load %arg1[%get3A_5, %get3A_6] : memref<20480x1xf32, #tpu.memory_space<vmem>>, vector<10000x1xf32>
    %get3A_8 = arith.constant 10240 : index
    %get3A_9 = arith.constant 0 : index
    %get3A_10 = vector.load %arg1[%get3A_8, %get3A_9] : memref<20480x1xf32, #tpu.memory_space<vmem>>, vector<10000x1xf32>
    %add3A_11 = arith.addf %get3A_7, %get3A_10 : vector<10000x1xf32>
    %max3A = arith.constant 1.000000e+00 : f32
    %max3A_12 = vector.broadcast %max3A : f32 to vector<10000x1xf32>
    %max3A_13 = arith.maximumf %add3A_11, %max3A_12 : vector<10000x1xf32>
    %div3A = arith.constant 1.000000e+00 : f32
    %div3A_14 = vector.broadcast %div3A : f32 to vector<10000x1xf32>
    %div3A_15 = arith.divf %div3A_14, %max3A_13 : vector<10000x1xf32>
    %mul3A = vector.broadcast %div3A_15 : vector<10000x1xf32> to vector<10000x128xf32>
    %mul3A_16 = arith.mulf %add3A, %mul3A : vector<10000x128xf32>
    %get3A_17 = arith.constant 0 : index
    %get3A_18 = arith.constant 0 : index
    %get3A_19 = vector.load %arg2[%get3A_17, %get3A_18] : memref<10000x128xf32, #tpu.memory_space<vmem>>, vector<10000x128xf32>
    %add3A_20 = arith.addf %mul3A_16, %get3A_19 : vector<10000x128xf32>
    %gt3A = arith.constant 0.000000e+00 : f32
    %gt3A_21 = vector.broadcast %gt3A : f32 to vector<10000x128xf32>
    %gt3A_22 = arith.cmpf ogt, %add3A_20, %gt3A_21 : vector<10000x128xf32>
    %mul3A_23 = arith.constant 1.000000e-01 : f32
    %mul3A_24 = vector.broadcast %mul3A_23 : f32 to vector<10000x128xf32>
    %mul3A_25 = arith.mulf %mul3A_24, %add3A_20 : vector<10000x128xf32>
    %select_n3A = arith.select %gt3A_22, %add3A_20, %mul3A_25 : vector<10000x128xi1>, vector<10000x128xf32>
    %get3A_26 = arith.constant 0 : index
    %get3A_27 = arith.constant 0 : index
    %get3A_28 = vector.load %arg3[%get3A_26, %get3A_27] : memref<128x128xf32, #tpu.memory_space<vmem>>, vector<128x128xf32>
    %dot_general3A = arith.constant dense<0.000000e+00> : vector<10000x128xf32>
    %dot_general3A_29 = tpu.matmul %select_n3A, %get3A_28, %dot_general3A {dimension_numbers = #tpu.dot_dimension_numbers<[1], [1], [0], [0], [0, 0, 1, 0], [], []>, transpose_lhs_hint = false} : vector<10000x128xf32>, vector<128x128xf32>, vector<10000x128xf32> -> vector<10000x128xf32>
    %swap3A = arith.constant 0 : index
    %swap3A_30 = arith.constant 0 : index
    %swap3A_31 = vector.load %arg6[%swap3A, %swap3A_30] : memref<10000x128xf32, #tpu.memory_space<vmem>>, vector<10000x128xf32>
    tpu.vector_store %arg6[%swap3A, %swap3A_30], %dot_general3A_29 {strides = array<i32>} : memref<10000x128xf32, #tpu.memory_space<vmem>>, vector<10000x128xf32>,
    %get3A_32 = arith.constant 0 : index
    %get3A_33 = arith.constant 0 : index
    %get3A_34 = vector.load %arg4[%get3A_32, %get3A_33] : memref<128x128xf32, #tpu.memory_space<vmem>>, vector<128x128xf32>
    %dot_general3A_35 = arith.constant dense<0.000000e+00> : vector<10000x128xf32>
    %dot_general3A_36 = tpu.matmul %select_n3A, %get3A_34, %dot_general3A_35 {dimension_numbers = #tpu.dot_dimension_numbers<[1], [1], [0], [0], [0, 0, 1, 0], [], []>, transpose_lhs_hint = false} : vector<10000x128xf32>, vector<128x128xf32>, vector<10000x128xf32> -> vector<10000x128xf32>
    %get3A_37 = arith.constant 0 : index
    %get3A_38 = arith.constant 0 : index
    %get3A_39 = vector.load %arg5[%get3A_37, %get3A_38] : memref<1x128xf32, #tpu.memory_space<vmem>>, vector<1x128xf32>
    %add3A_40 = vector.broadcast %get3A_39 : vector<1x128xf32> to vector<10000x128xf32>
    %add3A_41 = arith.addf %dot_general3A_36, %add3A_40 : vector<10000x128xf32>
    %swap3A_42 = arith.constant 0 : index
    %swap3A_43 = arith.constant 0 : index
    %swap3A_44 = vector.load %arg7[%swap3A_42, %swap3A_43] : memref<10000x128xf32, #tpu.memory_space<vmem>>, vector<10000x128xf32>
    tpu.vector_store %arg7[%swap3A_42, %swap3A_43], %add3A_41 {strides = array<i32>} : memref<10000x128xf32, #tpu.memory_space<vmem>>, vector<10000x128xf32>,
    %swap3A_45 = arith.constant 0 : index
    %swap3A_46 = arith.constant 0 : index
    %swap3A_47 = vector.load %arg8[%swap3A_45, %swap3A_46] : memref<10000x1xf32, #tpu.memory_space<vmem>>, vector<10000x1xf32>
    tpu.vector_store %arg8[%swap3A_45, %swap3A_46], %div3A_15 {strides = array<i32>} : memref<10000x1xf32, #tpu.memory_space<vmem>>, vector<10000x1xf32>,
    return
  }
}

module attributes {stable_mosaic.version = 14 : i64} {
  func.func @_tc3_body(%arg0: memref<20480x128xf32, #tpu.memory_space<vmem>>, %arg1: memref<10000x1xf32, #tpu.memory_space<vmem>>, %arg2: memref<10000x128xf32, #tpu.memory_space<vmem>>, %arg3: memref<10000x128xf32, #tpu.memory_space<vmem>>) attributes {dimension_semantics = [], scalar_prefetch = 0 : i64, scratch_operands = 0 : i64, tpu.core_type = #tpu.core_type<tc>} {
    %get3A = arith.constant 0 : index
    %get3A_0 = arith.constant 0 : index
    %get3A_1 = vector.load %arg0[%get3A, %get3A_0] : memref<20480x128xf32, #tpu.memory_space<vmem>>, vector<10000x128xf32>
    %get3A_2 = arith.constant 10240 : index
    %get3A_3 = arith.constant 0 : index
    %get3A_4 = vector.load %arg0[%get3A_2, %get3A_3] : memref<20480x128xf32, #tpu.memory_space<vmem>>, vector<10000x128xf32>
    %add3A = arith.addf %get3A_1, %get3A_4 : vector<10000x128xf32>
    %get3A_5 = arith.constant 0 : index
    %get3A_6 = arith.constant 0 : index
    %get3A_7 = vector.load %arg1[%get3A_5, %get3A_6] : memref<10000x1xf32, #tpu.memory_space<vmem>>, vector<10000x1xf32>
    %mul3A = vector.broadcast %get3A_7 : vector<10000x1xf32> to vector<10000x128xf32>
    %mul3A_8 = arith.mulf %add3A, %mul3A : vector<10000x128xf32>
    %get3A_9 = arith.constant 0 : index
    %get3A_10 = arith.constant 0 : index
    %get3A_11 = vector.load %arg2[%get3A_9, %get3A_10] : memref<10000x128xf32, #tpu.memory_space<vmem>>, vector<10000x128xf32>
    %add3A_12 = arith.addf %mul3A_8, %get3A_11 : vector<10000x128xf32>
    %swap3A = arith.constant 0 : index
    %swap3A_13 = arith.constant 0 : index
    %swap3A_14 = vector.load %arg3[%swap3A, %swap3A_13] : memref<10000x128xf32, #tpu.memory_space<vmem>>, vector<10000x128xf32>
    tpu.vector_store %arg3[%swap3A, %swap3A_13], %add3A_12 {strides = array<i32>} : memref<10000x128xf32, #tpu.memory_space<vmem>>, vector<10000x128xf32>,
    return
  }
}

module attributes {stable_mosaic.version = 14 : i64} {
  func.func @_tc4_body(%arg0: memref<8192x128xf32, #tpu.memory_space<vmem>>, %arg1: memref<8192x128xf32, #tpu.memory_space<vmem>>, %arg2: memref<128x128xf32, #tpu.memory_space<vmem>>, %arg3: memref<128x128xf32, #tpu.memory_space<vmem>>, %arg4: memref<1x128xf32, #tpu.memory_space<vmem>>, %arg5: memref<1x128xf32, #tpu.memory_space<vmem>>, %arg6: memref<8192x1xf32, #tpu.memory_space<vmem>>, %arg7: memref<8192x1xf32, #tpu.memory_space<vmem>>) attributes {dimension_semantics = [], scalar_prefetch = 0 : i64, scratch_operands = 0 : i64, tpu.core_type = #tpu.core_type<tc>} {
    %get3A = arith.constant 0 : index
    %get3A_0 = arith.constant 0 : index
    %get3A_1 = vector.load %arg0[%get3A, %get3A_0] : memref<8192x128xf32, #tpu.memory_space<vmem>>, vector<8192x128xf32>
    %get3A_2 = arith.constant 0 : index
    %get3A_3 = arith.constant 0 : index
    %get3A_4 = vector.load %arg2[%get3A_2, %get3A_3] : memref<128x128xf32, #tpu.memory_space<vmem>>, vector<128x128xf32>
    %dot_general3A = arith.constant dense<0.000000e+00> : vector<8192x128xf32>
    %dot_general3A_5 = tpu.matmul %get3A_1, %get3A_4, %dot_general3A {dimension_numbers = #tpu.dot_dimension_numbers<[1], [1], [0], [0], [0, 0, 1, 0], [], []>, transpose_lhs_hint = false} : vector<8192x128xf32>, vector<128x128xf32>, vector<8192x128xf32> -> vector<8192x128xf32>
    %get3A_6 = arith.constant 0 : index
    %get3A_7 = arith.constant 0 : index
    %get3A_8 = vector.load %arg1[%get3A_6, %get3A_7] : memref<8192x128xf32, #tpu.memory_space<vmem>>, vector<8192x128xf32>
    %get3A_9 = arith.constant 0 : index
    %get3A_10 = arith.constant 0 : index
    %get3A_11 = vector.load %arg3[%get3A_9, %get3A_10] : memref<128x128xf32, #tpu.memory_space<vmem>>, vector<128x128xf32>
    %dot_general3A_12 = arith.constant dense<0.000000e+00> : vector<8192x128xf32>
    %dot_general3A_13 = tpu.matmul %get3A_8, %get3A_11, %dot_general3A_12 {dimension_numbers = #tpu.dot_dimension_numbers<[1], [1], [0], [0], [0, 0, 1, 0], [], []>, transpose_lhs_hint = false} : vector<8192x128xf32>, vector<128x128xf32>, vector<8192x128xf32> -> vector<8192x128xf32>
    %add3A = arith.addf %dot_general3A_5, %dot_general3A_13 : vector<8192x128xf32>
    %get3A_14 = arith.constant 0 : index
    %get3A_15 = arith.constant 0 : index
    %get3A_16 = vector.load %arg4[%get3A_14, %get3A_15] : memref<1x128xf32, #tpu.memory_space<vmem>>, vector<1x128xf32>
    %add3A_17 = vector.broadcast %get3A_16 : vector<1x128xf32> to vector<8192x128xf32>
    %add3A_18 = arith.addf %add3A, %add3A_17 : vector<8192x128xf32>
    %gt3A = arith.constant 0.000000e+00 : f32
    %gt3A_19 = vector.broadcast %gt3A : f32 to vector<8192x128xf32>
    %gt3A_20 = arith.cmpf ogt, %add3A_18, %gt3A_19 : vector<8192x128xf32>
    %mul3A = arith.constant 1.000000e-01 : f32
    %mul3A_21 = vector.broadcast %mul3A : f32 to vector<8192x128xf32>
    %mul3A_22 = arith.mulf %mul3A_21, %add3A_18 : vector<8192x128xf32>
    %select_n3A = arith.select %gt3A_20, %add3A_18, %mul3A_22 : vector<8192x128xi1>, vector<8192x128xf32>
    %get3A_23 = arith.constant 0 : index
    %get3A_24 = arith.constant 0 : index
    %get3A_25 = vector.load %arg5[%get3A_23, %get3A_24] : memref<1x128xf32, #tpu.memory_space<vmem>>, vector<1x128xf32>
    %mul3A_26 = vector.broadcast %get3A_25 : vector<1x128xf32> to vector<8192x128xf32>
    %mul3A_27 = arith.mulf %select_n3A, %mul3A_26 : vector<8192x128xf32>
    %reduce_sum3A = arith.constant dense<0.000000e+00> : vector<8192xf32>
    %reduce_sum3A_28 = vector.multi_reduction <add>, %mul3A_27, %reduce_sum3A [1] : vector<8192x128xf32> to vector<8192xf32>
    %broadcast_in_dim3A = vector.shape_cast %reduce_sum3A_28 : vector<8192xf32> to vector<8192x1xf32>
    %get3A_29 = arith.constant 0 : index
    %get3A_30 = arith.constant 0 : index
    %get3A_31 = vector.load %arg6[%get3A_29, %get3A_30] : memref<8192x1xf32, #tpu.memory_space<vmem>>, vector<8192x1xf32>
    %add3A_32 = arith.addf %broadcast_in_dim3A, %get3A_31 : vector<8192x1xf32>
    %swap3A = arith.constant 0 : index
    %swap3A_33 = arith.constant 0 : index
    %swap3A_34 = vector.load %arg7[%swap3A, %swap3A_33] : memref<8192x1xf32, #tpu.memory_space<vmem>>, vector<8192x1xf32>
    tpu.vector_store %arg7[%swap3A, %swap3A_33], %add3A_32 {strides = array<i32>} : memref<8192x1xf32, #tpu.memory_space<vmem>>, vector<8192x1xf32>,
    return
  }
}

</mosaic_0001>

<sc_bundles>
// kernel: kernel.10.cloned.1.call-start
scs
__scs_entry_jumppad:
0x0: {  	(pc) =	sbr.rel $0x88, $3  }
0x1: {  	(tag) =	ssettag $0x0;
	lr =	simm.s32 $0x1  }
0x2: {  	[smem:$0x3F92] =	sst lr;
	_ =	strace $0xD0000000  }
0x3: {  	_ = 	snop  }
0x4: {  	_ = 	snop  }
0x5: {  	_ = 	snop  }
0x6: {  	_ = 	snop  }
0x7: {  	_ = 	snop  }
__scs_overlays_trampoline_lowered:
0x8: {  	[smem:$0x3FA1] =	sst s0  }
0x9: {  	[smem:$0x3FA2] =	sst s1  }
0xa: {  	[smem:$0x3FA3] =	sst s2  }
0xb: {  	[smem:$0x3FA4] =	sst s3  }
0xc: {  	[smem:$0x3FA5] =	sst s4  }
0xd: {  	[smem:$0x3FA6] =	sst s5  }
0xe: {  	[smem:$0x3FA7] =	sst s6  }
0xf: {  	[smem:$0x3FA8] =	sst s7  }
0x10: {  	[smem:$0x3FA9] =	sst s8  }
0x11: {  	[smem:$0x3FAA] =	sst s9;
	s0 =	simm.s32 @!p0 $0x0  }
0x12: {  	s1 =	sld [smem:$0x3F90];
	s0 =	simm.s32 @p0 $0x1  }
0x13: {  	[smem:$0x3FAB] =	sst s0;
	s0 =	simm.s32 @!p1 $0x0  }
0x14: {  	s2 =	sld [smem:$0x3F8F];
	s0 =	simm.s32 @p1 $0x1  }
0x15: {  	[smem:$0x3FAC] =	sst s0;
	s0 =	simm.s32 @!p2 $0x0  }
0x16: {  	s3 =	sld [smem:$0x3FDB];
	s0 =	simm.s32 @p2 $0x1  }
0x17: {  	s4 =	simm.s32 $0x1BF5;
	[smem:$0x3FAE] =	sst s0  }
0x18: {  	s0 =	sld [smem:$0x3F91];
	_ =	swait.ge [sflag:s4], $0x0  }
0x19: {  	s7 =	sld [smem:$0x3F92]  }
0x1a: {  	s8 =	sadd.s32 $0xFFFFE003, lr  }
0x1b: {  	s9 =	sadd.s32 $0xFFFFFEF7, lr;
	s5 =	simm.s32 $0xFFFFFFFF;
	p2 =	slt.u32 s8, $0xFFFFF086  }
0x1c: {  	p1 =	slt.u32 s9, $0xF7A;
	s5 =	simm.s32 @!p2 $0x0  }
0x1d: {  	s5 =	simm.s32 @p1 $0x1;
	p0 =	seq.s32 s7, s2  }
0x1e: {  	s7 =	smul.u32 @!p0 $0xF7A, s2;
	p2 =	seq.s32 @!p0 s5, $0x0  }
0x1f: {  	s9 =	smul.u32 $0xF7A, s1;
	s8 =	simm.s32 @!p0 $0x1BF5;
	p2 =	por !p2, p0  }
0x20: {  	[sflag:s8] =	ssyncset.s32 @!p0 $0xFFFFF086;
	s6 =	sadd.s32 @!p0 s3, s7;
	s7 =	simm.s32 @!p0 $0x108  }
0x21: {  	s3 =	sadd.s32 s3, s9;
	s6 =	sadd.s32 @!p0 $0x88, s6;
	s7 =	simm.s32 @p2 $0x1082  }
0x22: {  	[simem:s7], [sflag:s8] =	dma.local @!p0 [hbm:s6], $0xF7A  }
0x23: {  	s9 =	sor.u32 $0xD0000000, s2;
	s6 =	simm.s32 $0x108;
	_ =	swait.ge @!p0 [sflag:s8], $0x0  }
0x24: {  	s3 =	sadd.s32 $0x88, s3;
	s6 =	simm.s32 @!p1 $0x1082;
	[sflag:s4] =	ssyncset.s32 $0xFFFFF086  }
0x25: {  	[simem:s6], [sflag:s4] =	dma.local [hbm:s3], $0xF7A  }
0x26: {  	[smem:$0x3F92] =	sst s1;
	(tag) =	ssettag s2;
	_ =	strace s9  }
0x27: {  	s1 =	sld [smem:$0x3FA2]  }
0x28: {  	s2 =	sld [smem:$0x3FA3]  }
0x29: {  	s4 =	sld [smem:$0x3FA5]  }
0x2a: {  	p0 =	seq.s32 s5, $0x0;
	s5 =	sld [smem:$0x3FA6]  }
0x2b: {  	s6 =	sld [smem:$0x3FA7]  }
0x2c: {  	s7 =	sld [smem:$0x3FA8]  }
0x2d: {  	s3 =	simm.s32 $0x108;
	s8 =	sld [smem:$0x3FA9]  }
0x2e: {  	s3 =	simm.s32 @!p0 $0x1082;
	s9 =	sld [smem:$0x3FAA]  }
0x2f: {  	lr =	sadd.s32 s0, s3;
	s0 =	sld [smem:$0x3FA1]  }
0x30: {  	s3 =	sld [smem:$0x3FA4]  }
0x31: {  	[smem:$0x3FAD] =	sst s10  }
0x32: {  	s10 =	sld [smem:$0x3FAB];
	_ =	sdelay $0x3  }
0x33: {  	p0 =	seq.s32 s10, $0x1;
	s10 =	sld [smem:$0x3FAD];
	_ =	sdelay $0x3  }
0x34: {  	[smem:$0x3FAD] =	sst s10  }
0x35: {  	s10 =	sld [smem:$0x3FAC];
	_ =	sdelay $0x3  }
0x36: {  	p1 =	seq.s32 s10, $0x1;
	s10 =	sld [smem:$0x3FAD];
	_ =	sdelay $0x3  }
0x37: {  	[smem:$0x3FAD] =	sst s10  }
0x38: {  	s10 =	sld [smem:$0x3FAE]  }
0x39: {  	_ = 	snop;
	(pc) =	sbr.ind lr, $3  }
0x3a: {  	_ = 	snop  }
0x3b: {  	_ = 	snop  }
0x3c: {  	p2 =	seq.s32 s10, $0x1;
	s10 =	sld [smem:$0x3FAD]  }
0x3d: {  	_ =	shalt  }
0x3e: {  	_ =	shalt  }
0x3f: {  	_ =	shalt  }
0x40: {  	_ =	shalt  }
0x41: {  	_ =	shalt  }
0x42: {  	_ =	shalt  }
0x43: {  	_ =	shalt  }
0x44: {  	_ =	shalt  }
0x45: {  	_ =	shalt  }
0x46: {  	_ =	shalt  }
0x47: {  	_ =	shalt  }
0x48: {  	_ =	shalt  }
0x49: {  	_ =	shalt  }
0x4a: {  	_ =	shalt  }
0x4b: {  	_ =	shalt  }
0x4c: {  	_ =	shalt  }
0x4d: {  	_ =	shalt  }
0x4e: {  	_ =	shalt  }
0x4f: {  	_ =	shalt  }
0x50: {  	_ =	shalt  }
0x51: {  	_ =	shalt  }
0x52: {  	_ =	shalt  }
0x53: {  	_ =	shalt  }
0x54: {  	_ =	shalt  }
0x55: {  	_ =	shalt  }
0x56: {  	_ =	shalt  }
0x57: {  	_ =	shalt  }
0x58: {  	_ =	shalt  }
0x59: {  	_ =	shalt  }
0x5a: {  	_ =	shalt  }
0x5b: {  	_ =	shalt  }
0x5c: {  	_ =	shalt  }
0x5d: {  	_ =	shalt  }
0x5e: {  	_ =	shalt  }
0x5f: {  	_ =	shalt  }
0x60: {  	_ =	shalt  }
0x61: {  	_ =	shalt  }
0x62: {  	_ =	shalt  }
0x63: {  	_ =	shalt  }
0x64: {  	_ =	shalt  }
0x65: {  	_ =	shalt  }
0x66: {  	_ =	shalt  }
0x67: {  	_ =	shalt  }
0x68: {  	_ =	shalt  }
0x69: {  	_ =	shalt  }
0x6a: {  	_ =	shalt  }
0x6b: {  	_ =	shalt  }
0x6c: {  	_ =	shalt  }
0x6d: {  	_ =	shalt  }
0x6e: {  	_ =	shalt  }
0x6f: {  	_ =	shalt  }
0x70: {  	_ =	shalt  }
0x71: {  	_ =	shalt  }
0x72: {  	_ =	shalt  }
0x73: {  	_ =	shalt  }
0x74: {  	_ =	shalt  }
0x75: {  	_ =	shalt  }
0x76: {  	_ =	shalt  }
0x77: {  	_ =	shalt  }
0x78: {  	_ =	shalt  }
0x79: {  	_ =	shalt  }
0x7a: {  	_ =	shalt  }
0x7b: {  	_ =	shalt  }
0x7c: {  	_ =	shalt  }
0x7d: {  	_ =	shalt  }
0x7e: {  	_ =	shalt  }
0x7f: {  	_ =	shalt  }
0x80: {  	_ =	shalt  }
0x81: {  	_ =	shalt  }
0x82: {  	_ =	shalt  }
0x83: {  	_ =	shalt  }
0x84: {  	_ =	shalt  }
0x85: {  	_ =	shalt  }
0x86: {  	_ =	shalt  }
0x87: {  	_ =	shalt  }
.Lfunc_end0:
.L_simem_size_0:
called_computation_lowered:
.L_overlay_start_0:
0x88: {  	s2 =	sld [smem:$0x3FD9]  }
0x89: {  	s3 =	sld [smem:$0x3FFE];
	_ =	sdelay $0x1  }
0x8a: {  	s1 =	srdreg.scid  }
0x8b: {  	s0 =	sand.u32 $0x1, s1  }
0x8c: {  	s16 =	sshll.u32 s0, $0xA;
	s2 =	sadd.s32 s3, s2  }
0x8d: {  	s2 =	sadd.s32 s2, s16  }
0x8e: {  	[smem:$0x3FB9] =	sst s2  }
0x8f: {  	_ = 	snop  }
0x90: {  	(tm) =	ssettm $0x1  }
0x91: {  	s17 =	sld [smem:$0x3FFB];
	_ =	sdelay $0x3  }
0x92: {  	_ =	strace s17  }
0x93: {  	s2 =	sld [smem:$0x3FFC];
	_ =	sdelay $0x3  }
0x94: {  	_ =	strace s2  }
0x95: {  	s2 =	sld [smem:$0x3FFD];
	_ =	sdelay $0x3  }
0x96: {  	_ =	strace s2  }
0x97: {  	_ =	strace $0x8FFFFFFF  }
0x98: {  	s18 =	sld [smem:$0x3FDB];
	_ =	sdelay $0x1  }
0x99: {  	s19 =	simm.s32 $_scs_section_size  }
0x9a: {  	s4 =	simm.s32 $_size__tile_overlayer_lowered;
	s5 =	simm.s32 $_tile_overlayer_lowered  }
0x9b: {  	s22 =	simm.s32 $0x1BFF;
	s21 =	sshll.u32 s5, $0x1;
	s2 =	sadd.s32 s19, s18  }
0x9c: {  	s6 =	simm.s32 $0x0;
	s20 =	sshll.u32 s4, $0x1;
	s4 =	sadd.s32 s21, s2  }
0x9d: {  	[timem:s6], [sflag:s22] =	dma.local [hbm:s4], s20  }
0x9e: {  	_ =	swait.ge [sflag:s22], s20  }
0x9f: {  	s3 =	ssub.s32 $0x0, s20;
	[sflag:s22] =	ssyncset.done $0x0  }
0xa0: {  	[sflag:s22] =	ssyncadd.s32 s3;
	_ =	sdelay $0x1  }
0xa1: {  	s23 =	simm.s32 $0x1B8B  }
0xa2: {  	_ =	swait.ge [sflag:s23], $0x1  }
0xa3: {  	[sflag:s23] =	ssyncset.done $0x0  }
0xa4: {  	s25 =	simm.s32 $0x1B8E;
	s24 =	sld [smem:$0x3FFE];
	[sflag:s23] =	ssyncadd.s32 $0xFFFFFFFF  }
0xa5: {  	s26 =	simm.s32 $execute0_lowered;
	[smem:$0x3FD2] =	sst s25  }
0xa6: {  	s4 =	sshll.u32 s26, $0x1;
	_ =	strace $0x80000046;
	[dreg:$0x1] =	wrdreg $0xFFFFFFFF  }
0xa7: {  	s28 =	simm.s32 $_size_execute0_lowered;
	s2 =	sadd.s32 s2, s4;
	[dreg:$0x0] =	wrdreg $0x0  }
0xa8: {  	s4 =	sshll.u32 s28, $0x1;
	[dreg:$0x2] =	wrdreg s2  }
0xa9: {  	[dreg:$0x3] =	wrdreg s4  }
0xaa: {  	[dreg:$0x4] =	wrdreg $0xC0  }
0xab: {  	_ =	task [dreg:s6], $0x5FFFF  }
0xac: {  	[dreg:$0x1] =	wrdreg $0xFFFFFFFF  }
0xad: {  	[dreg:$0x0] =	wrdreg $0x60  }
0xae: {  	[dreg:$0x2] =	wrdreg s24  }
0xaf: {  	[dreg:$0x3] =	wrdreg $0x0  }
0xb0: {  	[dreg:$0x4] =	wrdreg $0x9  }
0xb1: {  	_ =	task.clear_ibuf [dreg:s6], $0x5FFFF;
	_ =	strace $0x90000046  }
0xb2: {  	s29 =	simm.s32 $0x9;
	_ =	strace $0x80000048  }
0xb3: {  	_ =	swait.ge [sflag:s29], $0x1  }
0xb4: {  	[sflag:s29] =	ssyncadd.s32 $0xFFFFFFFF  }
0xb5: {  	_ =	strace $0x90000048  }
0xb6: {  	_ =	sfence  }
0xb7: {  	s30 =	sld [smem:$0x0];
	_ =	sdelay $0x2  }
0xb8: {  	s31 =	sshll.u32 s1, $0xD;
	s1 =	sshrl.u32 s1, $0x2  }
0xb9: {  	s3 =	sand.u32 $0x4000, s31;
	s1 =	sadd.s32 s1, s30  }
0xba: {  	s0 =	sor.u32 s3, s0;
	s1 =	sshll.u32 s1, $0x11  }
0xbb: {  	s0 =	sor.u32 s1, s0  }
0xbc: {  	s0 =	sadd.s32 $0x8F2B, s0  }
0xbd: {  	[sflag:s0] =	ssyncadd.remote.s32 $0x1  }
0xbe: {  	_ =	sfence.sel $0xFFFF  }
0xbf: {  	[dreg:$0x0] =	wrdreg $0xFFFFFFFF;
	(pc) =	sbr.abs _section_cstart, $3  }
0xc0: {  	[dreg:$0x1] =	wrdreg $0xFFFFFFFF  }
0xc1: {  	_ =	task.clear_ibuf [dreg:s6], $0x2FFFF;
	_ =	strace $0x9FFFFFFF  }
0xc2: {  	(tm) =	ssettm $0x7FFFFFFF  }
0xc3: {  	_ =	shalt  }
tec
execute0_lowered:
.L_overlay_start_1:
0x0: {  	(tag) =	ssettag $0x1  }
0x1: {  	s0 =	srdreg.scid  }
0x2: {  	s8 =	stileid.u32;
	s4 =	rddreg [dreg:$0x0]  }
0x3: {  	s6 =	rddreg [dreg:$0x1];
	s2 =	simm.s32 $0x0;
	s28 =	simm.s32 $0x80  }
0x4: {  	s29 =	simm.s32 $0x400;
	s31 =	simm.s32 $0x0;
	s0 =	sand.u32 $0x1, s0  }
0x5: {  	s5 =	smul.u32 $0x280, s8;
	[smem:$0x7FF] =	sst s2;
	s3 =	sadd.s32 $0xDE00, s4  }
0x6: {  	s24 =	sshrl.u32 s8, $0x3;
	s26 =	smul.u32 $0x5000, s8;
	s30 =	sshll.u32 s8, $0x7  }
0x7: {  	s1 =	sshll.u32 s0, $0x4;
	s7 =	smul.u32 $0x2800, s0;
	s0 =	ssub.s32 $0x2, s0  }
0x8: {  	_ =	strace $0x80000047;
	s1 =	sor.u32 s8, s1;
	s25 =	sshrl.u32 s0, $0x1  }
0x9: {  	s8 =	sand.u32 $0x380, s30;
	s9 =	sshrl.u32 s26, $0x2;
	s1 =	smul.u32 $0x4E2, s1  }
0xa: {  	s5 =	sadd.s32 s5, s7;
	s7 =	smul.u32 $0x50000, s24;
	s0 =	ssub.s32 s0, s25  }
0xb: {  	s24 =	simm.s32 $0x4F80;
	s25 =	simm.s32 $0x1;
	s5 =	sshrl.u32 s5, $0x3  }
0xc: {  	s23 =	smax.u32 s0, $0x1;
	s1 =	sadd.s32 s1, s4;
	s7 =	sshrl.u32 s7, $0x2  }
0xd: {  	s22 =	sadd.s32 s5, s4;
	s7 =	sadd.s32 s7, s6;
	s4 =	sadd.s32 $0x4000, s1  }
0xe: {  	s6 =	sadd.s32 s9, s6;
	s22 =	sadd.s32 $0xE400, s22;
	s5 =	sadd.s32 s8, s7  }
0xf: {  	s7 =	sadd.s32 $0x80, s6;
	s8 =	sadd.s32 $0x100, s6;
	s9 =	sadd.s32 $0x180, s6  }
0x10: {  	s10 =	sadd.s32 $0x200, s6;
	s11 =	sadd.s32 $0x280, s6;
	s12 =	sadd.s32 $0x300, s6  }
0x11: {  	s13 =	sadd.s32 $0x380, s6;
	s14 =	sadd.s32 $0x14000, s6;
	s15 =	sadd.s32 $0x14080, s6  }
0x12: {  	s16 =	sadd.s32 $0x14100, s6;
	s17 =	sadd.s32 $0x14180, s6;
	s18 =	sadd.s32 $0x14200, s6  }
0x13: {  	v0 =	vimm.f32 $1.000000000e+00;
	s19 =	sadd.s32 $0x14280, s6;
	s20 =	sadd.s32 $0x14300, s6;
	s21 =	sadd.s32 $0x14380, s6  }
.LBB2_1:
0x14: {  	[tilespmem:s24], [sflag:$0x1] =	stream.linear.gather [hbm4b:s3+s2], $0x2800, $0x38;
	[tilespmem:$0xA200] =	vst v63  }
0x15: {  	_ =	swait.ge [sflag:s25], $0x2800  }
0x16: {  	[sflag:s25] =	ssyncset.done $0x0  }
0x17: {  	s0 =	simm.s32 $0x2800;
	[sflag:s25] =	ssyncadd.s32 $0xFFFFD800  }
0x18: {  	[tilespmem:s0], [sflag:$0x1] =	stream.linear.gather [hbm4b:s4+s2], $0x2710, $0x38;
	[tilespmem:$0xA200] =	vst v63  }
0x19: {  	_ =	swait.ge [sflag:s25], $0x2710  }
0x1a: {  	[sflag:s25] =	ssyncset.done $0x0  }
0x1b: {  	s0 =	simm.s32 $0x0;
	[sflag:s25] =	ssyncadd.s32 $0xFFFFD8F0  }
.LBB2_2:
0x1c: {  	s1 =	sshra.s32 s0, $0x2  }
0x1d: {  	v1 =	vld [tilespmem:s1+$0x2800];
	_ =	sdelay $0x7  }
0x1e: {  	[tilespmem:v1+s24+$0x0] =	vst.idx.add.f32.msk $0xffff, v0  }
0x1f: {  	v1 =	vld [tilespmem:s1+$0x2810];
	_ =	sdelay $0x7  }
0x20: {  	[tilespmem:v1+s24+$0x0] =	vst.idx.add.f32.msk $0xffff, v0  }
0x21: {  	v1 =	vld [tilespmem:s1+$0x2820];
	_ =	sdelay $0x7  }
0x22: {  	[tilespmem:v1+s24+$0x0] =	vst.idx.add.f32.msk $0xffff, v0  }
0x23: {  	v1 =	vld [tilespmem:s1+$0x2830];
	_ =	sdelay $0x7  }
0x24: {  	[tilespmem:v1+s24+$0x0] =	vst.idx.add.f32.msk $0xffff, v0  }
0x25: {  	v1 =	vld [tilespmem:s1+$0x2840];
	_ =	sdelay $0x2  }
0x26: {  	p0 =	sne.s32 s0, $0x9B00  }
.Ltmp0:
0x27: {  	_ = 	snop;
	(pc) =	sbr.rel @p0 .LBB2_2-.Ltmp0, $2  }
0x28: {  	_ =	sdelay $0x2  }
0x29: {  	s0 =	sadd.s32 $0x140, s0;
	[tilespmem:v1+s24+$0x0] =	vst.idx.add.f32.msk $0xffff, v0  }
0x2a: {  	[spmem:s5] =	stream.strided.scatter [tilespmem:s24], [sflag:$0x1], $0x2800, s29, s28, $0x38;
	[tilespmem:$0xA200] =	vst v63  }
0x2b: {  	_ =	swait.ge [sflag:s25], $0x2800  }
0x2c: {  	[sflag:s25] =	ssyncset.done $0x0  }
0x2d: {  	[sflag:s25] =	ssyncadd.s32 $0xFFFFD800  }
0x2e: {  	s0 =	simm.s32 $0x7780;
	[bflag:$0x0] =	sbarrier.arrive $0xFFFF  }
0x2f: {  	[tilespmem:s0], [sflag:$0x1] =	stream.strided.gather [spmem:s6], $0x280, s29, s28, $0x38;
	[tilespmem:$0xA200] =	vst v63  }
0x30: {  	_ =	swait.ge [sflag:s25], $0x280  }
0x31: {  	[sflag:s25] =	ssyncset.done $0x0  }
0x32: {  	s1 =	simm.s32 $0x7A00;
	[sflag:s25] =	ssyncadd.s32 $0xFFFFFD80  }
0x33: {  	[tilespmem:s1], [sflag:$0x1] =	stream.strided.gather [spmem:s7], $0x280, s29, s28, $0x38;
	[tilespmem:$0xA200] =	vst v63  }
0x34: {  	_ =	swait.ge [sflag:s25], $0x280  }
0x35: {  	[sflag:s25] =	ssyncset.done $0x0  }
0x36: {  	s26 =	simm.s32 $0x7C80;
	[sflag:s25] =	ssyncadd.s32 $0xFFFFFD80  }
0x37: {  	[tilespmem:s26], [sflag:$0x1] =	stream.strided.gather [spmem:s8], $0x280, s29, s28, $0x38;
	[tilespmem:$0xA200] =	vst v63  }
0x38: {  	_ =	swait.ge [sflag:s25], $0x280  }
0x39: {  	[sflag:s25] =	ssyncset.done $0x0  }
0x3a: {  	s26 =	simm.s32 $0x7F00;
	[sflag:s25] =	ssyncadd.s32 $0xFFFFFD80  }
0x3b: {  	[tilespmem:s26], [sflag:$0x1] =	stream.strided.gather [spmem:s9], $0x280, s29, s28, $0x38;
	[tilespmem:$0xA200] =	vst v63  }
0x3c: {  	_ =	swait.ge [sflag:s25], $0x280  }
0x3d: {  	[sflag:s25] =	ssyncset.done $0x0  }
0x3e: {  	s26 =	simm.s32 $0x8180;
	[sflag:s25] =	ssyncadd.s32 $0xFFFFFD80  }
0x3f: {  	[tilespmem:s26], [sflag:$0x1] =	stream.strided.gather [spmem:s10], $0x280, s29, s28, $0x38;
	[tilespmem:$0xA200] =	vst v63  }
0x40: {  	_ =	swait.ge [sflag:s25], $0x280  }
0x41: {  	[sflag:s25] =	ssyncset.done $0x0  }
0x42: {  	s26 =	simm.s32 $0x8400;
	[sflag:s25] =	ssyncadd.s32 $0xFFFFFD80  }
0x43: {  	[tilespmem:s26], [sflag:$0x1] =	stream.strided.gather [spmem:s11], $0x280, s29, s28, $0x38;
	[tilespmem:$0xA200] =	vst v63  }
0x44: {  	_ =	swait.ge [sflag:s25], $0x280  }
0x45: {  	[sflag:s25] =	ssyncset.done $0x0  }
0x46: {  	s26 =	simm.s32 $0x8680;
	[sflag:s25] =	ssyncadd.s32 $0xFFFFFD80  }
0x47: {  	[tilespmem:s26], [sflag:$0x1] =	stream.strided.gather [spmem:s12], $0x280, s29, s28, $0x38;
	[tilespmem:$0xA200] =	vst v63  }
0x48: {  	_ =	swait.ge [sflag:s25], $0x280  }
0x49: {  	[sflag:s25] =	ssyncset.done $0x0  }
0x4a: {  	s26 =	simm.s32 $0x8900;
	[sflag:s25] =	ssyncadd.s32 $0xFFFFFD80  }
0x4b: {  	[tilespmem:s26], [sflag:$0x1] =	stream.strided.gather [spmem:s13], $0x280, s29, s28, $0x38;
	[tilespmem:$0xA200] =	vst v63  }
0x4c: {  	_ =	swait.ge [sflag:s25], $0x280  }
0x4d: {  	[sflag:s25] =	ssyncset.done $0x0  }
0x4e: {  	s26 =	simm.s32 $0x8B80;
	[sflag:s25] =	ssyncadd.s32 $0xFFFFFD80  }
0x4f: {  	[tilespmem:s26], [sflag:$0x1] =	stream.strided.gather [spmem:s14], $0x280, s29, s28, $0x38;
	[tilespmem:$0xA200] =	vst v63  }
0x50: {  	_ =	swait.ge [sflag:s25], $0x280  }
0x51: {  	[sflag:s25] =	ssyncset.done $0x0  }
0x52: {  	s26 =	simm.s32 $0x8E00;
	[sflag:s25] =	ssyncadd.s32 $0xFFFFFD80  }
0x53: {  	[tilespmem:s26], [sflag:$0x1] =	stream.strided.gather [spmem:s15], $0x280, s29, s28, $0x38;
	[tilespmem:$0xA200] =	vst v63  }
0x54: {  	_ =	swait.ge [sflag:s25], $0x280  }
0x55: {  	[sflag:s25] =	ssyncset.done $0x0  }
0x56: {  	s26 =	simm.s32 $0x9080;
	[sflag:s25] =	ssyncadd.s32 $0xFFFFFD80  }
0x57: {  	[tilespmem:s26], [sflag:$0x1] =	stream.strided.gather [spmem:s16], $0x280, s29, s28, $0x38;
	[tilespmem:$0xA200] =	vst v63  }
0x58: {  	_ =	swait.ge [sflag:s25], $0x280  }
0x59: {  	[sflag:s25] =	ssyncset.done $0x0  }
0x5a: {  	s26 =	simm.s32 $0x9300;
	[sflag:s25] =	ssyncadd.s32 $0xFFFFFD80  }
0x5b: {  	[tilespmem:s26], [sflag:$0x1] =	stream.strided.gather [spmem:s17], $0x280, s29, s28, $0x38;
	[tilespmem:$0xA200] =	vst v63  }
0x5c: {  	_ =	swait.ge [sflag:s25], $0x280  }
0x5d: {  	[sflag:s25] =	ssyncset.done $0x0  }
0x5e: {  	s26 =	simm.s32 $0x9580;
	[sflag:s25] =	ssyncadd.s32 $0xFFFFFD80  }
0x5f: {  	[tilespmem:s26], [sflag:$0x1] =	stream.strided.gather [spmem:s18], $0x280, s29, s28, $0x38;
	[tilespmem:$0xA200] =	vst v63  }
0x60: {  	_ =	swait.ge [sflag:s25], $0x280  }
0x61: {  	[sflag:s25] =	ssyncset.done $0x0  }
0x62: {  	s26 =	simm.s32 $0x9800;
	[sflag:s25] =	ssyncadd.s32 $0xFFFFFD80  }
0x63: {  	[tilespmem:s26], [sflag:$0x1] =	stream.strided.gather [spmem:s19], $0x280, s29, s28, $0x38;
	[tilespmem:$0xA200] =	vst v63  }
0x64: {  	_ =	swait.ge [sflag:s25], $0x280  }
0x65: {  	[sflag:s25] =	ssyncset.done $0x0  }
0x66: {  	s26 =	simm.s32 $0x9A80;
	[sflag:s25] =	ssyncadd.s32 $0xFFFFFD80  }
0x67: {  	[tilespmem:s26], [sflag:$0x1] =	stream.strided.gather [spmem:s20], $0x280, s29, s28, $0x38;
	[tilespmem:$0xA200] =	vst v63  }
0x68: {  	_ =	swait.ge [sflag:s25], $0x280  }
0x69: {  	[sflag:s25] =	ssyncset.done $0x0  }
0x6a: {  	s26 =	simm.s32 $0x9D00;
	[sflag:s25] =	ssyncadd.s32 $0xFFFFFD80  }
0x6b: {  	[tilespmem:s26], [sflag:$0x1] =	stream.strided.gather [spmem:s21], $0x280, s29, s28, $0x38;
	[tilespmem:$0xA200] =	vst v63  }
0x6c: {  	_ =	swait.ge [sflag:s25], $0x280  }
0x6d: {  	s26 =	simm.s32 $0x0;
	[sflag:s25] =	ssyncset.done $0x0  }
0x6e: {  	s1 =	sand.u32 $0x3F0, s26;
	[sflag:s25] =	ssyncadd.s32 $0xFFFFFD80  }
0x6f: {  	v1 =	vld [tilespmem:s1+$0x7A00]  }
0x70: {  	v2 =	vld [tilespmem:s0+$0x0];
	_ =	sdelay $0x1  }
0x71: {  	v3 =	vld [tilespmem:s1+$0x7C80];
	_ =	sdelay $0x1  }
0x72: {  	v4 =	vld [tilespmem:s1+$0x7F00]  }
0x73: {  	v1 =	vadd.f32 v1, v2  }
0x74: {  	v2 =	vld [tilespmem:s1+$0x8180]  }
0x75: {  	v1 =	vadd.f32 v3, v1  }
0x76: {  	v3 =	vld [tilespmem:s1+$0x8400]  }
0x77: {  	v1 =	vadd.f32 v4, v1  }
0x78: {  	v60 =	vld [tilespmem:s1+$0x8680]  }
0x79: {  	v1 =	vadd.f32 v2, v1  }
0x7a: {  	v2 =	vld [tilespmem:s1+$0x8900]  }
0x7b: {  	v1 =	vadd.f32 v3, v1  }
0x7c: {  	v3 =	vld [tilespmem:s1+$0x8B80]  }
0x7d: {  	v1 =	vadd.f32 v60, v1  }
0x7e: {  	v61 =	vld [tilespmem:s1+$0x8E00]  }
0x7f: {  	v1 =	vadd.f32 v2, v1  }
0x80: {  	v2 =	vld [tilespmem:s1+$0x9080]  }
0x81: {  	v1 =	vadd.f32 v3, v1  }
0x82: {  	v3 =	vld [tilespmem:s1+$0x9300]  }
0x83: {  	v1 =	vadd.f32 v61, v1  }
0x84: {  	v62 =	vld [tilespmem:s1+$0x9580]  }
0x85: {  	v1 =	vadd.f32 v2, v1  }
0x86: {  	v2 =	vld [tilespmem:s1+$0x9800]  }
0x87: {  	v1 =	vadd.f32 v3, v1  }
0x88: {  	v3 =	vld [tilespmem:s1+$0x9A80]  }
0x89: {  	v1 =	vadd.f32 v62, v1  }
0x8a: {  	v63 =	vld [tilespmem:s1+$0x9D00]  }
0x8b: {  	v1 =	vadd.f32 v2, v1;
	_ =	sdelay $0x1  }
0x8c: {  	v1 =	vadd.f32 v3, v1;
	_ =	sdelay $0x1  }
0x8d: {  	v1 =	vadd.f32 v63, v1  }
0x8e: {  	s26 =	simm.s32 $0x10;
	s1 =	simm.s32 $0x9F80  }
0x8f: {  	s0 =	sand.u32 $0x3F0, s26;
	[tilespmem:s1+$0x0] =	vst v1  }
0x90: {  	s30 =	simm.s32 $0x20;
	s26 =	simm.s32 $0x7790;
	v1 =	vld [tilespmem:s0+$0x7A00]  }
.LBB2_4:
0x91: {  	p0 =	sne.s32 s30, $0x270;
	v2 =	vld [tilespmem:s26+$0x0];
	_ =	sdelay $0x1  }
0x92: {  	v3 =	vld [tilespmem:s0+$0x7C80];
	_ =	sdelay $0x1  }
0x93: {  	v4 =	vld [tilespmem:s0+$0x7F00]  }
0x94: {  	v1 =	vadd.f32 v1, v2  }
0x95: {  	v2 =	vld [tilespmem:s0+$0x8180]  }
0x96: {  	v1 =	vadd.f32 v3, v1  }
0x97: {  	v3 =	vld [tilespmem:s0+$0x8400]  }
0x98: {  	v1 =	vadd.f32 v4, v1  }
0x99: {  	v4 =	vld [tilespmem:s0+$0x8680]  }
0x9a: {  	v1 =	vadd.f32 v2, v1  }
0x9b: {  	v2 =	vld [tilespmem:s0+$0x8900]  }
0x9c: {  	v1 =	vadd.f32 v3, v1  }
0x9d: {  	v3 =	vld [tilespmem:s0+$0x8B80]  }
0x9e: {  	v1 =	vadd.f32 v4, v1  }
0x9f: {  	v4 =	vld [tilespmem:s0+$0x8E00]  }
0xa0: {  	v1 =	vadd.f32 v2, v1  }
0xa1: {  	v2 =	vld [tilespmem:s0+$0x9080]  }
0xa2: {  	v1 =	vadd.f32 v3, v1  }
0xa3: {  	v3 =	vld [tilespmem:s0+$0x9300]  }
0xa4: {  	v1 =	vadd.f32 v4, v1  }
0xa5: {  	v4 =	vld [tilespmem:s0+$0x9580]  }
0xa6: {  	v1 =	vadd.f32 v2, v1  }
0xa7: {  	v2 =	vld [tilespmem:s0+$0x9800]  }
0xa8: {  	v1 =	vadd.f32 v3, v1  }
0xa9: {  	v3 =	vld [tilespmem:s0+$0x9A80]  }
0xaa: {  	v1 =	vadd.f32 v4, v1  }
0xab: {  	v4 =	vld [tilespmem:s0+$0x9D00]  }
0xac: {  	v1 =	vadd.f32 v2, v1;
	_ =	sdelay $0x1  }
0xad: {  	v1 =	vadd.f32 v3, v1  }
.Ltmp1:
0xae: {  	(pc) =	sbr.rel @p0 .LBB2_4-.Ltmp1, $4  }
0xaf: {  	v1 =	vadd.f32 v4, v1  }
0xb0: {  	s1 =	sadd.s32 $0x10, s1  }
0xb1: {  	s0 =	sand.u32 $0x3F0, s30;
	[tilespmem:s1+$0x0] =	vst v1  }
0xb2: {  	s26 =	sadd.s32 $0x10, s26;
	s30 =	sadd.s32 $0x10, s30;
	v1 =	vld [tilespmem:s0+$0x7A00]  }
0xb3: {  	v2 =	vld [tilespmem:s26+$0x0];
	_ =	sdelay $0x1  }
0xb4: {  	v3 =	vld [tilespmem:s0+$0x7C80];
	_ =	sdelay $0x1  }
0xb5: {  	v4 =	vld [tilespmem:s0+$0x7F00]  }
0xb6: {  	v1 =	vadd.f32 v1, v2  }
0xb7: {  	v2 =	vld [tilespmem:s0+$0x8180]  }
0xb8: {  	v1 =	vadd.f32 v3, v1  }
0xb9: {  	v3 =	vld [tilespmem:s0+$0x8400]  }
0xba: {  	v1 =	vadd.f32 v4, v1  }
0xbb: {  	v60 =	vld [tilespmem:s0+$0x8680]  }
0xbc: {  	v1 =	vadd.f32 v2, v1  }
0xbd: {  	v2 =	vld [tilespmem:s0+$0x8900]  }
0xbe: {  	v1 =	vadd.f32 v3, v1  }
0xbf: {  	v3 =	vld [tilespmem:s0+$0x8B80]  }
0xc0: {  	v1 =	vadd.f32 v60, v1  }
0xc1: {  	v61 =	vld [tilespmem:s0+$0x8E00]  }
0xc2: {  	v1 =	vadd.f32 v2, v1  }
0xc3: {  	v2 =	vld [tilespmem:s0+$0x9080]  }
0xc4: {  	v1 =	vadd.f32 v3, v1  }
0xc5: {  	v3 =	vld [tilespmem:s0+$0x9300]  }
0xc6: {  	v1 =	vadd.f32 v61, v1  }
0xc7: {  	v62 =	vld [tilespmem:s0+$0x9580]  }
0xc8: {  	v1 =	vadd.f32 v2, v1  }
0xc9: {  	v2 =	vld [tilespmem:s0+$0x9800]  }
0xca: {  	v1 =	vadd.f32 v3, v1  }
0xcb: {  	v3 =	vld [tilespmem:s0+$0x9A80]  }
0xcc: {  	v1 =	vadd.f32 v62, v1  }
0xcd: {  	v63 =	vld [tilespmem:s0+$0x9D00]  }
0xce: {  	v1 =	vadd.f32 v2, v1;
	_ =	sdelay $0x1  }
0xcf: {  	v1 =	vadd.f32 v3, v1;
	_ =	sdelay $0x1  }
0xd0: {  	s31 =	sadd.s32 $0x1, s31;
	v1 =	vadd.f32 v63, v1  }
0xd1: {  	s26 =	sadd.s32 $0x10, s1;
	p0 =	sne.s32 s31, s23  }
.Ltmp2:
0xd2: {  	s30 =	simm.s32 $0x9F80;
	[tilespmem:s26+$0x0] =	vst v1;
	(pc) =	sbr.rel @p0 .LBB2_1-.Ltmp2, $4  }
0xd3: {  	[hbm4b:s22+s2] =	stream.linear.scatter [tilespmem:s30], [sflag:$0x1], $0x280, $0x38;
	[tilespmem:$0xA200] =	vst v63  }
0xd4: {  	_ =	swait.ge [sflag:s25], $0x280  }
0xd5: {  	[sflag:s25] =	ssyncset.done $0x0  }
0xd6: {  	[sflag:s25] =	ssyncadd.s32 $0xFFFFFD80  }
0xd7: {  	_ =	sfence.sel $0x180000  }
0xd8: {  	[bflag:$0x0] =	sbarrier.arrive $0xFFFF  }
0xd9: {  	_ =	strace $0x90000047  }
0xda: {  	s0 =	stileid.u32;
	[bflag:$0x2] =	sbarrier.arrive $0xFFFF  }
0xdb: {  	p0 =	sne.s32 s0, $0x0;
	s0 =	rddreg [dreg:$0x2]  }
0xdc: {  	s0 =	sadd.s32 @!p0 $0x100000, s0  }
0xdd: {  	[sflag:s0] =	ssyncadd.tile.s32 @!p0 $0x1;
	_ =	shalt  }
.Lfunc_end2:
_tile_overlayer_lowered:
.L_overlay_start_2:
0xde: {  	(tag) =	ssettag $0x2  }
0xdf: {  	s0 =	rddreg [dreg:$0x0];
	s2 =	stileid.u32  }
0xe0: {  	s1 =	rddreg [dreg:$0x1];
	p0 =	sne.s32 s2, $0x0  }
0xe1: {  	s3 =	rddreg [dreg:$0x2];
	[bflag:$0x3] =	sbarrier.arrive $0xFFFF;
	s2 =	simm.s32 @!p0 $0x1C01  }
0xe2: {  	[timem:s3], [sflag:s2] =	dma.local @!p0 [hbm:s0], s1  }
0xe3: {  	s0 =	simm.s32 @!p0 $0x1  }
0xe4: {  	_ =	swait.ge @!p0 [sflag:s0], s1  }
0xe5: {  	s1 =	ssub.s32 @!p0 $0x0, s1;
	[sflag:s0] =	ssyncset.done @!p0 $0x0  }
0xe6: {  	[sflag:s0] =	ssyncadd.s32 @!p0 s1  }
0xe7: {  	[bflag:$0x3] =	sbarrier.arrive $0xFFFF  }
0xe8: {  	_ =	shalt  }

// kernel: kernel.13.cloned.1.call-start
scs
__scs_entry_jumppad:
0x0: {  	(pc) =	sbr.rel $0x88, $3  }
0x1: {  	(tag) =	ssettag $0x0;
	lr =	simm.s32 $0x1  }
0x2: {  	[smem:$0x3F92] =	sst lr;
	_ =	strace $0xD0000000  }
0x3: {  	_ = 	snop  }
0x4: {  	_ = 	snop  }
0x5: {  	_ = 	snop  }
0x6: {  	_ = 	snop  }
0x7: {  	_ = 	snop  }
__scs_overlays_trampoline_lowered:
0x8: {  	[smem:$0x3FA1] =	sst s0  }
0x9: {  	[smem:$0x3FA2] =	sst s1  }
0xa: {  	[smem:$0x3FA3] =	sst s2  }
0xb: {  	[smem:$0x3FA4] =	sst s3  }
0xc: {  	[smem:$0x3FA5] =	sst s4  }
0xd: {  	[smem:$0x3FA6] =	sst s5  }
0xe: {  	[smem:$0x3FA7] =	sst s6  }
0xf: {  	[smem:$0x3FA8] =	sst s7  }
0x10: {  	[smem:$0x3FA9] =	sst s8  }
0x11: {  	[smem:$0x3FAA] =	sst s9;
	s0 =	simm.s32 @!p0 $0x0  }
0x12: {  	s1 =	sld [smem:$0x3F90];
	s0 =	simm.s32 @p0 $0x1  }
0x13: {  	[smem:$0x3FAB] =	sst s0;
	s0 =	simm.s32 @!p1 $0x0  }
0x14: {  	s2 =	sld [smem:$0x3F8F];
	s0 =	simm.s32 @p1 $0x1  }
0x15: {  	[smem:$0x3FAC] =	sst s0;
	s0 =	simm.s32 @!p2 $0x0  }
0x16: {  	s3 =	sld [smem:$0x3FDB];
	s0 =	simm.s32 @p2 $0x1  }
0x17: {  	s4 =	simm.s32 $0x1BF5;
	[smem:$0x3FAE] =	sst s0  }
0x18: {  	s0 =	sld [smem:$0x3F91];
	_ =	swait.ge [sflag:s4], $0x0  }
0x19: {  	s7 =	sld [smem:$0x3F92]  }
0x1a: {  	s8 =	sadd.s32 $0xFFFFE003, lr  }
0x1b: {  	s9 =	sadd.s32 $0xFFFFFEF7, lr;
	s5 =	simm.s32 $0xFFFFFFFF;
	p2 =	slt.u32 s8, $0xFFFFF086  }
0x1c: {  	p1 =	slt.u32 s9, $0xF7A;
	s5 =	simm.s32 @!p2 $0x0  }
0x1d: {  	s5 =	simm.s32 @p1 $0x1;
	p0 =	seq.s32 s7, s2  }
0x1e: {  	s7 =	smul.u32 @!p0 $0xF7A, s2;
	p2 =	seq.s32 @!p0 s5, $0x0  }
0x1f: {  	s9 =	smul.u32 $0xF7A, s1;
	s8 =	simm.s32 @!p0 $0x1BF5;
	p2 =	por !p2, p0  }
0x20: {  	[sflag:s8] =	ssyncset.s32 @!p0 $0xFFFFF086;
	s6 =	sadd.s32 @!p0 s3, s7;
	s7 =	simm.s32 @!p0 $0x108  }
0x21: {  	s3 =	sadd.s32 s3, s9;
	s6 =	sadd.s32 @!p0 $0x88, s6;
	s7 =	simm.s32 @p2 $0x1082  }
0x22: {  	[simem:s7], [sflag:s8] =	dma.local @!p0 [hbm:s6], $0xF7A  }
0x23: {  	s9 =	sor.u32 $0xD0000000, s2;
	s6 =	simm.s32 $0x108;
	_ =	swait.ge @!p0 [sflag:s8], $0x0  }
0x24: {  	s3 =	sadd.s32 $0x88, s3;
	s6 =	simm.s32 @!p1 $0x1082;
	[sflag:s4] =	ssyncset.s32 $0xFFFFF086  }
0x25: {  	[simem:s6], [sflag:s4] =	dma.local [hbm:s3], $0xF7A  }
0x26: {  	[smem:$0x3F92] =	sst s1;
	(tag) =	ssettag s2;
	_ =	strace s9  }
0x27: {  	s1 =	sld [smem:$0x3FA2]  }
0x28: {  	s2 =	sld [smem:$0x3FA3]  }
0x29: {  	s4 =	sld [smem:$0x3FA5]  }
0x2a: {  	p0 =	seq.s32 s5, $0x0;
	s5 =	sld [smem:$0x3FA6]  }
0x2b: {  	s6 =	sld [smem:$0x3FA7]  }
0x2c: {  	s7 =	sld [smem:$0x3FA8]  }
0x2d: {  	s3 =	simm.s32 $0x108;
	s8 =	sld [smem:$0x3FA9]  }
0x2e: {  	s3 =	simm.s32 @!p0 $0x1082;
	s9 =	sld [smem:$0x3FAA]  }
0x2f: {  	lr =	sadd.s32 s0, s3;
	s0 =	sld [smem:$0x3FA1]  }
0x30: {  	s3 =	sld [smem:$0x3FA4]  }
0x31: {  	[smem:$0x3FAD] =	sst s10  }
0x32: {  	s10 =	sld [smem:$0x3FAB];
	_ =	sdelay $0x3  }
0x33: {  	p0 =	seq.s32 s10, $0x1;
	s10 =	sld [smem:$0x3FAD];
	_ =	sdelay $0x3  }
0x34: {  	[smem:$0x3FAD] =	sst s10  }
0x35: {  	s10 =	sld [smem:$0x3FAC];
	_ =	sdelay $0x3  }
0x36: {  	p1 =	seq.s32 s10, $0x1;
	s10 =	sld [smem:$0x3FAD];
	_ =	sdelay $0x3  }
0x37: {  	[smem:$0x3FAD] =	sst s10  }
0x38: {  	s10 =	sld [smem:$0x3FAE]  }
0x39: {  	_ = 	snop;
	(pc) =	sbr.ind lr, $3  }
0x3a: {  	_ = 	snop  }
0x3b: {  	_ = 	snop  }
0x3c: {  	p2 =	seq.s32 s10, $0x1;
	s10 =	sld [smem:$0x3FAD]  }
0x3d: {  	_ =	shalt  }
0x3e: {  	_ =	shalt  }
0x3f: {  	_ =	shalt  }
0x40: {  	_ =	shalt  }
0x41: {  	_ =	shalt  }
0x42: {  	_ =	shalt  }
0x43: {  	_ =	shalt  }
0x44: {  	_ =	shalt  }
0x45: {  	_ =	shalt  }
0x46: {  	_ =	shalt  }
0x47: {  	_ =	shalt  }
0x48: {  	_ =	shalt  }
0x49: {  	_ =	shalt  }
0x4a: {  	_ =	shalt  }
0x4b: {  	_ =	shalt  }
0x4c: {  	_ =	shalt  }
0x4d: {  	_ =	shalt  }
0x4e: {  	_ =	shalt  }
0x4f: {  	_ =	shalt  }
0x50: {  	_ =	shalt  }
0x51: {  	_ =	shalt  }
0x52: {  	_ =	shalt  }
0x53: {  	_ =	shalt  }
0x54: {  	_ =	shalt  }
0x55: {  	_ =	shalt  }
0x56: {  	_ =	shalt  }
0x57: {  	_ =	shalt  }
0x58: {  	_ =	shalt  }
0x59: {  	_ =	shalt  }
0x5a: {  	_ =	shalt  }
0x5b: {  	_ =	shalt  }
0x5c: {  	_ =	shalt  }
0x5d: {  	_ =	shalt  }
0x5e: {  	_ =	shalt  }
0x5f: {  	_ =	shalt  }
0x60: {  	_ =	shalt  }
0x61: {  	_ =	shalt  }
0x62: {  	_ =	shalt  }
0x63: {  	_ =	shalt  }
0x64: {  	_ =	shalt  }
0x65: {  	_ =	shalt  }
0x66: {  	_ =	shalt  }
0x67: {  	_ =	shalt  }
0x68: {  	_ =	shalt  }
0x69: {  	_ =	shalt  }
0x6a: {  	_ =	shalt  }
0x6b: {  	_ =	shalt  }
0x6c: {  	_ =	shalt  }
0x6d: {  	_ =	shalt  }
0x6e: {  	_ =	shalt  }
0x6f: {  	_ =	shalt  }
0x70: {  	_ =	shalt  }
0x71: {  	_ =	shalt  }
0x72: {  	_ =	shalt  }
0x73: {  	_ =	shalt  }
0x74: {  	_ =	shalt  }
0x75: {  	_ =	shalt  }
0x76: {  	_ =	shalt  }
0x77: {  	_ =	shalt  }
0x78: {  	_ =	shalt  }
0x79: {  	_ =	shalt  }
0x7a: {  	_ =	shalt  }
0x7b: {  	_ =	shalt  }
0x7c: {  	_ =	shalt  }
0x7d: {  	_ =	shalt  }
0x7e: {  	_ =	shalt  }
0x7f: {  	_ =	shalt  }
0x80: {  	_ =	shalt  }
0x81: {  	_ =	shalt  }
0x82: {  	_ =	shalt  }
0x83: {  	_ =	shalt  }
0x84: {  	_ =	shalt  }
0x85: {  	_ =	shalt  }
0x86: {  	_ =	shalt  }
0x87: {  	_ =	shalt  }
.Lfunc_end0:
.L_simem_size_0:
called_computation.1_lowered:
.L_overlay_start_0:
0x88: {  	s2 =	sld [smem:$0x3FD9]  }
0x89: {  	s3 =	sld [smem:$0x3FFE];
	_ =	sdelay $0x1  }
0x8a: {  	s1 =	srdreg.scid  }
0x8b: {  	s0 =	sand.u32 $0x1, s1  }
0x8c: {  	s17 =	sshll.u32 s0, $0xA;
	s2 =	sadd.s32 s3, s2  }
0x8d: {  	s2 =	sadd.s32 s2, s17  }
0x8e: {  	[smem:$0x3FB9] =	sst s2  }
0x8f: {  	_ = 	snop  }
0x90: {  	(tm) =	ssettm $0x1  }
0x91: {  	s18 =	sld [smem:$0x3FFB];
	_ =	sdelay $0x3  }
0x92: {  	_ =	strace s18  }
0x93: {  	s2 =	sld [smem:$0x3FFC];
	_ =	sdelay $0x3  }
0x94: {  	_ =	strace s2  }
0x95: {  	s2 =	sld [smem:$0x3FFD];
	_ =	sdelay $0x3  }
0x96: {  	_ =	strace s2  }
0x97: {  	_ =	strace $0x8FFFFFFF  }
0x98: {  	s19 =	sld [smem:$0x3FDB];
	_ =	sdelay $0x1  }
0x99: {  	s20 =	simm.s32 $_scs_section_size  }
0x9a: {  	s4 =	simm.s32 $_size__tile_overlayer_lowered;
	s5 =	simm.s32 $_tile_overlayer_lowered  }
0x9b: {  	s6 =	simm.s32 $0x1BFF;
	s21 =	sshll.u32 s5, $0x1;
	s3 =	sadd.s32 s20, s19  }
0x9c: {  	s22 =	simm.s32 $0x0;
	s4 =	sshll.u32 s4, $0x1;
	s5 =	sadd.s32 s21, s3  }
0x9d: {  	[timem:s22], [sflag:s6] =	dma.local [hbm:s5], s4  }
0x9e: {  	_ =	swait.ge [sflag:s6], s4  }
0x9f: {  	s4 =	ssub.s32 $0x0, s4;
	[sflag:s6] =	ssyncset.done $0x0  }
0xa0: {  	[sflag:s6] =	ssyncadd.s32 s4;
	_ =	sdelay $0x1  }
0xa1: {  	s23 =	simm.s32 $0x1B8B  }
0xa2: {  	_ =	swait.ge [sflag:s23], $0x1  }
0xa3: {  	[sflag:s23] =	ssyncset.done $0x0  }
0xa4: {  	[sflag:s23] =	ssyncadd.s32 $0xFFFFFFFF  }
0xa5: {  	s4 =	sld [smem:$0x0]  }
0xa6: {  	s5 =	sand.u32 $0xFFFFFFFE, s1  }
0xa7: {  	p0 =	sne.s32 s1, s5  }
0xa8: {  	s5 =	sshll.u32 @p0 s5, $0xE  }
0xa9: {  	s5 =	sadd.s32 @p0 $0x11B8D, s5;
	s6 =	sshll.u32 @p0 s4, $0x11  }
0xaa: {  	s5 =	sor.u32 @p0 s6, s5  }
0xab: {  	[sflag:s5] =	ssyncadd.remote.s32 @p0 $0x1;
	_ =	sdelay $0x1  }
0xac: {  	s5 =	simm.s32 @p0 $0x1B8D  }
0xad: {  	_ =	swait.eq @p0 [sflag:s5], $0x1  }
0xae: {  	[sflag:s5] =	ssyncadd.s32 @p0 $0xFFFFFFFF  }
0xaf: {  	s6 =	sshll.u32 @!p0 s1, $0xE  }
0xb0: {  	s6 =	sor.u32 @!p0 $0x4000, s6;
	s5 =	simm.s32 @!p0 $0x1B8D  }
0xb1: {  	s4 =	sshll.u32 @!p0 s4, $0x11;
	s6 =	sadd.s32 @!p0 $0x11B8D, s6;
	_ =	swait.eq @!p0 [sflag:s5], $0x1  }
0xb2: {  	s4 =	sor.u32 @!p0 s4, s6;
	[sflag:s5] =	ssyncadd.s32 @!p0 $0xFFFFFFFF  }
0xb3: {  	s25 =	simm.s32 $0x1B8E;
	s24 =	sld [smem:$0x3FFE];
	[sflag:s4] =	ssyncadd.remote.s32 @!p0 $0x1  }
0xb4: {  	s26 =	simm.s32 $execute0_lowered;
	[smem:$0x3FD2] =	sst s25  }
0xb5: {  	s5 =	sshll.u32 s26, $0x1;
	_ =	strace $0x80000049;
	[dreg:$0x1] =	wrdreg $0xFFFFFFFF  }
0xb6: {  	s28 =	simm.s32 $_size_execute0_lowered;
	s3 =	sadd.s32 s3, s5;
	[dreg:$0x0] =	wrdreg $0x0  }
0xb7: {  	s5 =	sshll.u32 s28, $0x1;
	[dreg:$0x2] =	wrdreg s3  }
0xb8: {  	[dreg:$0x3] =	wrdreg s5  }
0xb9: {  	[dreg:$0x4] =	wrdreg $0xC0  }
0xba: {  	_ =	task [dreg:s22], $0x5FFFF  }
0xbb: {  	[dreg:$0x1] =	wrdreg $0xFFFFFFFF  }
0xbc: {  	[dreg:$0x0] =	wrdreg $0x60  }
0xbd: {  	[dreg:$0x2] =	wrdreg s24  }
0xbe: {  	[dreg:$0x3] =	wrdreg $0x0  }
0xbf: {  	[dreg:$0x4] =	wrdreg $0xA  }
0xc0: {  	_ =	task.clear_ibuf [dreg:s22], $0x5FFFF;
	_ =	strace $0x90000049  }
0xc1: {  	s29 =	simm.s32 $0xA;
	_ =	strace $0x8000004B  }
0xc2: {  	_ =	swait.ge [sflag:s29], $0x1  }
0xc3: {  	[sflag:s29] =	ssyncadd.s32 $0xFFFFFFFF  }
0xc4: {  	_ =	strace $0x9000004B  }
0xc5: {  	_ =	sfence  }
0xc6: {  	s30 =	sld [smem:$0x0];
	_ =	sdelay $0x2  }
0xc7: {  	s31 =	sshll.u32 s1, $0xD;
	s1 =	sshrl.u32 s1, $0x2  }
0xc8: {  	s4 =	sand.u32 $0x4000, s31;
	s1 =	sadd.s32 s1, s30  }
0xc9: {  	s0 =	sor.u32 s4, s0;
	s1 =	sshll.u32 s1, $0x11  }
0xca: {  	s0 =	sor.u32 s1, s0  }
0xcb: {  	s0 =	sadd.s32 $0x8F2B, s0  }
0xcc: {  	[sflag:s0] =	ssyncadd.remote.s32 $0x1  }
0xcd: {  	_ =	sfence.sel $0xFFFF  }
0xce: {  	[dreg:$0x0] =	wrdreg $0xFFFFFFFF;
	(pc) =	sbr.abs _section_cstart, $3  }
0xcf: {  	[dreg:$0x1] =	wrdreg $0xFFFFFFFF  }
0xd0: {  	_ =	task.clear_ibuf [dreg:s22], $0x2FFFF;
	_ =	strace $0x9FFFFFFF  }
0xd1: {  	(tm) =	ssettm $0x7FFFFFFF  }
tec
execute0_lowered:
.L_overlay_start_1:
0x0: {  	(tag) =	ssettag $0x1  }
0x1: {  	s6 =	rddreg [dreg:$0x0]  }
0x2: {  	s2 =	rddreg [dreg:$0x1]  }
0x3: {  	s0 =	rddreg [dreg:$0x2];
	s3 =	simm.s32 $0x0;
	s4 =	srdreg.scid  }
0x4: {  	s1 =	stileid.u32;
	s16 =	simm.s32 $0x15400;
	s17 =	simm.s32 $0x7D  }
0x5: {  	s18 =	simm.s32 $0x16800;
	s19 =	simm.s32 $0x1A800;
	s20 =	simm.s32 $0x1  }
0x6: {  	s21 =	simm.s32 $0x2;
	s22 =	simm.s32 $0x15380;
	s23 =	simm.s32 $0x16700  }
0x7: {  	s24 =	simm.s32 $0x16780;
	[smem:$0x7FF] =	sst s3;
	s7 =	sand.u32 $0x1, s4  }
0x8: {  	s8 =	smul.u32 $0x2800, s1;
	s4 =	sadd.s32 $0x22E00, s6;
	s10 =	sadd.s32 $0x18E00, s6  }
0x9: {  	s11 =	sadd.s32 $0xEE00, s6;
	s5 =	sadd.s32 $0x4A000, s6;
	s12 =	smul.u32 $0x50000, s1  }
0xa: {  	s9 =	smul.u32 $0x28000, s7;
	s25 =	sshll.u32 s7, $0x4;
	s7 =	ssub.s32 $0x2, s7  }
0xb: {  	s30 =	sshll.u32 s1, $0x6;
	_ =	strace $0x8000004A;
	s26 =	sshrl.u32 s7, $0x1  }
0xc: {  	s29 =	sshrl.u32 s12, $0x2;
	s8 =	sadd.s32 s8, s9;
	s9 =	sor.u32 s1, s25  }
0xd: {  	s14 =	ssub.s32 s7, s26;
	s15 =	sadd.s32 s29, s2;
	s28 =	smul.u32 $0x2800, s9  }
0xe: {  	s25 =	simm.s32 $0x0;
	s13 =	sadd.s32 s8, s6;
	s9 =	smul.u32 $0x500, s9  }
0xf: {  	s6 =	sor.u32 $0x1C03, s30;
	s12 =	smax.u32 s14, $0x1;
	s8 =	sshrl.u32 s28, $0x3  }
0x10: {  	s14 =	simm.s32 $0x3;
	s7 =	sadd.s32 s10, s9;
	s31 =	sadd.s32 $0x280, s8  }
0x11: {  	s8 =	sadd.s32 s11, s9;
	s9 =	sadd.s32 s10, s31;
	s10 =	sadd.s32 s11, s31  }
0x12: {  	s11 =	sadd.s32 $0x4C800, s13;
	s13 =	sshrl.u32 s15, $0x3;
	s15 =	simm.s32 $0x14000  }
.LBB2_1:
0x13: {  	[spmem:s13], [sflag:s6] =	dma.local [hbm:s5], $0x2800  }
0x14: {  	_ =	swait.ge [sflag:s14], $0x2800  }
0x15: {  	[sflag:s14] =	ssyncset.done $0x0  }
0x16: {  	[sflag:s14] =	ssyncadd.s32 $0xFFFFD800  }
0x17: {  	[bflag:$0x0] =	sbarrier.arrive $0xFFFF  }
0x18: {  	[tilespmem:s15], [sflag:$0x3] =	stream.linear.gather [hbm4b:s7+s3], $0x1400, $0x38;
	[tilespmem:$0x1E800] =	vst v63  }
0x19: {  	_ =	swait.ge [sflag:s14], $0x1400  }
0x1a: {  	[sflag:s14] =	ssyncset.done $0x0  }
0x1b: {  	[sflag:s14] =	ssyncadd.s32 $0xFFFFEC00  }
0x1c: {  	[tilespmem:s16], [sflag:$0x3] =	stream.linear.gather [hbm4b:s8+s3], $0x1400, $0x38;
	[tilespmem:$0x1E800] =	vst v63  }
0x1d: {  	_ =	swait.ge [sflag:s14], $0x1400  }
0x1e: {  	[sflag:s14] =	ssyncset.done $0x0  }
0x1f: {  	[sflag:s14] =	ssyncadd.s32 $0xFFFFEC00  }
0x20: {  	[tilespmem:s18], [sflag:$0x1] =	stream.indirect.gather [hbm4b:s4+s17], $0x80, s15, s17, $0xb8;
	[tilespmem:$0x1E800] =	vst v63  }
0x21: {  	s26 =	simm.s32 $0x14080  }
0x22: {  	[tilespmem:s19], [sflag:$0x2] =	stream.indirect.gather [hbm4b:s4+s17], $0x80, s26, s17, $0xb8;
	[tilespmem:$0x1E800] =	vst v63  }
0x23: {  	_ =	swait.ge [sflag:s20], $0x3E80  }
0x24: {  	[sflag:s20] =	ssyncset.done $0x0  }
0x25: {  	s29 =	simm.s32 $0x15400;
	[sflag:s20] =	ssyncadd.s32 $0xFFFFC180  }
0x26: {  	[spmem:s2] =	stream.indirect.scatter.add.f32 [tilespmem:s18], [sflag:$0x3], $0x80, s29, s17, $0xb8;
	[tilespmem:$0x1E800] =	vst v63  }
0x27: {  	_ =	swait.ge [sflag:s14], $0x3E80  }
0x28: {  	[sflag:s14] =	ssyncset.done $0x0  }
0x29: {  	s30 =	simm.s32 $0x14100;
	[sflag:s14] =	ssyncadd.s32 $0xFFFFC180  }
0x2a: {  	[tilespmem:s18], [sflag:$0x1] =	stream.indirect.gather [hbm4b:s4+s17], $0x80, s30, s17, $0xb8;
	[tilespmem:$0x1E800] =	vst v63  }
0x2b: {  	_ =	swait.ge [sflag:s21], $0x3E80  }
0x2c: {  	[sflag:s21] =	ssyncset.done $0x0  }
0x2d: {  	s31 =	simm.s32 $0x15480;
	[sflag:s21] =	ssyncadd.s32 $0xFFFFC180  }
0x2e: {  	[spmem:s2] =	stream.indirect.scatter.add.f32 [tilespmem:s19], [sflag:$0x3], $0x80, s31, s17, $0xb8;
	[tilespmem:$0x1E800] =	vst v63  }
0x2f: {  	_ =	swait.ge [sflag:s14], $0x3E80  }
0x30: {  	s28 =	simm.s32 $0x800;
	s26 =	simm.s32 $0x100;
	[sflag:s14] =	ssyncset.done $0x0  }
.LBB2_2:
0x31: {  	s29 =	sadd.s32 $0x14080, s26  }
0x32: {  	[sflag:s14] =	ssyncadd.s32 $0xFFFFC180;
	s30 =	smov.u32 s28;
	s31 =	sadd.s32 $0x400, s28  }
0x33: {  	[tilespmem:s19], [sflag:$0x2] =	stream.indirect.gather [hbm4b:s4+s17], $0x80, s29, s17, $0xb8;
	[tilespmem:$0x1E800] =	vst v63  }
0x34: {  	p0 =	sne.s32 s28, $0x4800;
	_ =	swait.ge [sflag:s20], $0x3E80  }
0x35: {  	[sflag:s20] =	ssyncset.done $0x0  }
0x36: {  	s28 =	sadd.s32 $0x15400, s26;
	[sflag:s20] =	ssyncadd.s32 $0xFFFFC180  }
0x37: {  	[spmem:s2] =	stream.indirect.scatter.add.f32 [tilespmem:s18], [sflag:$0x3], $0x80, s28, s17, $0xb8;
	[tilespmem:$0x1E800] =	vst v63  }
0x38: {  	_ =	swait.ge [sflag:s14], $0x3E80  }
0x39: {  	[sflag:s14] =	ssyncset.done $0x0  }
0x3a: {  	s28 =	sadd.s32 $0x14100, s26;
	[sflag:s14] =	ssyncadd.s32 $0xFFFFC180  }
0x3b: {  	[tilespmem:s18], [sflag:$0x1] =	stream.indirect.gather [hbm4b:s4+s17], $0x80, s28, s17, $0xb8;
	[tilespmem:$0x1E800] =	vst v63  }
0x3c: {  	_ =	swait.ge [sflag:s21], $0x3E80  }
.Ltmp0:
0x3d: {  	[sflag:s21] =	ssyncset.done $0x0;
	(pc) =	sbr.rel @p0 .LBB2_2-.Ltmp0, $4  }
0x3e: {  	s26 =	sadd.s32 $0x15480, s26;
	[sflag:s21] =	ssyncadd.s32 $0xFFFFC180  }
0x3f: {  	[spmem:s2] =	stream.indirect.scatter.add.f32 [tilespmem:s19], [sflag:$0x3], $0x80, s26, s17, $0xb8;
	[tilespmem:$0x1E800] =	vst v63  }
0x40: {  	_ =	swait.ge [sflag:s14], $0x3E80  }
0x41: {  	s28 =	smov.u32 s31;
	s26 =	sshra.s32 s30, $0x2;
	[sflag:s14] =	ssyncset.done $0x0  }
0x42: {  	s28 =	sadd.s32 $0x14080, s26;
	[sflag:s14] =	ssyncadd.s32 $0xFFFFC180  }
0x43: {  	[tilespmem:s19], [sflag:$0x2] =	stream.indirect.gather [hbm4b:s4+s17], $0x80, s28, s17, $0xb8;
	[tilespmem:$0x1E800] =	vst v63  }
0x44: {  	_ =	swait.ge [sflag:s20], $0x3E80  }
0x45: {  	[sflag:s20] =	ssyncset.done $0x0  }
0x46: {  	s28 =	sadd.s32 $0x15400, s26;
	[sflag:s20] =	ssyncadd.s32 $0xFFFFC180  }
0x47: {  	[spmem:s2] =	stream.indirect.scatter.add.f32 [tilespmem:s18], [sflag:$0x3], $0x80, s28, s17, $0xb8;
	[tilespmem:$0x1E800] =	vst v63  }
0x48: {  	_ =	swait.ge [sflag:s14], $0x3E80  }
0x49: {  	[sflag:s14] =	ssyncset.done $0x0  }
0x4a: {  	s28 =	sadd.s32 $0x14100, s26;
	[sflag:s14] =	ssyncadd.s32 $0xFFFFC180  }
0x4b: {  	[tilespmem:s18], [sflag:$0x1] =	stream.indirect.gather [hbm4b:s4+s17], $0x80, s28, s17, $0xb8;
	[tilespmem:$0x1E800] =	vst v63  }
0x4c: {  	_ =	swait.ge [sflag:s21], $0x3E80  }
0x4d: {  	[sflag:s21] =	ssyncset.done $0x0  }
0x4e: {  	s29 =	sadd.s32 $0x15480, s26;
	[sflag:s21] =	ssyncadd.s32 $0xFFFFC180  }
0x4f: {  	[spmem:s2] =	stream.indirect.scatter.add.f32 [tilespmem:s19], [sflag:$0x3], $0x80, s29, s17, $0xb8;
	[tilespmem:$0x1E800] =	vst v63  }
0x50: {  	_ =	swait.ge [sflag:s14], $0x3E80  }
0x51: {  	[sflag:s14] =	ssyncset.done $0x0  }
0x52: {  	[sflag:s14] =	ssyncadd.s32 $0xFFFFC180  }
0x53: {  	[tilespmem:s19], [sflag:$0x2] =	stream.indirect.gather [hbm4b:s4+s17], $0x80, s22, s17, $0xb8;
	[tilespmem:$0x1E800] =	vst v63  }
0x54: {  	_ =	swait.ge [sflag:s20], $0x3E80  }
0x55: {  	[sflag:s20] =	ssyncset.done $0x0  }
0x56: {  	[sflag:s20] =	ssyncadd.s32 $0xFFFFC180  }
0x57: {  	[spmem:s2] =	stream.indirect.scatter.add.f32 [tilespmem:s18], [sflag:$0x3], $0x80, s23, s17, $0xb8;
	[tilespmem:$0x1E800] =	vst v63  }
0x58: {  	_ =	swait.ge [sflag:s14], $0x3E80  }
0x59: {  	[sflag:s14] =	ssyncset.done $0x0  }
0x5a: {  	[sflag:s14] =	ssyncadd.s32 $0xFFFFC180  }
0x5b: {  	[tilespmem:s18], [sflag:$0x1] =	stream.indirect.gather [hbm4b:s4+s17], $0x80, s15, s17, $0xb8;
	[tilespmem:$0x1E800] =	vst v63  }
0x5c: {  	_ =	swait.ge [sflag:s21], $0x3E80  }
0x5d: {  	[sflag:s21] =	ssyncset.done $0x0  }
0x5e: {  	[sflag:s21] =	ssyncadd.s32 $0xFFFFC180  }
0x5f: {  	[spmem:s2] =	stream.indirect.scatter.add.f32 [tilespmem:s19], [sflag:$0x3], $0x80, s24, s17, $0xb8;
	[tilespmem:$0x1E800] =	vst v63  }
0x60: {  	_ =	swait.ge [sflag:s14], $0x3E80  }
0x61: {  	[sflag:s14] =	ssyncset.done $0x0  }
0x62: {  	[sflag:s14] =	ssyncadd.s32 $0xFFFFC180  }
0x63: {  	_ =	swait.ge [sflag:s20], $0x3E80  }
0x64: {  	[sflag:s20] =	ssyncset.done $0x0  }
0x65: {  	s30 =	simm.s32 $0x0;
	[sflag:s20] =	ssyncadd.s32 $0xFFFFC180  }
0x66: {  	[tilespmem:s15], [sflag:$0x3] =	stream.linear.gather [hbm4b:s9+s30], $0x1400, $0x38;
	[tilespmem:$0x1E800] =	vst v63  }
0x67: {  	_ =	swait.ge [sflag:s14], $0x1400  }
0x68: {  	[sflag:s14] =	ssyncset.done $0x0  }
0x69: {  	[sflag:s14] =	ssyncadd.s32 $0xFFFFEC00  }
0x6a: {  	[tilespmem:s16], [sflag:$0x3] =	stream.linear.gather [hbm4b:s10+s30], $0x1400, $0x38;
	[tilespmem:$0x1E800] =	vst v63  }
0x6b: {  	_ =	swait.ge [sflag:s14], $0x1400  }
0x6c: {  	[sflag:s14] =	ssyncset.done $0x0  }
0x6d: {  	[sflag:s14] =	ssyncadd.s32 $0xFFFFEC00  }
0x6e: {  	[tilespmem:s18], [sflag:$0x1] =	stream.indirect.gather [hbm4b:s4+s17], $0x80, s15, s17, $0xb8;
	[tilespmem:$0x1E800] =	vst v63  }
0x6f: {  	s31 =	simm.s32 $0x14080  }
0x70: {  	[tilespmem:s19], [sflag:$0x2] =	stream.indirect.gather [hbm4b:s4+s17], $0x80, s31, s17, $0xb8;
	[tilespmem:$0x1E800] =	vst v63  }
0x71: {  	_ =	swait.ge [sflag:s20], $0x3E80  }
0x72: {  	[sflag:s20] =	ssyncset.done $0x0  }
0x73: {  	s29 =	simm.s32 $0x15400;
	[sflag:s20] =	ssyncadd.s32 $0xFFFFC180  }
0x74: {  	[spmem:s2] =	stream.indirect.scatter.add.f32 [tilespmem:s18], [sflag:$0x3], $0x80, s29, s17, $0xb8;
	[tilespmem:$0x1E800] =	vst v63  }
0x75: {  	_ =	swait.ge [sflag:s14], $0x3E80  }
0x76: {  	[sflag:s14] =	ssyncset.done $0x0  }
0x77: {  	s30 =	simm.s32 $0x14100;
	[sflag:s14] =	ssyncadd.s32 $0xFFFFC180  }
0x78: {  	[tilespmem:s18], [sflag:$0x1] =	stream.indirect.gather [hbm4b:s4+s17], $0x80, s30, s17, $0xb8;
	[tilespmem:$0x1E800] =	vst v63  }
0x79: {  	_ =	swait.ge [sflag:s21], $0x3E80  }
0x7a: {  	[sflag:s21] =	ssyncset.done $0x0  }
0x7b: {  	s31 =	simm.s32 $0x15480;
	[sflag:s21] =	ssyncadd.s32 $0xFFFFC180  }
0x7c: {  	[spmem:s2] =	stream.indirect.scatter.add.f32 [tilespmem:s19], [sflag:$0x3], $0x80, s31, s17, $0xb8;
	[tilespmem:$0x1E800] =	vst v63  }
0x7d: {  	_ =	swait.ge [sflag:s14], $0x3E80  }
0x7e: {  	s26 =	simm.s32 $0x100;
	s28 =	simm.s32 $0x800;
	[sflag:s14] =	ssyncset.done $0x0  }
.LBB2_4:
0x7f: {  	s29 =	sadd.s32 $0x14080, s26  }
0x80: {  	[sflag:s14] =	ssyncadd.s32 $0xFFFFC180;
	s30 =	smov.u32 s28;
	s31 =	sadd.s32 $0x400, s28  }
0x81: {  	[tilespmem:s19], [sflag:$0x2] =	stream.indirect.gather [hbm4b:s4+s17], $0x80, s29, s17, $0xb8;
	[tilespmem:$0x1E800] =	vst v63  }
0x82: {  	p0 =	sne.s32 s28, $0x4800;
	_ =	swait.ge [sflag:s20], $0x3E80  }
0x83: {  	[sflag:s20] =	ssyncset.done $0x0  }
0x84: {  	s28 =	sadd.s32 $0x15400, s26;
	[sflag:s20] =	ssyncadd.s32 $0xFFFFC180  }
0x85: {  	[spmem:s2] =	stream.indirect.scatter.add.f32 [tilespmem:s18], [sflag:$0x3], $0x80, s28, s17, $0xb8;
	[tilespmem:$0x1E800] =	vst v63  }
0x86: {  	_ =	swait.ge [sflag:s14], $0x3E80  }
0x87: {  	[sflag:s14] =	ssyncset.done $0x0  }
0x88: {  	s28 =	sadd.s32 $0x14100, s26;
	[sflag:s14] =	ssyncadd.s32 $0xFFFFC180  }
0x89: {  	[tilespmem:s18], [sflag:$0x1] =	stream.indirect.gather [hbm4b:s4+s17], $0x80, s28, s17, $0xb8;
	[tilespmem:$0x1E800] =	vst v63  }
0x8a: {  	_ =	swait.ge [sflag:s21], $0x3E80  }
.Ltmp1:
0x8b: {  	[sflag:s21] =	ssyncset.done $0x0;
	(pc) =	sbr.rel @p0 .LBB2_4-.Ltmp1, $4  }
0x8c: {  	s26 =	sadd.s32 $0x15480, s26;
	[sflag:s21] =	ssyncadd.s32 $0xFFFFC180  }
0x8d: {  	[spmem:s2] =	stream.indirect.scatter.add.f32 [tilespmem:s19], [sflag:$0x3], $0x80, s26, s17, $0xb8;
	[tilespmem:$0x1E800] =	vst v63  }
0x8e: {  	_ =	swait.ge [sflag:s14], $0x3E80  }
0x8f: {  	s28 =	smov.u32 s31;
	s26 =	sshra.s32 s30, $0x2;
	[sflag:s14] =	ssyncset.done $0x0  }
0x90: {  	s28 =	sadd.s32 $0x14080, s26;
	[sflag:s14] =	ssyncadd.s32 $0xFFFFC180  }
0x91: {  	[tilespmem:s19], [sflag:$0x2] =	stream.indirect.gather [hbm4b:s4+s17], $0x80, s28, s17, $0xb8;
	[tilespmem:$0x1E800] =	vst v63  }
0x92: {  	_ =	swait.ge [sflag:s20], $0x3E80  }
0x93: {  	[sflag:s20] =	ssyncset.done $0x0  }
0x94: {  	s29 =	sadd.s32 $0x15400, s26;
	[sflag:s20] =	ssyncadd.s32 $0xFFFFC180  }
0x95: {  	[spmem:s2] =	stream.indirect.scatter.add.f32 [tilespmem:s18], [sflag:$0x3], $0x80, s29, s17, $0xb8;
	[tilespmem:$0x1E800] =	vst v63  }
0x96: {  	_ =	swait.ge [sflag:s14], $0x3E80  }
0x97: {  	[sflag:s14] =	ssyncset.done $0x0  }
0x98: {  	s30 =	sadd.s32 $0x14100, s26;
	[sflag:s14] =	ssyncadd.s32 $0xFFFFC180  }
0x99: {  	[tilespmem:s18], [sflag:$0x1] =	stream.indirect.gather [hbm4b:s4+s17], $0x80, s30, s17, $0xb8;
	[tilespmem:$0x1E800] =	vst v63  }
0x9a: {  	_ =	swait.ge [sflag:s21], $0x3E80  }
0x9b: {  	[sflag:s21] =	ssyncset.done $0x0  }
0x9c: {  	s31 =	sadd.s32 $0x15480, s26;
	[sflag:s21] =	ssyncadd.s32 $0xFFFFC180  }
0x9d: {  	[spmem:s2] =	stream.indirect.scatter.add.f32 [tilespmem:s19], [sflag:$0x3], $0x80, s31, s17, $0xb8;
	[tilespmem:$0x1E800] =	vst v63  }
0x9e: {  	_ =	swait.ge [sflag:s14], $0x3E80  }
0x9f: {  	[sflag:s14] =	ssyncset.done $0x0  }
0xa0: {  	[sflag:s14] =	ssyncadd.s32 $0xFFFFC180  }
0xa1: {  	[tilespmem:s19], [sflag:$0x2] =	stream.indirect.gather [hbm4b:s4+s17], $0x80, s22, s17, $0xb8;
	[tilespmem:$0x1E800] =	vst v63  }
0xa2: {  	_ =	swait.ge [sflag:s20], $0x3E80  }
0xa3: {  	[sflag:s20] =	ssyncset.done $0x0  }
0xa4: {  	[sflag:s20] =	ssyncadd.s32 $0xFFFFC180  }
0xa5: {  	[spmem:s2] =	stream.indirect.scatter.add.f32 [tilespmem:s18], [sflag:$0x3], $0x80, s23, s17, $0xb8;
	[tilespmem:$0x1E800] =	vst v63  }
0xa6: {  	_ =	swait.ge [sflag:s14], $0x3E80  }
0xa7: {  	[sflag:s14] =	ssyncset.done $0x0  }
0xa8: {  	[sflag:s14] =	ssyncadd.s32 $0xFFFFC180  }
0xa9: {  	[tilespmem:s18], [sflag:$0x1] =	stream.indirect.gather [hbm4b:s4+s17], $0x80, s15, s17, $0xb8;
	[tilespmem:$0x1E800] =	vst v63  }
0xaa: {  	_ =	swait.ge [sflag:s21], $0x3E80  }
0xab: {  	[sflag:s21] =	ssyncset.done $0x0  }
0xac: {  	[sflag:s21] =	ssyncadd.s32 $0xFFFFC180  }
0xad: {  	[spmem:s2] =	stream.indirect.scatter.add.f32 [tilespmem:s19], [sflag:$0x3], $0x80, s24, s17, $0xb8;
	[tilespmem:$0x1E800] =	vst v63  }
0xae: {  	_ =	swait.ge [sflag:s14], $0x3E80  }
0xaf: {  	[sflag:s14] =	ssyncset.done $0x0  }
0xb0: {  	[sflag:s14] =	ssyncadd.s32 $0xFFFFC180  }
0xb1: {  	_ =	swait.ge [sflag:s20], $0x3E80  }
0xb2: {  	s25 =	sadd.s32 $0x1, s25;
	[sflag:s20] =	ssyncset.done $0x0  }
0xb3: {  	p0 =	sne.s32 s25, s12;
	[sflag:s20] =	ssyncadd.s32 $0xFFFFC180  }
.Ltmp2:
0xb4: {  	[bflag:$0x0] =	sbarrier.arrive $0xFFFF;
	(pc) =	sbr.rel @p0 .LBB2_1-.Ltmp2, $4  }
0xb5: {  	[hbm:s11], [sflag:s6] =	dma.local [spmem:s13], $0x2800  }
0xb6: {  	_ =	swait.ge [sflag:s14], $0x2800  }
0xb7: {  	[sflag:s14] =	ssyncset.done $0x0  }
0xb8: {  	[sflag:s14] =	ssyncadd.s32 $0xFFFFD800  }
0xb9: {  	_ =	sfence.sel $0x180000  }
0xba: {  	[bflag:$0x0] =	sbarrier.arrive $0xFFFF  }
0xbb: {  	p0 =	sne.s32 s1, $0x0;
	_ =	strace $0x9000004A  }
0xbc: {  	s0 =	sadd.s32 @!p0 $0x100000, s0;
	[bflag:$0x2] =	sbarrier.arrive $0xFFFF  }
0xbd: {  	[sflag:s0] =	ssyncadd.tile.s32 @!p0 $0x1;
	_ =	shalt  }
.Lfunc_end2:
_tile_overlayer_lowered:
.L_overlay_start_2:
0xbe: {  	(tag) =	ssettag $0x2  }
0xbf: {  	s0 =	rddreg [dreg:$0x0];
	s2 =	stileid.u32  }
0xc0: {  	s1 =	rddreg [dreg:$0x1];
	p0 =	sne.s32 s2, $0x0  }
0xc1: {  	s3 =	rddreg [dreg:$0x2];
	[bflag:$0x3] =	sbarrier.arrive $0xFFFF;
	s2 =	simm.s32 @!p0 $0x1C03  }
0xc2: {  	[timem:s3], [sflag:s2] =	dma.local @!p0 [hbm:s0], s1  }
0xc3: {  	s0 =	simm.s32 @!p0 $0x3  }
0xc4: {  	_ =	swait.ge @!p0 [sflag:s0], s1  }
0xc5: {  	s1 =	ssub.s32 @!p0 $0x0, s1;
	[sflag:s0] =	ssyncset.done @!p0 $0x0  }
0xc6: {  	[sflag:s0] =	ssyncadd.s32 @!p0 s1  }
0xc7: {  	[bflag:$0x3] =	sbarrier.arrive $0xFFFF  }
0xc8: {  	_ =	shalt  }

// kernel: kernel.16.cloned.1.call-start
scs
__scs_entry_jumppad:
0x0: {  	(pc) =	sbr.rel $0x88, $3  }
0x1: {  	(tag) =	ssettag $0x0;
	lr =	simm.s32 $0x1  }
0x2: {  	[smem:$0x3F92] =	sst lr;
	_ =	strace $0xD0000000  }
0x3: {  	_ = 	snop  }
0x4: {  	_ = 	snop  }
0x5: {  	_ = 	snop  }
0x6: {  	_ = 	snop  }
0x7: {  	_ = 	snop  }
__scs_overlays_trampoline_lowered:
0x8: {  	[smem:$0x3FA1] =	sst s0  }
0x9: {  	[smem:$0x3FA2] =	sst s1  }
0xa: {  	[smem:$0x3FA3] =	sst s2  }
0xb: {  	[smem:$0x3FA4] =	sst s3  }
0xc: {  	[smem:$0x3FA5] =	sst s4  }
0xd: {  	[smem:$0x3FA6] =	sst s5  }
0xe: {  	[smem:$0x3FA7] =	sst s6  }
0xf: {  	[smem:$0x3FA8] =	sst s7  }
0x10: {  	[smem:$0x3FA9] =	sst s8  }
0x11: {  	[smem:$0x3FAA] =	sst s9;
	s0 =	simm.s32 @!p0 $0x0  }
0x12: {  	s1 =	sld [smem:$0x3F90];
	s0 =	simm.s32 @p0 $0x1  }
0x13: {  	[smem:$0x3FAB] =	sst s0;
	s0 =	simm.s32 @!p1 $0x0  }
0x14: {  	s2 =	sld [smem:$0x3F8F];
	s0 =	simm.s32 @p1 $0x1  }
0x15: {  	[smem:$0x3FAC] =	sst s0;
	s0 =	simm.s32 @!p2 $0x0  }
0x16: {  	s3 =	sld [smem:$0x3FDB];
	s0 =	simm.s32 @p2 $0x1  }
0x17: {  	s4 =	simm.s32 $0x1BF5;
	[smem:$0x3FAE] =	sst s0  }
0x18: {  	s0 =	sld [smem:$0x3F91];
	_ =	swait.ge [sflag:s4], $0x0  }
0x19: {  	s7 =	sld [smem:$0x3F92]  }
0x1a: {  	s8 =	sadd.s32 $0xFFFFE003, lr  }
0x1b: {  	s9 =	sadd.s32 $0xFFFFFEF7, lr;
	s5 =	simm.s32 $0xFFFFFFFF;
	p2 =	slt.u32 s8, $0xFFFFF086  }
0x1c: {  	p1 =	slt.u32 s9, $0xF7A;
	s5 =	simm.s32 @!p2 $0x0  }
0x1d: {  	s5 =	simm.s32 @p1 $0x1;
	p0 =	seq.s32 s7, s2  }
0x1e: {  	s7 =	smul.u32 @!p0 $0xF7A, s2;
	p2 =	seq.s32 @!p0 s5, $0x0  }
0x1f: {  	s9 =	smul.u32 $0xF7A, s1;
	s8 =	simm.s32 @!p0 $0x1BF5;
	p2 =	por !p2, p0  }
0x20: {  	[sflag:s8] =	ssyncset.s32 @!p0 $0xFFFFF086;
	s6 =	sadd.s32 @!p0 s3, s7;
	s7 =	simm.s32 @!p0 $0x108  }
0x21: {  	s3 =	sadd.s32 s3, s9;
	s6 =	sadd.s32 @!p0 $0x88, s6;
	s7 =	simm.s32 @p2 $0x1082  }
0x22: {  	[simem:s7], [sflag:s8] =	dma.local @!p0 [hbm:s6], $0xF7A  }
0x23: {  	s9 =	sor.u32 $0xD0000000, s2;
	s6 =	simm.s32 $0x108;
	_ =	swait.ge @!p0 [sflag:s8], $0x0  }
0x24: {  	s3 =	sadd.s32 $0x88, s3;
	s6 =	simm.s32 @!p1 $0x1082;
	[sflag:s4] =	ssyncset.s32 $0xFFFFF086  }
0x25: {  	[simem:s6], [sflag:s4] =	dma.local [hbm:s3], $0xF7A  }
0x26: {  	[smem:$0x3F92] =	sst s1;
	(tag) =	ssettag s2;
	_ =	strace s9  }
0x27: {  	s1 =	sld [smem:$0x3FA2]  }
0x28: {  	s2 =	sld [smem:$0x3FA3]  }
0x29: {  	s4 =	sld [smem:$0x3FA5]  }
0x2a: {  	p0 =	seq.s32 s5, $0x0;
	s5 =	sld [smem:$0x3FA6]  }
0x2b: {  	s6 =	sld [smem:$0x3FA7]  }
0x2c: {  	s7 =	sld [smem:$0x3FA8]  }
0x2d: {  	s3 =	simm.s32 $0x108;
	s8 =	sld [smem:$0x3FA9]  }
0x2e: {  	s3 =	simm.s32 @!p0 $0x1082;
	s9 =	sld [smem:$0x3FAA]  }
0x2f: {  	lr =	sadd.s32 s0, s3;
	s0 =	sld [smem:$0x3FA1]  }
0x30: {  	s3 =	sld [smem:$0x3FA4]  }
0x31: {  	[smem:$0x3FAD] =	sst s10  }
0x32: {  	s10 =	sld [smem:$0x3FAB];
	_ =	sdelay $0x3  }
0x33: {  	p0 =	seq.s32 s10, $0x1;
	s10 =	sld [smem:$0x3FAD];
	_ =	sdelay $0x3  }
0x34: {  	[smem:$0x3FAD] =	sst s10  }
0x35: {  	s10 =	sld [smem:$0x3FAC];
	_ =	sdelay $0x3  }
0x36: {  	p1 =	seq.s32 s10, $0x1;
	s10 =	sld [smem:$0x3FAD];
	_ =	sdelay $0x3  }
0x37: {  	[smem:$0x3FAD] =	sst s10  }
0x38: {  	s10 =	sld [smem:$0x3FAE]  }
0x39: {  	_ = 	snop;
	(pc) =	sbr.ind lr, $3  }
0x3a: {  	_ = 	snop  }
0x3b: {  	_ = 	snop  }
0x3c: {  	p2 =	seq.s32 s10, $0x1;
	s10 =	sld [smem:$0x3FAD]  }
0x3d: {  	_ =	shalt  }
0x3e: {  	_ =	shalt  }
0x3f: {  	_ =	shalt  }
0x40: {  	_ =	shalt  }
0x41: {  	_ =	shalt  }
0x42: {  	_ =	shalt  }
0x43: {  	_ =	shalt  }
0x44: {  	_ =	shalt  }
0x45: {  	_ =	shalt  }
0x46: {  	_ =	shalt  }
0x47: {  	_ =	shalt  }
0x48: {  	_ =	shalt  }
0x49: {  	_ =	shalt  }
0x4a: {  	_ =	shalt  }
0x4b: {  	_ =	shalt  }
0x4c: {  	_ =	shalt  }
0x4d: {  	_ =	shalt  }
0x4e: {  	_ =	shalt  }
0x4f: {  	_ =	shalt  }
0x50: {  	_ =	shalt  }
0x51: {  	_ =	shalt  }
0x52: {  	_ =	shalt  }
0x53: {  	_ =	shalt  }
0x54: {  	_ =	shalt  }
0x55: {  	_ =	shalt  }
0x56: {  	_ =	shalt  }
0x57: {  	_ =	shalt  }
0x58: {  	_ =	shalt  }
0x59: {  	_ =	shalt  }
0x5a: {  	_ =	shalt  }
0x5b: {  	_ =	shalt  }
0x5c: {  	_ =	shalt  }
0x5d: {  	_ =	shalt  }
0x5e: {  	_ =	shalt  }
0x5f: {  	_ =	shalt  }
0x60: {  	_ =	shalt  }
0x61: {  	_ =	shalt  }
0x62: {  	_ =	shalt  }
0x63: {  	_ =	shalt  }
0x64: {  	_ =	shalt  }
0x65: {  	_ =	shalt  }
0x66: {  	_ =	shalt  }
0x67: {  	_ =	shalt  }
0x68: {  	_ =	shalt  }
0x69: {  	_ =	shalt  }
0x6a: {  	_ =	shalt  }
0x6b: {  	_ =	shalt  }
0x6c: {  	_ =	shalt  }
0x6d: {  	_ =	shalt  }
0x6e: {  	_ =	shalt  }
0x6f: {  	_ =	shalt  }
0x70: {  	_ =	shalt  }
0x71: {  	_ =	shalt  }
0x72: {  	_ =	shalt  }
0x73: {  	_ =	shalt  }
0x74: {  	_ =	shalt  }
0x75: {  	_ =	shalt  }
0x76: {  	_ =	shalt  }
0x77: {  	_ =	shalt  }
0x78: {  	_ =	shalt  }
0x79: {  	_ =	shalt  }
0x7a: {  	_ =	shalt  }
0x7b: {  	_ =	shalt  }
0x7c: {  	_ =	shalt  }
0x7d: {  	_ =	shalt  }
0x7e: {  	_ =	shalt  }
0x7f: {  	_ =	shalt  }
0x80: {  	_ =	shalt  }
0x81: {  	_ =	shalt  }
0x82: {  	_ =	shalt  }
0x83: {  	_ =	shalt  }
0x84: {  	_ =	shalt  }
0x85: {  	_ =	shalt  }
0x86: {  	_ =	shalt  }
0x87: {  	_ =	shalt  }
.Lfunc_end0:
.L_simem_size_0:
called_computation.2_lowered:
.L_overlay_start_0:
0x88: {  	s2 =	sld [smem:$0x3FD9]  }
0x89: {  	s3 =	sld [smem:$0x3FFE];
	_ =	sdelay $0x1  }
0x8a: {  	s1 =	srdreg.scid  }
0x8b: {  	s0 =	sand.u32 $0x1, s1  }
0x8c: {  	s16 =	sshll.u32 s0, $0xA;
	s2 =	sadd.s32 s3, s2  }
0x8d: {  	s2 =	sadd.s32 s2, s16  }
0x8e: {  	[smem:$0x3FB9] =	sst s2  }
0x8f: {  	_ = 	snop  }
0x90: {  	(tm) =	ssettm $0x1  }
0x91: {  	s17 =	sld [smem:$0x3FFB];
	_ =	sdelay $0x3  }
0x92: {  	_ =	strace s17  }
0x93: {  	s2 =	sld [smem:$0x3FFC];
	_ =	sdelay $0x3  }
0x94: {  	_ =	strace s2  }
0x95: {  	s2 =	sld [smem:$0x3FFD];
	_ =	sdelay $0x3  }
0x96: {  	_ =	strace s2  }
0x97: {  	_ =	strace $0x8FFFFFFF  }
0x98: {  	s18 =	sld [smem:$0x3FDB];
	_ =	sdelay $0x1  }
0x99: {  	s19 =	simm.s32 $_scs_section_size  }
0x9a: {  	s4 =	simm.s32 $_size__tile_overlayer_lowered;
	s5 =	simm.s32 $_tile_overlayer_lowered  }
0x9b: {  	s22 =	simm.s32 $0x1BFF;
	s21 =	sshll.u32 s5, $0x1;
	s2 =	sadd.s32 s19, s18  }
0x9c: {  	s6 =	simm.s32 $0x0;
	s20 =	sshll.u32 s4, $0x1;
	s4 =	sadd.s32 s21, s2  }
0x9d: {  	[timem:s6], [sflag:s22] =	dma.local [hbm:s4], s20  }
0x9e: {  	_ =	swait.ge [sflag:s22], s20  }
0x9f: {  	s3 =	ssub.s32 $0x0, s20;
	[sflag:s22] =	ssyncset.done $0x0  }
0xa0: {  	[sflag:s22] =	ssyncadd.s32 s3;
	_ =	sdelay $0x1  }
0xa1: {  	s23 =	simm.s32 $0x1B8B  }
0xa2: {  	_ =	swait.ge [sflag:s23], $0x1  }
0xa3: {  	[sflag:s23] =	ssyncset.done $0x0  }
0xa4: {  	s25 =	simm.s32 $0x1B8E;
	s24 =	sld [smem:$0x3FFE];
	[sflag:s23] =	ssyncadd.s32 $0xFFFFFFFF  }
0xa5: {  	s26 =	simm.s32 $execute0_lowered;
	[smem:$0x3FD2] =	sst s25  }
0xa6: {  	s4 =	sshll.u32 s26, $0x1;
	_ =	strace $0x8000004C;
	[dreg:$0x1] =	wrdreg $0xFFFFFFFF  }
0xa7: {  	s28 =	simm.s32 $_size_execute0_lowered;
	s2 =	sadd.s32 s2, s4;
	[dreg:$0x0] =	wrdreg $0x0  }
0xa8: {  	s4 =	sshll.u32 s28, $0x1;
	[dreg:$0x2] =	wrdreg s2  }
0xa9: {  	[dreg:$0x3] =	wrdreg s4  }
0xaa: {  	[dreg:$0x4] =	wrdreg $0xC0  }
0xab: {  	_ =	task [dreg:s6], $0x5FFFF  }
0xac: {  	[dreg:$0x1] =	wrdreg $0xFFFFFFFF  }
0xad: {  	[dreg:$0x0] =	wrdreg $0x60  }
0xae: {  	[dreg:$0x2] =	wrdreg s24  }
0xaf: {  	[dreg:$0x3] =	wrdreg $0x0  }
0xb0: {  	[dreg:$0x4] =	wrdreg $0x9  }
0xb1: {  	_ =	task.clear_ibuf [dreg:s6], $0x5FFFF;
	_ =	strace $0x9000004C  }
0xb2: {  	s29 =	simm.s32 $0x9;
	_ =	strace $0x8000004E  }
0xb3: {  	_ =	swait.ge [sflag:s29], $0x1  }
0xb4: {  	[sflag:s29] =	ssyncadd.s32 $0xFFFFFFFF  }
0xb5: {  	_ =	strace $0x9000004E  }
0xb6: {  	_ =	sfence  }
0xb7: {  	s30 =	sld [smem:$0x0];
	_ =	sdelay $0x2  }
0xb8: {  	s31 =	sshll.u32 s1, $0xD;
	s1 =	sshrl.u32 s1, $0x2  }
0xb9: {  	s3 =	sand.u32 $0x4000, s31;
	s1 =	sadd.s32 s1, s30  }
0xba: {  	s0 =	sor.u32 s3, s0;
	s1 =	sshll.u32 s1, $0x11  }
0xbb: {  	s0 =	sor.u32 s1, s0  }
0xbc: {  	s0 =	sadd.s32 $0x8F2B, s0  }
0xbd: {  	[sflag:s0] =	ssyncadd.remote.s32 $0x1  }
0xbe: {  	_ =	sfence.sel $0xFFFF  }
0xbf: {  	[dreg:$0x0] =	wrdreg $0xFFFFFFFF;
	(pc) =	sbr.abs _section_cstart, $3  }
0xc0: {  	[dreg:$0x1] =	wrdreg $0xFFFFFFFF  }
0xc1: {  	_ =	task.clear_ibuf [dreg:s6], $0x2FFFF;
	_ =	strace $0x9FFFFFFF  }
0xc2: {  	(tm) =	ssettm $0x7FFFFFFF  }
0xc3: {  	_ =	shalt  }
tec
execute0_lowered:
.L_overlay_start_1:
0x0: {  	(tag) =	ssettag $0x1  }
0x1: {  	s6 =	rddreg [dreg:$0x0]  }
0x2: {  	s2 =	rddreg [dreg:$0x1]  }
0x3: {  	s0 =	rddreg [dreg:$0x2];
	s3 =	simm.s32 $0x0;
	s4 =	srdreg.scid  }
0x4: {  	s1 =	stileid.u32;
	s16 =	simm.s32 $0x15400;
	s17 =	simm.s32 $0x7D  }
0x5: {  	s18 =	simm.s32 $0x16800;
	s19 =	simm.s32 $0x1A800;
	s20 =	simm.s32 $0x1  }
0x6: {  	s21 =	simm.s32 $0x2;
	s22 =	simm.s32 $0x15380;
	s23 =	simm.s32 $0x16700  }
0x7: {  	s24 =	simm.s32 $0x16780;
	[smem:$0x7FF] =	sst s3;
	s7 =	sand.u32 $0x1, s4  }
0x8: {  	s8 =	smul.u32 $0x2800, s1;
	s4 =	sadd.s32 $0x22E00, s6;
	s10 =	sadd.s32 $0x18E00, s6  }
0x9: {  	s11 =	sadd.s32 $0xEE00, s6;
	s5 =	sadd.s32 $0x4A000, s6;
	s12 =	smul.u32 $0x50000, s1  }
0xa: {  	s9 =	smul.u32 $0x28000, s7;
	s25 =	sshll.u32 s7, $0x4;
	s7 =	ssub.s32 $0x2, s7  }
0xb: {  	s30 =	sshll.u32 s1, $0x6;
	_ =	strace $0x8000004D;
	s26 =	sshrl.u32 s7, $0x1  }
0xc: {  	s29 =	sshrl.u32 s12, $0x2;
	s8 =	sadd.s32 s8, s9;
	s9 =	sor.u32 s1, s25  }
0xd: {  	s14 =	ssub.s32 s7, s26;
	s15 =	sadd.s32 s29, s2;
	s28 =	smul.u32 $0x2800, s9  }
0xe: {  	s25 =	simm.s32 $0x0;
	s13 =	sadd.s32 s8, s6;
	s9 =	smul.u32 $0x500, s9  }
0xf: {  	s6 =	sor.u32 $0x1C03, s30;
	s12 =	smax.u32 s14, $0x1;
	s8 =	sshrl.u32 s28, $0x3  }
0x10: {  	s14 =	simm.s32 $0x3;
	s7 =	sadd.s32 s10, s9;
	s31 =	sadd.s32 $0x280, s8  }
0x11: {  	s8 =	sadd.s32 s11, s9;
	s9 =	sadd.s32 s10, s31;
	s10 =	sadd.s32 s11, s31  }
0x12: {  	s11 =	sadd.s32 $0x4C800, s13;
	s13 =	sshrl.u32 s15, $0x3;
	s15 =	simm.s32 $0x14000  }
.LBB2_1:
0x13: {  	[spmem:s13], [sflag:s6] =	dma.local [hbm:s5], $0x2800  }
0x14: {  	_ =	swait.ge [sflag:s14], $0x2800  }
0x15: {  	[sflag:s14] =	ssyncset.done $0x0  }
0x16: {  	[sflag:s14] =	ssyncadd.s32 $0xFFFFD800  }
0x17: {  	[bflag:$0x0] =	sbarrier.arrive $0xFFFF  }
0x18: {  	[tilespmem:s15], [sflag:$0x3] =	stream.linear.gather [hbm4b:s7+s3], $0x1400, $0x38;
	[tilespmem:$0x1E800] =	vst v63  }
0x19: {  	_ =	swait.ge [sflag:s14], $0x1400  }
0x1a: {  	[sflag:s14] =	ssyncset.done $0x0  }
0x1b: {  	[sflag:s14] =	ssyncadd.s32 $0xFFFFEC00  }
0x1c: {  	[tilespmem:s16], [sflag:$0x3] =	stream.linear.gather [hbm4b:s8+s3], $0x1400, $0x38;
	[tilespmem:$0x1E800] =	vst v63  }
0x1d: {  	_ =	swait.ge [sflag:s14], $0x1400  }
0x1e: {  	[sflag:s14] =	ssyncset.done $0x0  }
0x1f: {  	[sflag:s14] =	ssyncadd.s32 $0xFFFFEC00  }
0x20: {  	[tilespmem:s18], [sflag:$0x1] =	stream.indirect.gather [hbm4b:s4+s17], $0x80, s15, s17, $0xb8;
	[tilespmem:$0x1E800] =	vst v63  }
0x21: {  	s26 =	simm.s32 $0x14080  }
0x22: {  	[tilespmem:s19], [sflag:$0x2] =	stream.indirect.gather [hbm4b:s4+s17], $0x80, s26, s17, $0xb8;
	[tilespmem:$0x1E800] =	vst v63  }
0x23: {  	_ =	swait.ge [sflag:s20], $0x3E80  }
0x24: {  	[sflag:s20] =	ssyncset.done $0x0  }
0x25: {  	s29 =	simm.s32 $0x15400;
	[sflag:s20] =	ssyncadd.s32 $0xFFFFC180  }
0x26: {  	[spmem:s2] =	stream.indirect.scatter.add.f32 [tilespmem:s18], [sflag:$0x3], $0x80, s29, s17, $0xb8;
	[tilespmem:$0x1E800] =	vst v63  }
0x27: {  	_ =	swait.ge [sflag:s14], $0x3E80  }
0x28: {  	[sflag:s14] =	ssyncset.done $0x0  }
0x29: {  	s30 =	simm.s32 $0x14100;
	[sflag:s14] =	ssyncadd.s32 $0xFFFFC180  }
0x2a: {  	[tilespmem:s18], [sflag:$0x1] =	stream.indirect.gather [hbm4b:s4+s17], $0x80, s30, s17, $0xb8;
	[tilespmem:$0x1E800] =	vst v63  }
0x2b: {  	_ =	swait.ge [sflag:s21], $0x3E80  }
0x2c: {  	[sflag:s21] =	ssyncset.done $0x0  }
0x2d: {  	s31 =	simm.s32 $0x15480;
	[sflag:s21] =	ssyncadd.s32 $0xFFFFC180  }
0x2e: {  	[spmem:s2] =	stream.indirect.scatter.add.f32 [tilespmem:s19], [sflag:$0x3], $0x80, s31, s17, $0xb8;
	[tilespmem:$0x1E800] =	vst v63  }
0x2f: {  	_ =	swait.ge [sflag:s14], $0x3E80  }
0x30: {  	s28 =	simm.s32 $0x800;
	s26 =	simm.s32 $0x100;
	[sflag:s14] =	ssyncset.done $0x0  }
.LBB2_2:
0x31: {  	s29 =	sadd.s32 $0x14080, s26  }
0x32: {  	[sflag:s14] =	ssyncadd.s32 $0xFFFFC180;
	s30 =	smov.u32 s28;
	s31 =	sadd.s32 $0x400, s28  }
0x33: {  	[tilespmem:s19], [sflag:$0x2] =	stream.indirect.gather [hbm4b:s4+s17], $0x80, s29, s17, $0xb8;
	[tilespmem:$0x1E800] =	vst v63  }
0x34: {  	p0 =	sne.s32 s28, $0x4800;
	_ =	swait.ge [sflag:s20], $0x3E80  }
0x35: {  	[sflag:s20] =	ssyncset.done $0x0  }
0x36: {  	s28 =	sadd.s32 $0x15400, s26;
	[sflag:s20] =	ssyncadd.s32 $0xFFFFC180  }
0x37: {  	[spmem:s2] =	stream.indirect.scatter.add.f32 [tilespmem:s18], [sflag:$0x3], $0x80, s28, s17, $0xb8;
	[tilespmem:$0x1E800] =	vst v63  }
0x38: {  	_ =	swait.ge [sflag:s14], $0x3E80  }
0x39: {  	[sflag:s14] =	ssyncset.done $0x0  }
0x3a: {  	s28 =	sadd.s32 $0x14100, s26;
	[sflag:s14] =	ssyncadd.s32 $0xFFFFC180  }
0x3b: {  	[tilespmem:s18], [sflag:$0x1] =	stream.indirect.gather [hbm4b:s4+s17], $0x80, s28, s17, $0xb8;
	[tilespmem:$0x1E800] =	vst v63  }
0x3c: {  	_ =	swait.ge [sflag:s21], $0x3E80  }
.Ltmp0:
0x3d: {  	[sflag:s21] =	ssyncset.done $0x0;
	(pc) =	sbr.rel @p0 .LBB2_2-.Ltmp0, $4  }
0x3e: {  	s26 =	sadd.s32 $0x15480, s26;
	[sflag:s21] =	ssyncadd.s32 $0xFFFFC180  }
0x3f: {  	[spmem:s2] =	stream.indirect.scatter.add.f32 [tilespmem:s19], [sflag:$0x3], $0x80, s26, s17, $0xb8;
	[tilespmem:$0x1E800] =	vst v63  }
0x40: {  	_ =	swait.ge [sflag:s14], $0x3E80  }
0x41: {  	s28 =	smov.u32 s31;
	s26 =	sshra.s32 s30, $0x2;
	[sflag:s14] =	ssyncset.done $0x0  }
0x42: {  	s28 =	sadd.s32 $0x14080, s26;
	[sflag:s14] =	ssyncadd.s32 $0xFFFFC180  }
0x43: {  	[tilespmem:s19], [sflag:$0x2] =	stream.indirect.gather [hbm4b:s4+s17], $0x80, s28, s17, $0xb8;
	[tilespmem:$0x1E800] =	vst v63  }
0x44: {  	_ =	swait.ge [sflag:s20], $0x3E80  }
0x45: {  	[sflag:s20] =	ssyncset.done $0x0  }
0x46: {  	s28 =	sadd.s32 $0x15400, s26;
	[sflag:s20] =	ssyncadd.s32 $0xFFFFC180  }
0x47: {  	[spmem:s2] =	stream.indirect.scatter.add.f32 [tilespmem:s18], [sflag:$0x3], $0x80, s28, s17, $0xb8;
	[tilespmem:$0x1E800] =	vst v63  }
0x48: {  	_ =	swait.ge [sflag:s14], $0x3E80  }
0x49: {  	[sflag:s14] =	ssyncset.done $0x0  }
0x4a: {  	s28 =	sadd.s32 $0x14100, s26;
	[sflag:s14] =	ssyncadd.s32 $0xFFFFC180  }
0x4b: {  	[tilespmem:s18], [sflag:$0x1] =	stream.indirect.gather [hbm4b:s4+s17], $0x80, s28, s17, $0xb8;
	[tilespmem:$0x1E800] =	vst v63  }
0x4c: {  	_ =	swait.ge [sflag:s21], $0x3E80  }
0x4d: {  	[sflag:s21] =	ssyncset.done $0x0  }
0x4e: {  	s29 =	sadd.s32 $0x15480, s26;
	[sflag:s21] =	ssyncadd.s32 $0xFFFFC180  }
0x4f: {  	[spmem:s2] =	stream.indirect.scatter.add.f32 [tilespmem:s19], [sflag:$0x3], $0x80, s29, s17, $0xb8;
	[tilespmem:$0x1E800] =	vst v63  }
0x50: {  	_ =	swait.ge [sflag:s14], $0x3E80  }
0x51: {  	[sflag:s14] =	ssyncset.done $0x0  }
0x52: {  	[sflag:s14] =	ssyncadd.s32 $0xFFFFC180  }
0x53: {  	[tilespmem:s19], [sflag:$0x2] =	stream.indirect.gather [hbm4b:s4+s17], $0x80, s22, s17, $0xb8;
	[tilespmem:$0x1E800] =	vst v63  }
0x54: {  	_ =	swait.ge [sflag:s20], $0x3E80  }
0x55: {  	[sflag:s20] =	ssyncset.done $0x0  }
0x56: {  	[sflag:s20] =	ssyncadd.s32 $0xFFFFC180  }
0x57: {  	[spmem:s2] =	stream.indirect.scatter.add.f32 [tilespmem:s18], [sflag:$0x3], $0x80, s23, s17, $0xb8;
	[tilespmem:$0x1E800] =	vst v63  }
0x58: {  	_ =	swait.ge [sflag:s14], $0x3E80  }
0x59: {  	[sflag:s14] =	ssyncset.done $0x0  }
0x5a: {  	[sflag:s14] =	ssyncadd.s32 $0xFFFFC180  }
0x5b: {  	[tilespmem:s18], [sflag:$0x1] =	stream.indirect.gather [hbm4b:s4+s17], $0x80, s15, s17, $0xb8;
	[tilespmem:$0x1E800] =	vst v63  }
0x5c: {  	_ =	swait.ge [sflag:s21], $0x3E80  }
0x5d: {  	[sflag:s21] =	ssyncset.done $0x0  }
0x5e: {  	[sflag:s21] =	ssyncadd.s32 $0xFFFFC180  }
0x5f: {  	[spmem:s2] =	stream.indirect.scatter.add.f32 [tilespmem:s19], [sflag:$0x3], $0x80, s24, s17, $0xb8;
	[tilespmem:$0x1E800] =	vst v63  }
0x60: {  	_ =	swait.ge [sflag:s14], $0x3E80  }
0x61: {  	[sflag:s14] =	ssyncset.done $0x0  }
0x62: {  	[sflag:s14] =	ssyncadd.s32 $0xFFFFC180  }
0x63: {  	_ =	swait.ge [sflag:s20], $0x3E80  }
0x64: {  	[sflag:s20] =	ssyncset.done $0x0  }
0x65: {  	s30 =	simm.s32 $0x0;
	[sflag:s20] =	ssyncadd.s32 $0xFFFFC180  }
0x66: {  	[tilespmem:s15], [sflag:$0x3] =	stream.linear.gather [hbm4b:s9+s30], $0x1400, $0x38;
	[tilespmem:$0x1E800] =	vst v63  }
0x67: {  	_ =	swait.ge [sflag:s14], $0x1400  }
0x68: {  	[sflag:s14] =	ssyncset.done $0x0  }
0x69: {  	[sflag:s14] =	ssyncadd.s32 $0xFFFFEC00  }
0x6a: {  	[tilespmem:s16], [sflag:$0x3] =	stream.linear.gather [hbm4b:s10+s30], $0x1400, $0x38;
	[tilespmem:$0x1E800] =	vst v63  }
0x6b: {  	_ =	swait.ge [sflag:s14], $0x1400  }
0x6c: {  	[sflag:s14] =	ssyncset.done $0x0  }
0x6d: {  	[sflag:s14] =	ssyncadd.s32 $0xFFFFEC00  }
0x6e: {  	[tilespmem:s18], [sflag:$0x1] =	stream.indirect.gather [hbm4b:s4+s17], $0x80, s15, s17, $0xb8;
	[tilespmem:$0x1E800] =	vst v63  }
0x6f: {  	s31 =	simm.s32 $0x14080  }
0x70: {  	[tilespmem:s19], [sflag:$0x2] =	stream.indirect.gather [hbm4b:s4+s17], $0x80, s31, s17, $0xb8;
	[tilespmem:$0x1E800] =	vst v63  }
0x71: {  	_ =	swait.ge [sflag:s20], $0x3E80  }
0x72: {  	[sflag:s20] =	ssyncset.done $0x0  }
0x73: {  	s29 =	simm.s32 $0x15400;
	[sflag:s20] =	ssyncadd.s32 $0xFFFFC180  }
0x74: {  	[spmem:s2] =	stream.indirect.scatter.add.f32 [tilespmem:s18], [sflag:$0x3], $0x80, s29, s17, $0xb8;
	[tilespmem:$0x1E800] =	vst v63  }
0x75: {  	_ =	swait.ge [sflag:s14], $0x3E80  }
0x76: {  	[sflag:s14] =	ssyncset.done $0x0  }
0x77: {  	s30 =	simm.s32 $0x14100;
	[sflag:s14] =	ssyncadd.s32 $0xFFFFC180  }
0x78: {  	[tilespmem:s18], [sflag:$0x1] =	stream.indirect.gather [hbm4b:s4+s17], $0x80, s30, s17, $0xb8;
	[tilespmem:$0x1E800] =	vst v63  }
0x79: {  	_ =	swait.ge [sflag:s21], $0x3E80  }
0x7a: {  	[sflag:s21] =	ssyncset.done $0x0  }
0x7b: {  	s31 =	simm.s32 $0x15480;
	[sflag:s21] =	ssyncadd.s32 $0xFFFFC180  }
0x7c: {  	[spmem:s2] =	stream.indirect.scatter.add.f32 [tilespmem:s19], [sflag:$0x3], $0x80, s31, s17, $0xb8;
	[tilespmem:$0x1E800] =	vst v63  }
0x7d: {  	_ =	swait.ge [sflag:s14], $0x3E80  }
0x7e: {  	s26 =	simm.s32 $0x100;
	s28 =	simm.s32 $0x800;
	[sflag:s14] =	ssyncset.done $0x0  }
.LBB2_4:
0x7f: {  	s29 =	sadd.s32 $0x14080, s26  }
0x80: {  	[sflag:s14] =	ssyncadd.s32 $0xFFFFC180;
	s30 =	smov.u32 s28;
	s31 =	sadd.s32 $0x400, s28  }
0x81: {  	[tilespmem:s19], [sflag:$0x2] =	stream.indirect.gather [hbm4b:s4+s17], $0x80, s29, s17, $0xb8;
	[tilespmem:$0x1E800] =	vst v63  }
0x82: {  	p0 =	sne.s32 s28, $0x4800;
	_ =	swait.ge [sflag:s20], $0x3E80  }
0x83: {  	[sflag:s20] =	ssyncset.done $0x0  }
0x84: {  	s28 =	sadd.s32 $0x15400, s26;
	[sflag:s20] =	ssyncadd.s32 $0xFFFFC180  }
0x85: {  	[spmem:s2] =	stream.indirect.scatter.add.f32 [tilespmem:s18], [sflag:$0x3], $0x80, s28, s17, $0xb8;
	[tilespmem:$0x1E800] =	vst v63  }
0x86: {  	_ =	swait.ge [sflag:s14], $0x3E80  }
0x87: {  	[sflag:s14] =	ssyncset.done $0x0  }
0x88: {  	s28 =	sadd.s32 $0x14100, s26;
	[sflag:s14] =	ssyncadd.s32 $0xFFFFC180  }
0x89: {  	[tilespmem:s18], [sflag:$0x1] =	stream.indirect.gather [hbm4b:s4+s17], $0x80, s28, s17, $0xb8;
	[tilespmem:$0x1E800] =	vst v63  }
0x8a: {  	_ =	swait.ge [sflag:s21], $0x3E80  }
.Ltmp1:
0x8b: {  	[sflag:s21] =	ssyncset.done $0x0;
	(pc) =	sbr.rel @p0 .LBB2_4-.Ltmp1, $4  }
0x8c: {  	s26 =	sadd.s32 $0x15480, s26;
	[sflag:s21] =	ssyncadd.s32 $0xFFFFC180  }
0x8d: {  	[spmem:s2] =	stream.indirect.scatter.add.f32 [tilespmem:s19], [sflag:$0x3], $0x80, s26, s17, $0xb8;
	[tilespmem:$0x1E800] =	vst v63  }
0x8e: {  	_ =	swait.ge [sflag:s14], $0x3E80  }
0x8f: {  	s28 =	smov.u32 s31;
	s26 =	sshra.s32 s30, $0x2;
	[sflag:s14] =	ssyncset.done $0x0  }
0x90: {  	s28 =	sadd.s32 $0x14080, s26;
	[sflag:s14] =	ssyncadd.s32 $0xFFFFC180  }
0x91: {  	[tilespmem:s19], [sflag:$0x2] =	stream.indirect.gather [hbm4b:s4+s17], $0x80, s28, s17, $0xb8;
	[tilespmem:$0x1E800] =	vst v63  }
0x92: {  	_ =	swait.ge [sflag:s20], $0x3E80  }
0x93: {  	[sflag:s20] =	ssyncset.done $0x0  }
0x94: {  	s29 =	sadd.s32 $0x15400, s26;
	[sflag:s20] =	ssyncadd.s32 $0xFFFFC180  }
0x95: {  	[spmem:s2] =	stream.indirect.scatter.add.f32 [tilespmem:s18], [sflag:$0x3], $0x80, s29, s17, $0xb8;
	[tilespmem:$0x1E800] =	vst v63  }
0x96: {  	_ =	swait.ge [sflag:s14], $0x3E80  }
0x97: {  	[sflag:s14] =	ssyncset.done $0x0  }
0x98: {  	s30 =	sadd.s32 $0x14100, s26;
	[sflag:s14] =	ssyncadd.s32 $0xFFFFC180  }
0x99: {  	[tilespmem:s18], [sflag:$0x1] =	stream.indirect.gather [hbm4b:s4+s17], $0x80, s30, s17, $0xb8;
	[tilespmem:$0x1E800] =	vst v63  }
0x9a: {  	_ =	swait.ge [sflag:s21], $0x3E80  }
0x9b: {  	[sflag:s21] =	ssyncset.done $0x0  }
0x9c: {  	s31 =	sadd.s32 $0x15480, s26;
	[sflag:s21] =	ssyncadd.s32 $0xFFFFC180  }
0x9d: {  	[spmem:s2] =	stream.indirect.scatter.add.f32 [tilespmem:s19], [sflag:$0x3], $0x80, s31, s17, $0xb8;
	[tilespmem:$0x1E800] =	vst v63  }
0x9e: {  	_ =	swait.ge [sflag:s14], $0x3E80  }
0x9f: {  	[sflag:s14] =	ssyncset.done $0x0  }
0xa0: {  	[sflag:s14] =	ssyncadd.s32 $0xFFFFC180  }
0xa1: {  	[tilespmem:s19], [sflag:$0x2] =	stream.indirect.gather [hbm4b:s4+s17], $0x80, s22, s17, $0xb8;
	[tilespmem:$0x1E800] =	vst v63  }
0xa2: {  	_ =	swait.ge [sflag:s20], $0x3E80  }
0xa3: {  	[sflag:s20] =	ssyncset.done $0x0  }
0xa4: {  	[sflag:s20] =	ssyncadd.s32 $0xFFFFC180  }
0xa5: {  	[spmem:s2] =	stream.indirect.scatter.add.f32 [tilespmem:s18], [sflag:$0x3], $0x80, s23, s17, $0xb8;
	[tilespmem:$0x1E800] =	vst v63  }
0xa6: {  	_ =	swait.ge [sflag:s14], $0x3E80  }
0xa7: {  	[sflag:s14] =	ssyncset.done $0x0  }
0xa8: {  	[sflag:s14] =	ssyncadd.s32 $0xFFFFC180  }
0xa9: {  	[tilespmem:s18], [sflag:$0x1] =	stream.indirect.gather [hbm4b:s4+s17], $0x80, s15, s17, $0xb8;
	[tilespmem:$0x1E800] =	vst v63  }
0xaa: {  	_ =	swait.ge [sflag:s21], $0x3E80  }
0xab: {  	[sflag:s21] =	ssyncset.done $0x0  }
0xac: {  	[sflag:s21] =	ssyncadd.s32 $0xFFFFC180  }
0xad: {  	[spmem:s2] =	stream.indirect.scatter.add.f32 [tilespmem:s19], [sflag:$0x3], $0x80, s24, s17, $0xb8;
	[tilespmem:$0x1E800] =	vst v63  }
0xae: {  	_ =	swait.ge [sflag:s14], $0x3E80  }
0xaf: {  	[sflag:s14] =	ssyncset.done $0x0  }
0xb0: {  	[sflag:s14] =	ssyncadd.s32 $0xFFFFC180  }
0xb1: {  	_ =	swait.ge [sflag:s20], $0x3E80  }
0xb2: {  	s25 =	sadd.s32 $0x1, s25;
	[sflag:s20] =	ssyncset.done $0x0  }
0xb3: {  	p0 =	sne.s32 s25, s12;
	[sflag:s20] =	ssyncadd.s32 $0xFFFFC180  }
.Ltmp2:
0xb4: {  	[bflag:$0x0] =	sbarrier.arrive $0xFFFF;
	(pc) =	sbr.rel @p0 .LBB2_1-.Ltmp2, $4  }
0xb5: {  	[hbm:s11], [sflag:s6] =	dma.local [spmem:s13], $0x2800  }
0xb6: {  	_ =	swait.ge [sflag:s14], $0x2800  }
0xb7: {  	[sflag:s14] =	ssyncset.done $0x0  }
0xb8: {  	[sflag:s14] =	ssyncadd.s32 $0xFFFFD800  }
0xb9: {  	_ =	sfence.sel $0x180000  }
0xba: {  	[bflag:$0x0] =	sbarrier.arrive $0xFFFF  }
0xbb: {  	p0 =	sne.s32 s1, $0x0;
	_ =	strace $0x9000004D  }
0xbc: {  	s0 =	sadd.s32 @!p0 $0x100000, s0;
	[bflag:$0x2] =	sbarrier.arrive $0xFFFF  }
0xbd: {  	[sflag:s0] =	ssyncadd.tile.s32 @!p0 $0x1;
	_ =	shalt  }
.Lfunc_end2:
_tile_overlayer_lowered:
.L_overlay_start_2:
0xbe: {  	(tag) =	ssettag $0x2  }
0xbf: {  	s0 =	rddreg [dreg:$0x0];
	s2 =	stileid.u32  }
0xc0: {  	s1 =	rddreg [dreg:$0x1];
	p0 =	sne.s32 s2, $0x0  }
0xc1: {  	s3 =	rddreg [dreg:$0x2];
	[bflag:$0x3] =	sbarrier.arrive $0xFFFF;
	s2 =	simm.s32 @!p0 $0x1C03  }
0xc2: {  	[timem:s3], [sflag:s2] =	dma.local @!p0 [hbm:s0], s1  }
0xc3: {  	s0 =	simm.s32 @!p0 $0x3  }
0xc4: {  	_ =	swait.ge @!p0 [sflag:s0], s1  }
0xc5: {  	s1 =	ssub.s32 @!p0 $0x0, s1;
	[sflag:s0] =	ssyncset.done @!p0 $0x0  }
0xc6: {  	[sflag:s0] =	ssyncadd.s32 @!p0 s1  }
0xc7: {  	[bflag:$0x3] =	sbarrier.arrive $0xFFFF  }
0xc8: {  	_ =	shalt  }

// kernel: kernel.19.cloned.1.call-start
scs
__scs_entry_jumppad:
0x0: {  	(pc) =	sbr.rel $0x88, $3  }
0x1: {  	(tag) =	ssettag $0x0;
	lr =	simm.s32 $0x1  }
0x2: {  	[smem:$0x3F92] =	sst lr;
	_ =	strace $0xD0000000  }
0x3: {  	_ = 	snop  }
0x4: {  	_ = 	snop  }
0x5: {  	_ = 	snop  }
0x6: {  	_ = 	snop  }
0x7: {  	_ = 	snop  }
__scs_overlays_trampoline_lowered:
0x8: {  	[smem:$0x3FA1] =	sst s0  }
0x9: {  	[smem:$0x3FA2] =	sst s1  }
0xa: {  	[smem:$0x3FA3] =	sst s2  }
0xb: {  	[smem:$0x3FA4] =	sst s3  }
0xc: {  	[smem:$0x3FA5] =	sst s4  }
0xd: {  	[smem:$0x3FA6] =	sst s5  }
0xe: {  	[smem:$0x3FA7] =	sst s6  }
0xf: {  	[smem:$0x3FA8] =	sst s7  }
0x10: {  	[smem:$0x3FA9] =	sst s8  }
0x11: {  	[smem:$0x3FAA] =	sst s9;
	s0 =	simm.s32 @!p0 $0x0  }
0x12: {  	s1 =	sld [smem:$0x3F90];
	s0 =	simm.s32 @p0 $0x1  }
0x13: {  	[smem:$0x3FAB] =	sst s0;
	s0 =	simm.s32 @!p1 $0x0  }
0x14: {  	s2 =	sld [smem:$0x3F8F];
	s0 =	simm.s32 @p1 $0x1  }
0x15: {  	[smem:$0x3FAC] =	sst s0;
	s0 =	simm.s32 @!p2 $0x0  }
0x16: {  	s3 =	sld [smem:$0x3FDB];
	s0 =	simm.s32 @p2 $0x1  }
0x17: {  	s4 =	simm.s32 $0x1BF5;
	[smem:$0x3FAE] =	sst s0  }
0x18: {  	s0 =	sld [smem:$0x3F91];
	_ =	swait.ge [sflag:s4], $0x0  }
0x19: {  	s7 =	sld [smem:$0x3F92]  }
0x1a: {  	s8 =	sadd.s32 $0xFFFFE003, lr  }
0x1b: {  	s9 =	sadd.s32 $0xFFFFFEF7, lr;
	s5 =	simm.s32 $0xFFFFFFFF;
	p2 =	slt.u32 s8, $0xFFFFF086  }
0x1c: {  	p1 =	slt.u32 s9, $0xF7A;
	s5 =	simm.s32 @!p2 $0x0  }
0x1d: {  	s5 =	simm.s32 @p1 $0x1;
	p0 =	seq.s32 s7, s2  }
0x1e: {  	s7 =	smul.u32 @!p0 $0xF7A, s2;
	p2 =	seq.s32 @!p0 s5, $0x0  }
0x1f: {  	s9 =	smul.u32 $0xF7A, s1;
	s8 =	simm.s32 @!p0 $0x1BF5;
	p2 =	por !p2, p0  }
0x20: {  	[sflag:s8] =	ssyncset.s32 @!p0 $0xFFFFF086;
	s6 =	sadd.s32 @!p0 s3, s7;
	s7 =	simm.s32 @!p0 $0x108  }
0x21: {  	s3 =	sadd.s32 s3, s9;
	s6 =	sadd.s32 @!p0 $0x88, s6;
	s7 =	simm.s32 @p2 $0x1082  }
0x22: {  	[simem:s7], [sflag:s8] =	dma.local @!p0 [hbm:s6], $0xF7A  }
0x23: {  	s9 =	sor.u32 $0xD0000000, s2;
	s6 =	simm.s32 $0x108;
	_ =	swait.ge @!p0 [sflag:s8], $0x0  }
0x24: {  	s3 =	sadd.s32 $0x88, s3;
	s6 =	simm.s32 @!p1 $0x1082;
	[sflag:s4] =	ssyncset.s32 $0xFFFFF086  }
0x25: {  	[simem:s6], [sflag:s4] =	dma.local [hbm:s3], $0xF7A  }
0x26: {  	[smem:$0x3F92] =	sst s1;
	(tag) =	ssettag s2;
	_ =	strace s9  }
0x27: {  	s1 =	sld [smem:$0x3FA2]  }
0x28: {  	s2 =	sld [smem:$0x3FA3]  }
0x29: {  	s4 =	sld [smem:$0x3FA5]  }
0x2a: {  	p0 =	seq.s32 s5, $0x0;
	s5 =	sld [smem:$0x3FA6]  }
0x2b: {  	s6 =	sld [smem:$0x3FA7]  }
0x2c: {  	s7 =	sld [smem:$0x3FA8]  }
0x2d: {  	s3 =	simm.s32 $0x108;
	s8 =	sld [smem:$0x3FA9]  }
0x2e: {  	s3 =	simm.s32 @!p0 $0x1082;
	s9 =	sld [smem:$0x3FAA]  }
0x2f: {  	lr =	sadd.s32 s0, s3;
	s0 =	sld [smem:$0x3FA1]  }
0x30: {  	s3 =	sld [smem:$0x3FA4]  }
0x31: {  	[smem:$0x3FAD] =	sst s10  }
0x32: {  	s10 =	sld [smem:$0x3FAB];
	_ =	sdelay $0x3  }
0x33: {  	p0 =	seq.s32 s10, $0x1;
	s10 =	sld [smem:$0x3FAD];
	_ =	sdelay $0x3  }
0x34: {  	[smem:$0x3FAD] =	sst s10  }
0x35: {  	s10 =	sld [smem:$0x3FAC];
	_ =	sdelay $0x3  }
0x36: {  	p1 =	seq.s32 s10, $0x1;
	s10 =	sld [smem:$0x3FAD];
	_ =	sdelay $0x3  }
0x37: {  	[smem:$0x3FAD] =	sst s10  }
0x38: {  	s10 =	sld [smem:$0x3FAE]  }
0x39: {  	_ = 	snop;
	(pc) =	sbr.ind lr, $3  }
0x3a: {  	_ = 	snop  }
0x3b: {  	_ = 	snop  }
0x3c: {  	p2 =	seq.s32 s10, $0x1;
	s10 =	sld [smem:$0x3FAD]  }
0x3d: {  	_ =	shalt  }
0x3e: {  	_ =	shalt  }
0x3f: {  	_ =	shalt  }
0x40: {  	_ =	shalt  }
0x41: {  	_ =	shalt  }
0x42: {  	_ =	shalt  }
0x43: {  	_ =	shalt  }
0x44: {  	_ =	shalt  }
0x45: {  	_ =	shalt  }
0x46: {  	_ =	shalt  }
0x47: {  	_ =	shalt  }
0x48: {  	_ =	shalt  }
0x49: {  	_ =	shalt  }
0x4a: {  	_ =	shalt  }
0x4b: {  	_ =	shalt  }
0x4c: {  	_ =	shalt  }
0x4d: {  	_ =	shalt  }
0x4e: {  	_ =	shalt  }
0x4f: {  	_ =	shalt  }
0x50: {  	_ =	shalt  }
0x51: {  	_ =	shalt  }
0x52: {  	_ =	shalt  }
0x53: {  	_ =	shalt  }
0x54: {  	_ =	shalt  }
0x55: {  	_ =	shalt  }
0x56: {  	_ =	shalt  }
0x57: {  	_ =	shalt  }
0x58: {  	_ =	shalt  }
0x59: {  	_ =	shalt  }
0x5a: {  	_ =	shalt  }
0x5b: {  	_ =	shalt  }
0x5c: {  	_ =	shalt  }
0x5d: {  	_ =	shalt  }
0x5e: {  	_ =	shalt  }
0x5f: {  	_ =	shalt  }
0x60: {  	_ =	shalt  }
0x61: {  	_ =	shalt  }
0x62: {  	_ =	shalt  }
0x63: {  	_ =	shalt  }
0x64: {  	_ =	shalt  }
0x65: {  	_ =	shalt  }
0x66: {  	_ =	shalt  }
0x67: {  	_ =	shalt  }
0x68: {  	_ =	shalt  }
0x69: {  	_ =	shalt  }
0x6a: {  	_ =	shalt  }
0x6b: {  	_ =	shalt  }
0x6c: {  	_ =	shalt  }
0x6d: {  	_ =	shalt  }
0x6e: {  	_ =	shalt  }
0x6f: {  	_ =	shalt  }
0x70: {  	_ =	shalt  }
0x71: {  	_ =	shalt  }
0x72: {  	_ =	shalt  }
0x73: {  	_ =	shalt  }
0x74: {  	_ =	shalt  }
0x75: {  	_ =	shalt  }
0x76: {  	_ =	shalt  }
0x77: {  	_ =	shalt  }
0x78: {  	_ =	shalt  }
0x79: {  	_ =	shalt  }
0x7a: {  	_ =	shalt  }
0x7b: {  	_ =	shalt  }
0x7c: {  	_ =	shalt  }
0x7d: {  	_ =	shalt  }
0x7e: {  	_ =	shalt  }
0x7f: {  	_ =	shalt  }
0x80: {  	_ =	shalt  }
0x81: {  	_ =	shalt  }
0x82: {  	_ =	shalt  }
0x83: {  	_ =	shalt  }
0x84: {  	_ =	shalt  }
0x85: {  	_ =	shalt  }
0x86: {  	_ =	shalt  }
0x87: {  	_ =	shalt  }
.Lfunc_end0:
.L_simem_size_0:
called_computation.3_lowered:
.L_overlay_start_0:
0x88: {  	s2 =	sld [smem:$0x3FD9]  }
0x89: {  	s3 =	sld [smem:$0x3FFE];
	_ =	sdelay $0x1  }
0x8a: {  	s1 =	srdreg.scid  }
0x8b: {  	s0 =	sand.u32 $0x1, s1  }
0x8c: {  	s17 =	sshll.u32 s0, $0xA;
	s2 =	sadd.s32 s3, s2  }
0x8d: {  	s2 =	sadd.s32 s2, s17  }
0x8e: {  	[smem:$0x3FB9] =	sst s2  }
0x8f: {  	_ = 	snop  }
0x90: {  	s2 =	sld [smem:$0x3FD0];
	(tm) =	ssettm $0x1  }
0x91: {  	s18 =	sld [smem:$0x3FFB];
	_ =	sdelay $0x3  }
0x92: {  	_ =	strace s18  }
0x93: {  	s3 =	sld [smem:$0x3FFC];
	_ =	sdelay $0x3  }
0x94: {  	_ =	strace s3  }
0x95: {  	s3 =	sld [smem:$0x3FFD];
	_ =	sdelay $0x3  }
0x96: {  	_ =	strace s3  }
0x97: {  	_ =	strace $0x8FFFFFFF  }
0x98: {  	s19 =	sld [smem:$0x3FDB];
	_ =	sdelay $0x1  }
0x99: {  	s4 =	simm.s32 $_scs_section_size  }
0x9a: {  	s5 =	simm.s32 $_size__tile_overlayer_lowered;
	s6 =	simm.s32 $_tile_overlayer_lowered  }
0x9b: {  	s22 =	simm.s32 $0x1BFF;
	s21 =	sshll.u32 s6, $0x1;
	s3 =	sadd.s32 s4, s19  }
0x9c: {  	s7 =	simm.s32 $0x0;
	s20 =	sshll.u32 s5, $0x1;
	s5 =	sadd.s32 s21, s3  }
0x9d: {  	[timem:s7], [sflag:s22] =	dma.local [hbm:s5], s20  }
0x9e: {  	_ =	swait.ge [sflag:s22], s20  }
0x9f: {  	s4 =	ssub.s32 $0x0, s20;
	[sflag:s22] =	ssyncset.done $0x0  }
0xa0: {  	[sflag:s22] =	ssyncadd.s32 s4;
	_ =	sdelay $0x1  }
0xa1: {  	s23 =	simm.s32 $0x1B8B  }
0xa2: {  	_ =	swait.ge [sflag:s23], $0x1  }
0xa3: {  	[sflag:s23] =	ssyncset.done $0x0  }
0xa4: {  	s25 =	simm.s32 $0x1B8E;
	s24 =	sld [smem:$0x3FFE];
	[sflag:s23] =	ssyncadd.s32 $0xFFFFFFFF  }
0xa5: {  	s26 =	simm.s32 $execute0_lowered;
	[smem:$0x3FD2] =	sst s25  }
0xa6: {  	s5 =	sshll.u32 s26, $0x1;
	_ =	strace $0x8000004F;
	[dreg:$0x1] =	wrdreg $0xFFFFFFFF  }
0xa7: {  	s28 =	simm.s32 $_size_execute0_lowered;
	s3 =	sadd.s32 s3, s5;
	[dreg:$0x0] =	wrdreg $0x0  }
0xa8: {  	s5 =	sshll.u32 s28, $0x1;
	[dreg:$0x2] =	wrdreg s3  }
0xa9: {  	[dreg:$0x3] =	wrdreg s5  }
0xaa: {  	[dreg:$0x4] =	wrdreg $0xC0  }
0xab: {  	_ =	task [dreg:s7], $0x5FFFF  }
0xac: {  	[dreg:$0x1] =	wrdreg $0xFFFFFFFF  }
0xad: {  	[dreg:$0x0] =	wrdreg $0x60  }
0xae: {  	[dreg:$0x2] =	wrdreg s24  }
0xaf: {  	[dreg:$0x3] =	wrdreg s2  }
0xb0: {  	[dreg:$0x4] =	wrdreg $0x9  }
0xb1: {  	_ =	task.clear_ibuf [dreg:s7], $0x5FFFF;
	_ =	strace $0x9000004F  }
0xb2: {  	s29 =	simm.s32 $0x9;
	_ =	strace $0x80000051  }
0xb3: {  	_ =	swait.ge [sflag:s29], $0x1  }
0xb4: {  	[sflag:s29] =	ssyncadd.s32 $0xFFFFFFFF  }
0xb5: {  	_ =	strace $0x90000051  }
0xb6: {  	_ =	sfence  }
0xb7: {  	s30 =	sld [smem:$0x0];
	_ =	sdelay $0x2  }
0xb8: {  	s31 =	sshll.u32 s1, $0xD;
	s1 =	sshrl.u32 s1, $0x2  }
0xb9: {  	s3 =	sand.u32 $0x4000, s31;
	s1 =	sadd.s32 s1, s30  }
0xba: {  	s0 =	sor.u32 s3, s0;
	s1 =	sshll.u32 s1, $0x11  }
0xbb: {  	s0 =	sor.u32 s1, s0  }
0xbc: {  	s0 =	sadd.s32 $0x8F2B, s0  }
0xbd: {  	[sflag:s0] =	ssyncadd.remote.s32 $0x1  }
0xbe: {  	_ =	sfence.sel $0xFFFF  }
0xbf: {  	[dreg:$0x0] =	wrdreg $0xFFFFFFFF;
	(pc) =	sbr.abs _section_cstart, $3  }
0xc0: {  	[dreg:$0x1] =	wrdreg $0xFFFFFFFF  }
0xc1: {  	_ =	task.clear_ibuf [dreg:s7], $0x2FFFF;
	_ =	strace $0x9FFFFFFF  }
0xc2: {  	(tm) =	ssettm $0x7FFFFFFF  }
0xc3: {  	_ =	shalt  }
tec
execute0_lowered:
.L_overlay_start_1:
0x0: {  	(tag) =	ssettag $0x1  }
0x1: {  	s1 =	srdreg.scid  }
0x2: {  	s13 =	rddreg [dreg:$0x0];
	s0 =	stileid.u32;
	s17 =	sand.u32 $0x1, s1  }
0x3: {  	s15 =	rddreg [dreg:$0x1];
	s4 =	sshll.u32 s0, $0x8;
	s3 =	sshll.u32 s17, $0xC  }
0x4: {  	s2 =	simm.s32 $0x0;
	s1 =	rddreg [dreg:$0x2];
	s14 =	sor.u32 s4, s3  }
0x5: {  	[smem:$0x7FF] =	sst s2;
	s16 =	sadd.s32 $0x4000, s13;
	s5 =	sshrl.u32 s14, $0x3  }
0x6: {  	_ =	strace $0x80000050;
	s3 =	simm.s32 $0x3;
	s4 =	sadd.s32 s16, s5  }
0x7: {  	[tilespmem:s2], [sflag:$0x3] =	stream.linear.gather [hbm4b:s4+s2], $0x80, $0x38;
	[tilespmem:$0x8100] =	vst v63  }
0x8: {  	_ =	swait.ge [sflag:s3], $0x80  }
0x9: {  	[sflag:s3] =	ssyncset.done $0x0  }
0xa: {  	s6 =	simm.s32 $0x80;
	s5 =	sadd.s32 s15, s5;
	[sflag:s3] =	ssyncadd.s32 $0xFFFFFF80  }
0xb: {  	[tilespmem:s6], [sflag:$0x3] =	stream.linear.gather [hbm4b:s5+s2], $0x80, $0x38;
	[tilespmem:$0x8100] =	vst v63  }
0xc: {  	_ =	swait.ge [sflag:s3], $0x80  }
0xd: {  	[sflag:s3] =	ssyncset.done $0x0  }
0xe: {  	s8 =	simm.s32 $0x100;
	s7 =	sadd.s32 $0x4400, s13;
	[sflag:s3] =	ssyncadd.s32 $0xFFFFFF80  }
0xf: {  	[tilespmem:s8], [sflag:$0x1] =	stream.indirect.gather [hbm4b:s7+s6], $0x80, s2, s6, $0xb8;
	[tilespmem:$0x8100] =	vst v63  }
0x10: {  	s9 =	simm.s32 $0x4100;
	s10 =	simm.s32 $0x1  }
0x11: {  	[tilespmem:s9], [sflag:$0x2] =	stream.indirect.gather [hbm4b:s7+s6], $0x80, s6, s6, $0xb8;
	[tilespmem:$0x8100] =	vst v63  }
0x12: {  	_ =	swait.ge [sflag:s10], $0x4000  }
0x13: {  	s18 =	sadd.s32 $0x2B600, s13;
	s19 =	sshll.u32 s14, $0x4;
	[sflag:s10] =	ssyncset.done $0x0  }
0x14: {  	s11 =	sadd.s32 s18, s19;
	[sflag:s10] =	ssyncadd.s32 $0xFFFFC000  }
0x15: {  	[hbm4b:s11+s2] =	stream.linear.scatter [tilespmem:s8], [sflag:$0x3], $0x4000, $0x38;
	[tilespmem:$0x8100] =	vst v63  }
0x16: {  	_ =	swait.ge [sflag:s3], $0x4000  }
0x17: {  	[sflag:s3] =	ssyncset.done $0x0  }
0x18: {  	s12 =	simm.s32 $0x2;
	[sflag:s3] =	ssyncadd.s32 $0xFFFFC000  }
0x19: {  	_ =	swait.ge [sflag:s12], $0x4000  }
0x1a: {  	s20 =	sadd.s32 $0x4B600, s13;
	[sflag:s12] =	ssyncset.done $0x0  }
0x1b: {  	s13 =	sadd.s32 s20, s19;
	[sflag:s12] =	ssyncadd.s32 $0xFFFFC000  }
0x1c: {  	[hbm4b:s13+s2] =	stream.linear.scatter [tilespmem:s9], [sflag:$0x3], $0x4000, $0x38;
	[tilespmem:$0x8100] =	vst v63  }
0x1d: {  	s30 =	sor.u32 $0x80, s14;
	_ =	swait.ge [sflag:s3], $0x4000  }
0x1e: {  	s21 =	sshrl.u32 s30, $0x3;
	[sflag:s3] =	ssyncset.done $0x0  }
0x1f: {  	s14 =	sadd.s32 s16, s21;
	[sflag:s3] =	ssyncadd.s32 $0xFFFFC000  }
0x20: {  	[tilespmem:s2], [sflag:$0x3] =	stream.linear.gather [hbm4b:s14+s2], $0x80, $0x38;
	[tilespmem:$0x8100] =	vst v63  }
0x21: {  	_ =	swait.ge [sflag:s3], $0x80  }
0x22: {  	[sflag:s3] =	ssyncset.done $0x0  }
0x23: {  	s15 =	sadd.s32 s15, s21;
	[sflag:s3] =	ssyncadd.s32 $0xFFFFFF80  }
0x24: {  	[tilespmem:s6], [sflag:$0x3] =	stream.linear.gather [hbm4b:s15+s2], $0x80, $0x38;
	[tilespmem:$0x8100] =	vst v63  }
0x25: {  	_ =	swait.ge [sflag:s3], $0x80  }
0x26: {  	[sflag:s3] =	ssyncset.done $0x0  }
0x27: {  	[sflag:s3] =	ssyncadd.s32 $0xFFFFFF80  }
0x28: {  	[tilespmem:s8], [sflag:$0x1] =	stream.indirect.gather [hbm4b:s7+s6], $0x80, s2, s6, $0xb8;
	[tilespmem:$0x8100] =	vst v63  }
0x29: {  	_ = 	snop  }
0x2a: {  	[tilespmem:s9], [sflag:$0x2] =	stream.indirect.gather [hbm4b:s7+s6], $0x80, s6, s6, $0xb8;
	[tilespmem:$0x8100] =	vst v63  }
0x2b: {  	_ =	swait.ge [sflag:s10], $0x4000  }
0x2c: {  	s19 =	sshll.u32 s30, $0x4;
	[sflag:s10] =	ssyncset.done $0x0  }
0x2d: {  	s17 =	ssub.s32 $0x2, s17;
	s16 =	sadd.s32 s18, s19;
	[sflag:s10] =	ssyncadd.s32 $0xFFFFC000  }
0x2e: {  	[hbm4b:s16+s2] =	stream.linear.scatter [tilespmem:s8], [sflag:$0x3], $0x4000, $0x38;
	[tilespmem:$0x8100] =	vst v63  }
0x2f: {  	s31 =	sshrl.u32 s17, $0x1;
	_ =	swait.ge [sflag:s3], $0x4000  }
0x30: {  	s18 =	ssub.s32 s17, s31;
	[sflag:s3] =	ssyncset.done $0x0  }
0x31: {  	s18 =	smax.u32 s18, $0x1;
	[sflag:s3] =	ssyncadd.s32 $0xFFFFC000  }
0x32: {  	p0 =	sne.s32 s18, $0x1;
	_ =	swait.ge [sflag:s12], $0x4000  }
.Ltmp0:
0x33: {  	[sflag:s12] =	ssyncset.done $0x0;
	(pc) =	sbr.rel @!p0 .LBB2_2-.Ltmp0, $4  }
0x34: {  	s17 =	sadd.s32 s20, s19;
	[sflag:s12] =	ssyncadd.s32 $0xFFFFC000  }
0x35: {  	[hbm4b:s17+s2] =	stream.linear.scatter [tilespmem:s9], [sflag:$0x3], $0x4000, $0x38;
	[tilespmem:$0x8100] =	vst v63  }
0x36: {  	_ =	swait.ge [sflag:s3], $0x4000  }
0x37: {  	s18 =	sadd.s32 $0xFFFFFFFF, s18;
	[sflag:s3] =	ssyncset.done $0x0  }
.LBB2_1:
0x38: {  	p0 =	sne.s32 s18, $0x1;
	s18 =	sadd.s32 $0xFFFFFFFF, s18;
	[sflag:s3] =	ssyncadd.s32 $0xFFFFC000  }
0x39: {  	[tilespmem:s2], [sflag:$0x3] =	stream.linear.gather [hbm4b:s4+s2], $0x80, $0x38;
	[tilespmem:$0x8100] =	vst v63  }
0x3a: {  	_ =	swait.ge [sflag:s3], $0x80  }
0x3b: {  	[sflag:s3] =	ssyncset.done $0x0  }
0x3c: {  	[sflag:s3] =	ssyncadd.s32 $0xFFFFFF80  }
0x3d: {  	[tilespmem:s6], [sflag:$0x3] =	stream.linear.gather [hbm4b:s5+s2], $0x80, $0x38;
	[tilespmem:$0x8100] =	vst v63  }
0x3e: {  	_ =	swait.ge [sflag:s3], $0x80  }
0x3f: {  	[sflag:s3] =	ssyncset.done $0x0  }
0x40: {  	[sflag:s3] =	ssyncadd.s32 $0xFFFFFF80  }
0x41: {  	[tilespmem:s8], [sflag:$0x1] =	stream.indirect.gather [hbm4b:s7+s6], $0x80, s2, s6, $0xb8;
	[tilespmem:$0x8100] =	vst v63  }
0x42: {  	_ = 	snop  }
0x43: {  	[tilespmem:s9], [sflag:$0x2] =	stream.indirect.gather [hbm4b:s7+s6], $0x80, s6, s6, $0xb8;
	[tilespmem:$0x8100] =	vst v63  }
0x44: {  	_ =	swait.ge [sflag:s10], $0x4000  }
0x45: {  	[sflag:s10] =	ssyncset.done $0x0  }
0x46: {  	[sflag:s10] =	ssyncadd.s32 $0xFFFFC000  }
0x47: {  	[hbm4b:s11+s2] =	stream.linear.scatter [tilespmem:s8], [sflag:$0x3], $0x4000, $0x38;
	[tilespmem:$0x8100] =	vst v63  }
0x48: {  	_ =	swait.ge [sflag:s3], $0x4000  }
0x49: {  	[sflag:s3] =	ssyncset.done $0x0  }
0x4a: {  	[sflag:s3] =	ssyncadd.s32 $0xFFFFC000  }
0x4b: {  	_ =	swait.ge [sflag:s12], $0x4000  }
0x4c: {  	[sflag:s12] =	ssyncset.done $0x0  }
0x4d: {  	[sflag:s12] =	ssyncadd.s32 $0xFFFFC000  }
0x4e: {  	[hbm4b:s13+s2] =	stream.linear.scatter [tilespmem:s9], [sflag:$0x3], $0x4000, $0x38;
	[tilespmem:$0x8100] =	vst v63  }
0x4f: {  	_ =	swait.ge [sflag:s3], $0x4000  }
0x50: {  	[sflag:s3] =	ssyncset.done $0x0  }
0x51: {  	[sflag:s3] =	ssyncadd.s32 $0xFFFFC000  }
0x52: {  	[tilespmem:s2], [sflag:$0x3] =	stream.linear.gather [hbm4b:s14+s2], $0x80, $0x38;
	[tilespmem:$0x8100] =	vst v63  }
0x53: {  	_ =	swait.ge [sflag:s3], $0x80  }
0x54: {  	[sflag:s3] =	ssyncset.done $0x0  }
0x55: {  	[sflag:s3] =	ssyncadd.s32 $0xFFFFFF80  }
0x56: {  	[tilespmem:s6], [sflag:$0x3] =	stream.linear.gather [hbm4b:s15+s2], $0x80, $0x38;
	[tilespmem:$0x8100] =	vst v63  }
0x57: {  	_ =	swait.ge [sflag:s3], $0x80  }
0x58: {  	[sflag:s3] =	ssyncset.done $0x0  }
0x59: {  	[sflag:s3] =	ssyncadd.s32 $0xFFFFFF80  }
0x5a: {  	[tilespmem:s8], [sflag:$0x1] =	stream.indirect.gather [hbm4b:s7+s6], $0x80, s2, s6, $0xb8;
	[tilespmem:$0x8100] =	vst v63  }
0x5b: {  	_ = 	snop  }
0x5c: {  	[tilespmem:s9], [sflag:$0x2] =	stream.indirect.gather [hbm4b:s7+s6], $0x80, s6, s6, $0xb8;
	[tilespmem:$0x8100] =	vst v63  }
0x5d: {  	_ =	swait.ge [sflag:s10], $0x4000  }
0x5e: {  	[sflag:s10] =	ssyncset.done $0x0  }
0x5f: {  	[sflag:s10] =	ssyncadd.s32 $0xFFFFC000  }
0x60: {  	[hbm4b:s16+s2] =	stream.linear.scatter [tilespmem:s8], [sflag:$0x3], $0x4000, $0x38;
	[tilespmem:$0x8100] =	vst v63  }
0x61: {  	_ =	swait.ge [sflag:s3], $0x4000  }
0x62: {  	[sflag:s3] =	ssyncset.done $0x0  }
0x63: {  	[sflag:s3] =	ssyncadd.s32 $0xFFFFC000  }
0x64: {  	_ =	swait.ge [sflag:s12], $0x4000  }
.Ltmp1:
0x65: {  	[sflag:s12] =	ssyncset.done $0x0;
	(pc) =	sbr.rel @p0 .LBB2_1-.Ltmp1, $4  }
0x66: {  	[sflag:s12] =	ssyncadd.s32 $0xFFFFC000  }
0x67: {  	[hbm4b:s17+s2] =	stream.linear.scatter [tilespmem:s9], [sflag:$0x3], $0x4000, $0x38;
	[tilespmem:$0x8100] =	vst v63  }
0x68: {  	_ =	swait.ge [sflag:s3], $0x4000  }
0x69: {  	[sflag:s3] =	ssyncset.done $0x0  }
.LBB2_2:
0x6a: {  	[sflag:s3] =	ssyncadd.s32 $0xFFFFC000  }
0x6b: {  	_ =	sfence.sel $0x180000  }
0x6c: {  	[bflag:$0x0] =	sbarrier.arrive $0xFFFF  }
0x6d: {  	p0 =	sne.s32 s0, $0x0;
	_ =	strace $0x90000050  }
0x6e: {  	s0 =	sadd.s32 @!p0 $0x100000, s1;
	[bflag:$0x2] =	sbarrier.arrive $0xFFFF  }
0x6f: {  	[sflag:s0] =	ssyncadd.tile.s32 @!p0 $0x1;
	_ =	shalt  }
.Lfunc_end2:
_tile_overlayer_lowered:
.L_overlay_start_2:
0x70: {  	(tag) =	ssettag $0x2  }
0x71: {  	s0 =	rddreg [dreg:$0x0];
	s2 =	stileid.u32  }
0x72: {  	s1 =	rddreg [dreg:$0x1];
	p0 =	sne.s32 s2, $0x0  }
0x73: {  	s3 =	rddreg [dreg:$0x2];
	[bflag:$0x3] =	sbarrier.arrive $0xFFFF;
	s2 =	simm.s32 @!p0 $0x1C03  }
0x74: {  	[timem:s3], [sflag:s2] =	dma.local @!p0 [hbm:s0], s1  }
0x75: {  	s0 =	simm.s32 @!p0 $0x3  }
0x76: {  	_ =	swait.ge @!p0 [sflag:s0], s1  }
0x77: {  	s1 =	ssub.s32 @!p0 $0x0, s1;
	[sflag:s0] =	ssyncset.done @!p0 $0x0  }
0x78: {  	[sflag:s0] =	ssyncadd.s32 @!p0 s1  }
0x79: {  	[bflag:$0x3] =	sbarrier.arrive $0xFFFF  }
0x7a: {  	_ =	shalt  }

</sc_bundles>
